<compile_context>
chip_gen: v7x
topology: tpu7x:2x2x1
jax: 0.10.2.dev20260603
libtpu: 0.0.44.dev20260713+nightly
codegen_flags: <defaults>
</compile_context>

<pallas_src>
import jax
import jax.numpy as jnp
from jax.experimental import pallas as pl
from jax.experimental.pallas import tpu as pltpu

_THRESHOLD = 0.35
_NEGPOS_RATIO = 7
_P = 16800
_ROWS = 136
_LANES = 128
_PPAD = _ROWS * _LANES
_G = 16
_K = 1024
_NQ = _PPAD // _K


def _tr_kernel(loc_ref, conf_ref, landm_ref, eye_ref, out_ref):
    f32 = jnp.float32
    eye = eye_ref[...]
    xcat = jnp.concatenate(
        [loc_ref[0], conf_ref[0], landm_ref[0]], axis=1)
    base = pl.program_id(1) * _K
    row = jax.lax.broadcasted_iota(jnp.int32, (_K, 16), 0)
    xcat = jnp.where(base + row < _P, xcat, 0.0)
    pieces = []
    for t in range(_K // _LANES):
        xt = xcat[t * _LANES:(t + 1) * _LANES, :]
        yt = jax.lax.dot_general(xt, eye, (((0,), (0,)), ((), ())),
                                 preferred_element_type=f32)
        pieces.append(yt)
    out_ref[0] = jnp.concatenate(pieces, axis=1)


def _mbl_kernel(data_ref, pa_ref, tgt_ref, out_ref):
    b = pl.program_id(0)

    @pl.when(b == 0)
    def _init():
        out_ref[0] = 0.0
        out_ref[1] = 0.0
        out_ref[2] = 0.0
        out_ref[3] = 0.0

    f32 = jnp.float32
    shp = (_ROWS, _LANES)

    px1 = pa_ref[0]
    py1 = pa_ref[1]
    px2 = pa_ref[2]
    py2 = pa_ref[3]
    area_p = pa_ref[4]

    iota_p = (jax.lax.broadcasted_iota(jnp.int32, shp, 0) * _LANES
              + jax.lax.broadcasted_iota(jnp.int32, shp, 1))

    def ts(j, c):
        return tgt_ref[0, 0, j * 15 + c]

    bto = jnp.zeros(shp, f32)
    bti = jnp.zeros(shp, jnp.int32)
    bpi_list = []
    w_list = []
    n_valid = 0.0
    for j in range(_G):
        tx1 = ts(j, 0)
        ty1 = ts(j, 1)
        tx2 = ts(j, 2)
        ty2 = ts(j, 3)
        area_t = (tx2 - tx1) * (ty2 - ty1)
        ix = jnp.maximum(jnp.minimum(px2, tx2) - jnp.maximum(px1, tx1), 0.0)
        iy = jnp.maximum(jnp.minimum(py2, ty2) - jnp.maximum(py1, ty1), 0.0)
        inter = ix * iy
        ov = inter / ((area_p + area_t) - inter)
        bpo = jnp.max(ov)
        bpi = jnp.min(jnp.where(ov == bpo, iota_p, jnp.int32(2**30)))
        bpi_list.append(bpi)
        valid = bpo >= 0.2
        w_list.append(jnp.where(valid, 2.0, -1.0))
        n_valid = n_valid + jnp.where(valid, 1.0, 0.0)
        if j == 0:
            bto = ov
        else:
            upd = ov > bto
            bto = jnp.where(upd, ov, bto)
            bti = jnp.where(upd, j, bti)
    has_valid = n_valid > 0.0

    for j in range(_G):
        eq = iota_p == bpi_list[j]
        bto = jnp.where(eq, jnp.maximum(bto, w_list[j]), bto)
        bti = jnp.where(eq, j, bti)

    pos_b = jnp.logical_and(bto >= _THRESHOLD, has_valid)
    pos_f = jnp.where(pos_b, 1.0, 0.0)

    pcx = pa_ref[5]
    pcy = pa_ref[6]
    ivw = pa_ref[7]
    ivh = pa_ref[8]
    ipw = pa_ref[9]
    iph = pa_ref[10]

    def _sl1(d):
        ad = jnp.abs(d)
        return jnp.where(ad < 1.0, 0.5 * d * d, ad - 0.5)

    def gather(cs):
        accs = None
        for j in range(_G):
            eqf = jnp.where(bti == j, 1.0, 0.0)
            if accs is None:
                accs = [eqf * ts(j, c) for c in cs]
            else:
                accs = [a + eqf * ts(j, c) for a, c in zip(accs, cs)]
        return accs

    m = gather([0, 1, 2, 3])
    g_cx = ((m[0] + m[2]) * 0.5 - pcx) * ivw
    g_cy = ((m[1] + m[3]) * 0.5 - pcy) * ivh
    g_w = jnp.log(jnp.maximum((m[2] - m[0]) * ipw, 1e-12)) * 5.0
    g_h = jnp.log(jnp.maximum((m[3] - m[1]) * iph, 1e-12)) * 5.0
    l_acc = (_sl1(data_ref[0, 0] - g_cx) + _sl1(data_ref[0, 1] - g_cy)
             + _sl1(data_ref[0, 2] - g_w) + _sl1(data_ref[0, 3] - g_h))
    lsum_l = jnp.sum(jnp.where(pos_b, l_acc, 0.0))

    lm_acc = None
    for half in (0, 1):
        cs = list(range(4 + 5 * half, 9 + 5 * half))
        m = gather(cs)
        for i, c in enumerate(cs):
            lc = c - 4
            pc = pcx if lc % 2 == 0 else pcy
            piv = ivw if lc % 2 == 0 else ivh
            g = (m[i] - pc) * piv
            t = _sl1(data_ref[0, 6 + lc] - g)
            lm_acc = t if lm_acc is None else lm_acc + t
    lsum_landm = jnp.sum(jnp.where(pos_b, lm_acc, 0.0))

    x0 = data_ref[0, 4]
    x1 = data_ref[0, 5]
    d = x1 - x0
    soft = jnp.log1p(jnp.exp(-jnp.abs(d)))
    ce = jnp.maximum(jnp.where(pos_b, -d, d), 0.0) + soft

    num_pos_f = jnp.sum(pos_f)
    num_pos_i = num_pos_f.astype(jnp.int32)
    k = jnp.minimum(_NEGPOS_RATIO * num_pos_i, jnp.int32(_P - 1))

    rank = jnp.where(iota_p < _P, jnp.where(pos_b, 0.0, ce), -1.0)
    rbits = jax.lax.bitcast_convert_type(rank, jnp.int32)

    def _bs(_, carry):
        lo, hi = carry
        mid = lo + (hi - lo) // 2
        cnt = jnp.sum(jnp.where(rbits >= mid, 1, 0))
        big = cnt >= k
        return (jnp.where(big, mid, lo), jnp.where(big, hi, mid))

    lo, _ = jax.lax.fori_loop(0, 31, _bs,
                              (jnp.int32(0), jnp.int32(0x7F800000)))
    gt_mask = rbits > lo
    cnt_gt = jnp.sum(jnp.where(gt_mask, 1, 0))
    sum_gt = jnp.sum(jnp.where(gt_mask, rank, 0.0))
    vk = jnp.max(jnp.where(rbits == lo, rank, -1.0))
    sum_top = sum_gt + (k - cnt_gt).astype(f32) * vk
    sum_top = jnp.where(num_pos_i > 0, sum_top, 0.0)

    lsum_c = jnp.sum(jnp.where(pos_b, ce, 0.0)) + sum_top

    out_ref[0] = out_ref[0] + lsum_l
    out_ref[1] = out_ref[1] + lsum_c
    out_ref[2] = out_ref[2] + lsum_landm
    out_ref[3] = out_ref[3] + num_pos_f


@jax.jit
def kernel(loc_data, conf_data, landm_data, priors, targets):
    B = loc_data.shape[0]
    pad = _PPAD - _P

    data = pl.pallas_call(
        _tr_kernel,
        grid=(B, _NQ),
        in_specs=[
            pl.BlockSpec((1, _K, 4), lambda b, q: (b, q, 0)),
            pl.BlockSpec((1, _K, 2), lambda b, q: (b, q, 0)),
            pl.BlockSpec((1, _K, 10), lambda b, q: (b, q, 0)),
            pl.BlockSpec((_LANES, _LANES), lambda b, q: (0, 0)),
        ],
        out_specs=pl.BlockSpec((1, 16, _K), lambda b, q: (b, 0, q)),
        out_shape=jax.ShapeDtypeStruct((B, 16, _PPAD), jnp.float32),
        compiler_params=pltpu.CompilerParams(
            dimension_semantics=("arbitrary", "arbitrary")),
    )(loc_data, conf_data, landm_data, jnp.eye(_LANES, dtype=jnp.float32))
    data = data.reshape(B, 16, _ROWS, _LANES)

    pcx, pcy, pw, ph = priors[:, 0], priors[:, 1], priors[:, 2], priors[:, 3]
    px1 = pcx - pw * 0.5
    py1 = pcy - ph * 0.5
    px2 = pcx + pw * 0.5
    py2 = pcy + ph * 0.5
    ones = jnp.ones((pad,), jnp.float32)
    pa = jnp.stack([px1, py1, px2, py2, (px2 - px1) * (py2 - py1),
                    pcx, pcy, 10.0 / pw, 10.0 / ph, 1.0 / pw, 1.0 / ph])
    pad_col = jnp.stack([0 * ones, 0 * ones, 0 * ones, 0 * ones, 0 * ones,
                         0 * ones, 0 * ones, 10 * ones, 10 * ones,
                         ones, ones])
    pa = jnp.concatenate([pa, pad_col], axis=1).reshape(11, _ROWS, _LANES)

    tflat = targets.reshape(B, 1, _G * 15)

    sums = pl.pallas_call(
        _mbl_kernel,
        grid=(B,),
        in_specs=[
            pl.BlockSpec((1, 16, _ROWS, _LANES), lambda b: (b, 0, 0, 0)),
            pl.BlockSpec((11, _ROWS, _LANES), lambda b: (0, 0, 0)),
            pl.BlockSpec((1, 1, _G * 15), lambda b: (b, 0, 0),
                         memory_space=pltpu.SMEM),
        ],
        out_specs=pl.BlockSpec(memory_space=pltpu.SMEM),
        out_shape=jax.ShapeDtypeStruct((4,), jnp.float32),
        compiler_params=pltpu.CompilerParams(
            dimension_semantics=("arbitrary",)),
    )(data, pa, tflat)

    n = jnp.maximum(sums[3], 1.0)
    return sums[0] / n, sums[1] / n, sums[2] / n

# --- scband reference (transcript-rebuilt; emitter-appended) ---
"""Pipeline reference for scband-multi-box-loss-47425028882766 (READ-ONLY COPY).

The authoritative reference and input builder live on the scoring server;
editing this copy changes nothing except your own understanding.
"""

import jax, jax.numpy as jnp
import numpy as np

NUM_CLASSES = 2
THRESHOLD = 0.35
NEGPOS_RATIO = 7
VAR0 = 0.1
VAR1 = 0.2
B = 32
NUM_OBJS = 16


def _make_priors():
    image_size = 640
    steps = [8, 16, 32]
    min_sizes_list = [[16, 32], [64, 128], [256, 512]]
    anchors = []
    for step, min_sizes in zip(steps, min_sizes_list):
        f = int(np.ceil(image_size / step))
        for i in range(f):
            for j in range(f):
                for ms in min_sizes:
                    s = ms / image_size
                    cx = (j + 0.5) * step / image_size
                    cy = (i + 0.5) * step / image_size
                    anchors.append([cx, cy, s, s])
    return jnp.asarray(np.array(anchors, dtype=np.float32))


def setup_inputs(seed: int = 0):
    key = jax.random.key(seed)
    k1, k2, k3, k4, k5, k6 = jax.random.split(key, 6)
    priors = _make_priors()
    P = priors.shape[0]
    loc_data = jax.random.normal(k1, (B, P, 4), dtype=jnp.float32) * 0.1
    conf_data = jax.random.normal(k2, (B, P, NUM_CLASSES), dtype=jnp.float32)
    landm_data = jax.random.normal(k3, (B, P, 10), dtype=jnp.float32) * 0.1
    cxcy = jax.random.uniform(k4, (B, NUM_OBJS, 2), minval=0.2, maxval=0.8)
    wh = jax.random.uniform(k5, (B, NUM_OBJS, 2), minval=0.05, maxval=0.3)
    x1y1 = jnp.clip(cxcy - wh / 2, 0.0, 1.0)
    x2y2 = jnp.clip(cxcy + wh / 2, 0.0, 1.0)
    landms = jax.random.uniform(k6, (B, NUM_OBJS, 10), minval=0.0, maxval=1.0)
    labels = jnp.ones((B, NUM_OBJS, 1), dtype=jnp.float32)
    targets = jnp.concatenate([x1y1, x2y2, landms, labels], axis=2)
    return {"loc_data": loc_data, "conf_data": conf_data, "landm_data": landm_data, "priors": priors, "targets": targets}


def point_form(pr):
    return jnp.concatenate([pr[:, :2] - pr[:, 2:] / 2, pr[:, :2] + pr[:, 2:] / 2], axis=1)


def intersect(a, b):
    max_xy = jnp.minimum(a[:, None, 2:], b[None, :, 2:])
    min_xy = jnp.maximum(a[:, None, :2], b[None, :, :2])
    inter = jnp.maximum(max_xy - min_xy, 0.0)
    return inter[..., 0] * inter[..., 1]


def jaccard(a, b):
    inter = intersect(a, b)
    area_a = ((a[:, 2] - a[:, 0]) * (a[:, 3] - a[:, 1]))[:, None]
    area_b = ((b[:, 2] - b[:, 0]) * (b[:, 3] - b[:, 1]))[None, :]
    return inter / (area_a + area_b - inter)


def encode(matched, priors):
    g_cxcy = (matched[:, :2] + matched[:, 2:]) / 2 - priors[:, :2]
    g_cxcy = g_cxcy / (VAR0 * priors[:, 2:])
    g_wh = (matched[:, 2:] - matched[:, :2]) / priors[:, 2:]
    g_wh = jnp.log(jnp.maximum(g_wh, 1e-12)) / VAR1
    return jnp.concatenate([g_cxcy, g_wh], axis=1)


def encode_landm(matched, priors):
    m = matched.reshape(-1, 5, 2)
    g = (m - priors[:, None, :2]) / (VAR0 * priors[:, None, 2:])
    return g.reshape(m.shape[0], 10)


def match_one(truths, labels, landms, priors):
    overlaps = jaccard(truths, point_form(priors))
    best_prior_overlap = overlaps.max(axis=1)
    best_prior_idx = overlaps.argmax(axis=1)
    valid_gt = best_prior_overlap >= 0.2
    best_truth_overlap = overlaps.max(axis=0)
    best_truth_idx = overlaps.argmax(axis=0)
    best_truth_overlap = best_truth_overlap.at[best_prior_idx].max(jnp.where(valid_gt, 2.0, -1.0))
    G = truths.shape[0]
    for j in range(G):
        best_truth_idx = best_truth_idx.at[best_prior_idx[j]].set(j)
    matches = truths[best_truth_idx]
    conf = labels[best_truth_idx].astype(jnp.int32)
    conf = jnp.where(best_truth_overlap < THRESHOLD, 0, conf)
    loc = encode(matches, priors)
    landm = encode_landm(landms[best_truth_idx], priors)
    has_valid = jnp.any(valid_gt)
    conf = jnp.where(has_valid, conf, 0)
    loc = jnp.where(has_valid, loc, 0.0)
    landm = jnp.where(has_valid, landm, 0.0)
    matches = jnp.where(has_valid, matches, 0.0)
    return loc, conf, landm, matches


def smooth_l1(d):
    ad = jnp.abs(d)
    return jnp.where(ad < 1.0, 0.5 * d * d, ad - 0.5)


def log_sum_exp(x):
    x_max = jax.lax.stop_gradient(jnp.max(x))
    return jnp.log(jnp.sum(jnp.exp(x - x_max), axis=1, keepdims=True)) + x_max


def multibox_forward(loc_data, conf_data, landm_data, priors, targets):
    num = loc_data.shape[0]
    num_priors = priors.shape[0]
    truths = targets[:, :, :4]
    landms_gt = targets[:, :, 4:14]
    labels = targets[:, :, 14]
    loc_t, conf_t, landm_t, bbox_t = jax.vmap(match_one, in_axes=(0, 0, 0, None))(truths, labels, landms_gt, priors)
    # landmark loss over positives (masked-sum == boolean-select + sum)
    pos1 = conf_t > 0
    num_pos_landm = pos1.astype(jnp.int32).sum(axis=1, keepdims=True)
    N1 = jnp.maximum(num_pos_landm.sum().astype(jnp.float32), 1.0)
    loss_landm = jnp.sum(smooth_l1(landm_data - landm_t) * pos1[..., None].astype(jnp.float32))
    # localization loss over positives
    pos = conf_t != 0
    num_pos = pos.astype(jnp.int32).sum(axis=1, keepdims=True)
    loss_l = jnp.sum(smooth_l1(loc_data - loc_t) * pos[..., None].astype(jnp.float32))
    # hard negative mining on classification loss
    batch_conf = conf_data.reshape(-1, NUM_CLASSES)
    ce_all = (log_sum_exp(batch_conf) - jnp.take_along_axis(batch_conf, conf_t.reshape(-1, 1), axis=1)).reshape(num, num_priors)
    loss_c_rank = jnp.where(pos, 0.0, ce_all)
    loss_idx = jnp.argsort(-loss_c_rank, axis=1)
    idx_rank = jnp.argsort(loss_idx, axis=1)
    num_neg = jnp.minimum(NEGPOS_RATIO * num_pos, num_priors - 1)
    neg = idx_rank < num_neg
    sel = jnp.logical_or(pos, neg).astype(jnp.float32)
    loss_c = jnp.sum(ce_all * sel)
    N = jnp.maximum(num_pos.sum().astype(jnp.float32), 1.0)
    return loss_l / N, loss_c / N, loss_landm / N1


def reference(loc_data, conf_data, landm_data, priors, targets):
    return multibox_forward(loc_data, conf_data, landm_data, priors, targets)

if __name__ == "__main__":
    import jax
    _d = setup_inputs()
    print(jax.jit(kernel)(*tuple(_d.values())))

</pallas_src>

<mosaic_0001>
module attributes {stable_mosaic.version = 14 : i64} {
  func.func @_tr_kernel(%arg0: i32, %arg1: i32, %arg2: memref<1x1024x4xf32, #tpu.memory_space<vmem>>, %arg3: memref<1x1024x2xf32, #tpu.memory_space<vmem>>, %arg4: memref<1x1024x10xf32, #tpu.memory_space<vmem>>, %arg5: memref<128x128xf32, #tpu.memory_space<vmem>>, %arg6: memref<1x16x1024xf32, #tpu.memory_space<vmem>>) attributes {dimension_semantics = [#tpu.dimension_semantics<arbitrary>, #tpu.dimension_semantics<arbitrary>], iteration_bounds = array<i64: 32, 17>, scalar_prefetch = 0 : i64, scratch_operands = 0 : i64, tpu.core_type = #tpu.core_type<tc>, window_params = [{transform_indices = @transform_0, window_bounds = array<i64: 1, 1024, 4>}, {transform_indices = @transform_1, window_bounds = array<i64: 1, 1024, 2>}, {transform_indices = @transform_2, window_bounds = array<i64: 1, 1024, 10>}, {pipeline_mode = #tpu.pipeline_mode<synchronous>, transform_indices = @transform_3, window_bounds = array<i64: 128, 128>}, {transform_indices = @transform_4, window_bounds = array<i64: 1, 16, 1024>}]} {
    %get3A = arith.constant 0 : index
    %get3A_0 = arith.constant 0 : index
    %get3A_1 = vector.load %arg5[%get3A, %get3A_0] : memref<128x128xf32, #tpu.memory_space<vmem>>, vector<128x128xf32>
    %get3A_2 = arith.constant 0 : index
    %get3A_3 = arith.constant 0 : index
    %get3A_4 = arith.constant 0 : index
    %get3A_5 = vector.load %arg2[%get3A_2, %get3A_3, %get3A_4] : memref<1x1024x4xf32, #tpu.memory_space<vmem>>, vector<1x1024x4xf32>
    %get3A_6 = vector.shape_cast %get3A_5 : vector<1x1024x4xf32> to vector<1024x4xf32>
    %get3A_7 = arith.constant 0 : index
    %get3A_8 = arith.constant 0 : index
    %get3A_9 = arith.constant 0 : index
    %get3A_10 = vector.load %arg3[%get3A_7, %get3A_8, %get3A_9] : memref<1x1024x2xf32, #tpu.memory_space<vmem>>, vector<1x1024x2xf32>
    %get3A_11 = vector.shape_cast %get3A_10 : vector<1x1024x2xf32> to vector<1024x2xf32>
    %get3A_12 = arith.constant 0 : index
    %get3A_13 = arith.constant 0 : index
    %get3A_14 = arith.constant 0 : index
    %get3A_15 = vector.load %arg4[%get3A_12, %get3A_13, %get3A_14] : memref<1x1024x10xf32, #tpu.memory_space<vmem>>, vector<1x1024x10xf32>
    %get3A_16 = vector.shape_cast %get3A_15 : vector<1x1024x10xf32> to vector<1024x10xf32>
    %concatenate3A = tpu.concatenate %get3A_6, %get3A_11, %get3A_16 in 1 : vector<1024x4xf32>, vector<1024x2xf32>, vector<1024x10xf32> -> vector<1024x16xf32>
    %mul3A = arith.constant 1024 : i32
    %mul3A_17 = arith.muli %arg1, %mul3A : i32
    %iota3A = tpu.iota {dimensions = array<i32: 0>} : vector<1024x16xi32>
    %add3A = vector.broadcast %mul3A_17 : i32 to vector<1024x16xi32>
    %add3A_18 = arith.addi %add3A, %iota3A : vector<1024x16xi32>
    %lt3A = arith.constant 16800 : i32
    %lt3A_19 = vector.broadcast %lt3A : i32 to vector<1024x16xi32>
    %lt3A_20 = arith.cmpi slt, %add3A_18, %lt3A_19 : vector<1024x16xi32>
    %jit3A = arith.constant 0.000000e+00 : f32
    %broadcast_in_dim3A = vector.broadcast %jit3A : f32 to vector<1024x16xf32>
    %select_n3A = arith.select %lt3A_20, %concatenate3A, %broadcast_in_dim3A : vector<1024x16xi1>, vector<1024x16xf32>
    %slice3A = vector.extract_strided_slice %select_n3A {offsets = [0, 0], sizes = [128, 16], strides = [1, 1]} : vector<1024x16xf32> to vector<128x16xf32>
    %dot_general3A = arith.constant dense<0.000000e+00> : vector<16x128xf32>
    %dot_general3A_21 = tpu.matmul %slice3A, %get3A_1, %dot_general3A {dimension_numbers = #tpu.dot_dimension_numbers<[0], [0], [1], [1], [0, 1, 1, 1], [], []>, transpose_lhs_hint = false} : vector<128x16xf32>, vector<128x128xf32>, vector<16x128xf32> -> vector<16x128xf32>
    %slice3A_22 = vector.extract_strided_slice %select_n3A {offsets = [128, 0], sizes = [128, 16], strides = [1, 1]} : vector<1024x16xf32> to vector<128x16xf32>
    %dot_general3A_23 = arith.constant dense<0.000000e+00> : vector<16x128xf32>
    %dot_general3A_24 = tpu.matmul %slice3A_22, %get3A_1, %dot_general3A_23 {dimension_numbers = #tpu.dot_dimension_numbers<[0], [0], [1], [1], [0, 1, 1, 1], [], []>, transpose_lhs_hint = false} : vector<128x16xf32>, vector<128x128xf32>, vector<16x128xf32> -> vector<16x128xf32>
    %slice3A_25 = vector.extract_strided_slice %select_n3A {offsets = [256, 0], sizes = [128, 16], strides = [1, 1]} : vector<1024x16xf32> to vector<128x16xf32>
    %dot_general3A_26 = arith.constant dense<0.000000e+00> : vector<16x128xf32>
    %dot_general3A_27 = tpu.matmul %slice3A_25, %get3A_1, %dot_general3A_26 {dimension_numbers = #tpu.dot_dimension_numbers<[0], [0], [1], [1], [0, 1, 1, 1], [], []>, transpose_lhs_hint = false} : vector<128x16xf32>, vector<128x128xf32>, vector<16x128xf32> -> vector<16x128xf32>
    %slice3A_28 = vector.extract_strided_slice %select_n3A {offsets = [384, 0], sizes = [128, 16], strides = [1, 1]} : vector<1024x16xf32> to vector<128x16xf32>
    %dot_general3A_29 = arith.constant dense<0.000000e+00> : vector<16x128xf32>
    %dot_general3A_30 = tpu.matmul %slice3A_28, %get3A_1, %dot_general3A_29 {dimension_numbers = #tpu.dot_dimension_numbers<[0], [0], [1], [1], [0, 1, 1, 1], [], []>, transpose_lhs_hint = false} : vector<128x16xf32>, vector<128x128xf32>, vector<16x128xf32> -> vector<16x128xf32>
    %slice3A_31 = vector.extract_strided_slice %select_n3A {offsets = [512, 0], sizes = [128, 16], strides = [1, 1]} : vector<1024x16xf32> to vector<128x16xf32>
    %dot_general3A_32 = arith.constant dense<0.000000e+00> : vector<16x128xf32>
    %dot_general3A_33 = tpu.matmul %slice3A_31, %get3A_1, %dot_general3A_32 {dimension_numbers = #tpu.dot_dimension_numbers<[0], [0], [1], [1], [0, 1, 1, 1], [], []>, transpose_lhs_hint = false} : vector<128x16xf32>, vector<128x128xf32>, vector<16x128xf32> -> vector<16x128xf32>
    %slice3A_34 = vector.extract_strided_slice %select_n3A {offsets = [640, 0], sizes = [128, 16], strides = [1, 1]} : vector<1024x16xf32> to vector<128x16xf32>
    %dot_general3A_35 = arith.constant dense<0.000000e+00> : vector<16x128xf32>
    %dot_general3A_36 = tpu.matmul %slice3A_34, %get3A_1, %dot_general3A_35 {dimension_numbers = #tpu.dot_dimension_numbers<[0], [0], [1], [1], [0, 1, 1, 1], [], []>, transpose_lhs_hint = false} : vector<128x16xf32>, vector<128x128xf32>, vector<16x128xf32> -> vector<16x128xf32>
    %slice3A_37 = vector.extract_strided_slice %select_n3A {offsets = [768, 0], sizes = [128, 16], strides = [1, 1]} : vector<1024x16xf32> to vector<128x16xf32>
    %dot_general3A_38 = arith.constant dense<0.000000e+00> : vector<16x128xf32>
    %dot_general3A_39 = tpu.matmul %slice3A_37, %get3A_1, %dot_general3A_38 {dimension_numbers = #tpu.dot_dimension_numbers<[0], [0], [1], [1], [0, 1, 1, 1], [], []>, transpose_lhs_hint = false} : vector<128x16xf32>, vector<128x128xf32>, vector<16x128xf32> -> vector<16x128xf32>
    %slice3A_40 = vector.extract_strided_slice %select_n3A {offsets = [896, 0], sizes = [128, 16], strides = [1, 1]} : vector<1024x16xf32> to vector<128x16xf32>
    %dot_general3A_41 = arith.constant dense<0.000000e+00> : vector<16x128xf32>
    %dot_general3A_42 = tpu.matmul %slice3A_40, %get3A_1, %dot_general3A_41 {dimension_numbers = #tpu.dot_dimension_numbers<[0], [0], [1], [1], [0, 1, 1, 1], [], []>, transpose_lhs_hint = false} : vector<128x16xf32>, vector<128x128xf32>, vector<16x128xf32> -> vector<16x128xf32>
    %concatenate3A_43 = tpu.concatenate %dot_general3A_21, %dot_general3A_24, %dot_general3A_27, %dot_general3A_30, %dot_general3A_33, %dot_general3A_36, %dot_general3A_39, %dot_general3A_42 in 1 : vector<16x128xf32>, vector<16x128xf32>, vector<16x128xf32>, vector<16x128xf32>, vector<16x128xf32>, vector<16x128xf32>, vector<16x128xf32>, vector<16x128xf32> -> vector<16x1024xf32>
    %swap3A = arith.constant 0 : index
    %swap3A_44 = arith.constant 0 : index
    %swap3A_45 = arith.constant 0 : index
    %swap3A_46 = vector.load %arg6[%swap3A, %swap3A_44, %swap3A_45] : memref<1x16x1024xf32, #tpu.memory_space<vmem>>, vector<1x16x1024xf32>
    %swap3A_47 = vector.shape_cast %swap3A_46 : vector<1x16x1024xf32> to vector<16x1024xf32>
    %swap3A_48 = vector.shape_cast %concatenate3A_43 : vector<16x1024xf32> to vector<1x16x1024xf32>
    tpu.vector_store %arg6[%swap3A, %swap3A_44, %swap3A_45], %swap3A_48 {strides = array<i32>} : memref<1x16x1024xf32, #tpu.memory_space<vmem>>, vector<1x16x1024xf32>,
    return
  }
  func.func @transform_0(%arg0: i32, %arg1: i32) -> (i32, i32, i32) {
    %c0_i32 = arith.constant 0 : i32
    %c0_i32_0 = arith.constant 0 : i32
    return %arg0, %arg1, %c0_i32 : i32, i32, i32
  }
  func.func @transform_1(%arg0: i32, %arg1: i32) -> (i32, i32, i32) {
    %c0_i32 = arith.constant 0 : i32
    %c0_i32_0 = arith.constant 0 : i32
    return %arg0, %arg1, %c0_i32 : i32, i32, i32
  }
  func.func @transform_2(%arg0: i32, %arg1: i32) -> (i32, i32, i32) {
    %c0_i32 = arith.constant 0 : i32
    %c0_i32_0 = arith.constant 0 : i32
    return %arg0, %arg1, %c0_i32 : i32, i32, i32
  }
  func.func @transform_3(%arg0: i32, %arg1: i32) -> (i32, i32) {
    %c0_i32 = arith.constant 0 : i32
    %c0_i32_0 = arith.constant 0 : i32
    %c0_i32_1 = arith.constant 0 : i32
    return %c0_i32, %c0_i32_0 : i32, i32
  }
  func.func @transform_4(%arg0: i32, %arg1: i32) -> (i32, i32, i32) {
    %c0_i32 = arith.constant 0 : i32
    %c0_i32_0 = arith.constant 0 : i32
    return %arg0, %c0_i32, %arg1 : i32, i32, i32
  }
}

module attributes {stable_mosaic.version = 14 : i64} {
  func.func @_mbl_kernel(%arg0: i32, %arg1: memref<1x16x136x128xf32, #tpu.memory_space<vmem>>, %arg2: memref<11x136x128xf32, #tpu.memory_space<vmem>>, %arg3: memref<1x1x240xf32, #tpu.memory_space<smem>>, %arg4: memref<4xf32, #tpu.memory_space<smem>>) attributes {dimension_semantics = [#tpu.dimension_semantics<arbitrary>], iteration_bounds = array<i64: 32>, scalar_prefetch = 0 : i64, scratch_operands = 0 : i64, tpu.core_type = #tpu.core_type<tc>, window_params = [{transform_indices = @transform_0, window_bounds = array<i64: 1, 16, 136, 128>}, {pipeline_mode = #tpu.pipeline_mode<synchronous>, transform_indices = @transform_1, window_bounds = array<i64: 11, 136, 128>}, {transform_indices = @transform_2, window_bounds = array<i64: 1, 1, 240>}, {transform_indices = @transform_3, window_bounds = array<i64: 4>}]} {
    %eq3A = arith.constant 0 : i32
    %eq3A_0 = arith.cmpi eq, %arg0, %eq3A : i32
    %convert_element_type3A = arith.extui %eq3A_0 : i1 to i32
    %cond3A = arith.constant 0 : i32
    %cond3A_1 = arith.cmpi ne, %convert_element_type3A, %cond3A : i32
    scf.if %cond3A_1 {
      %swap3A_3682 = arith.constant 0.000000e+00 : f32
      %swap3A_3683 = arith.constant 0 : index
      %swap3A_3684 = memref.load %arg4[%swap3A_3683] : memref<4xf32, #tpu.memory_space<smem>>
      memref.store %swap3A_3682, %arg4[%swap3A_3683] : memref<4xf32, #tpu.memory_space<smem>>
      %swap3A_3685 = arith.constant 0.000000e+00 : f32
      %swap3A_3686 = arith.constant 1 : index
      %swap3A_3687 = memref.load %arg4[%swap3A_3686] : memref<4xf32, #tpu.memory_space<smem>>
      memref.store %swap3A_3685, %arg4[%swap3A_3686] : memref<4xf32, #tpu.memory_space<smem>>
      %swap3A_3688 = arith.constant 0.000000e+00 : f32
      %swap3A_3689 = arith.constant 2 : index
      %swap3A_3690 = memref.load %arg4[%swap3A_3689] : memref<4xf32, #tpu.memory_space<smem>>
      memref.store %swap3A_3688, %arg4[%swap3A_3689] : memref<4xf32, #tpu.memory_space<smem>>
      %swap3A_3691 = arith.constant 0.000000e+00 : f32
      %swap3A_3692 = arith.constant 3 : index
      %swap3A_3693 = memref.load %arg4[%swap3A_3692] : memref<4xf32, #tpu.memory_space<smem>>
      memref.store %swap3A_3691, %arg4[%swap3A_3692] : memref<4xf32, #tpu.memory_space<smem>>
    } else {
    }
    %get3A = arith.constant 0 : index
    %get3A_2 = arith.constant 0 : index
    %get3A_3 = arith.constant 0 : index
    %get3A_4 = vector.load %arg2[%get3A, %get3A_2, %get3A_3] : memref<11x136x128xf32, #tpu.memory_space<vmem>>, vector<1x136x128xf32>
    %get3A_5 = vector.shape_cast %get3A_4 : vector<1x136x128xf32> to vector<136x128xf32>
    %get3A_6 = arith.constant 1 : index
    %get3A_7 = arith.constant 0 : index
    %get3A_8 = arith.constant 0 : index
    %get3A_9 = vector.load %arg2[%get3A_6, %get3A_7, %get3A_8] : memref<11x136x128xf32, #tpu.memory_space<vmem>>, vector<1x136x128xf32>
    %get3A_10 = vector.shape_cast %get3A_9 : vector<1x136x128xf32> to vector<136x128xf32>
    %get3A_11 = arith.constant 2 : index
    %get3A_12 = arith.constant 0 : index
    %get3A_13 = arith.constant 0 : index
    %get3A_14 = vector.load %arg2[%get3A_11, %get3A_12, %get3A_13] : memref<11x136x128xf32, #tpu.memory_space<vmem>>, vector<1x136x128xf32>
    %get3A_15 = vector.shape_cast %get3A_14 : vector<1x136x128xf32> to vector<136x128xf32>
    %get3A_16 = arith.constant 3 : index
    %get3A_17 = arith.constant 0 : index
    %get3A_18 = arith.constant 0 : index
    %get3A_19 = vector.load %arg2[%get3A_16, %get3A_17, %get3A_18] : memref<11x136x128xf32, #tpu.memory_space<vmem>>, vector<1x136x128xf32>
    %get3A_20 = vector.shape_cast %get3A_19 : vector<1x136x128xf32> to vector<136x128xf32>
    %get3A_21 = arith.constant 4 : index
    %get3A_22 = arith.constant 0 : index
    %get3A_23 = arith.constant 0 : index
    %get3A_24 = vector.load %arg2[%get3A_21, %get3A_22, %get3A_23] : memref<11x136x128xf32, #tpu.memory_space<vmem>>, vector<1x136x128xf32>
    %get3A_25 = vector.shape_cast %get3A_24 : vector<1x136x128xf32> to vector<136x128xf32>
    %iota3A = tpu.iota {dimensions = array<i32: 0>} : vector<136x128xi32>
    %mul3A = arith.constant 128 : i32
    %mul3A_26 = vector.broadcast %mul3A : i32 to vector<136x128xi32>
    %mul3A_27 = arith.muli %iota3A, %mul3A_26 : vector<136x128xi32>
    %iota3A_28 = tpu.iota {dimensions = array<i32: 1>} : vector<136x128xi32>
    %add3A = arith.addi %mul3A_27, %iota3A_28 : vector<136x128xi32>
    %broadcast_in_dim3A = arith.constant 0 : i32
    %broadcast_in_dim3A_29 = vector.broadcast %broadcast_in_dim3A : i32 to vector<136x128xi32>
    %get3A_30 = arith.constant 0 : index
    %get3A_31 = arith.constant 0 : index
    %get3A_32 = arith.constant 0 : index
    %get3A_33 = memref.load %arg3[%get3A_30, %get3A_31, %get3A_32] : memref<1x1x240xf32, #tpu.memory_space<smem>>
    %get3A_34 = arith.constant 0 : index
    %get3A_35 = arith.constant 0 : index
    %get3A_36 = arith.constant 1 : index
    %get3A_37 = memref.load %arg3[%get3A_34, %get3A_35, %get3A_36] : memref<1x1x240xf32, #tpu.memory_space<smem>>
    %get3A_38 = arith.constant 0 : index
    %get3A_39 = arith.constant 0 : index
    %get3A_40 = arith.constant 2 : index
    %get3A_41 = memref.load %arg3[%get3A_38, %get3A_39, %get3A_40] : memref<1x1x240xf32, #tpu.memory_space<smem>>
    %get3A_42 = arith.constant 0 : index
    %get3A_43 = arith.constant 0 : index
    %get3A_44 = arith.constant 3 : index
    %get3A_45 = memref.load %arg3[%get3A_42, %get3A_43, %get3A_44] : memref<1x1x240xf32, #tpu.memory_space<smem>>
    %sub3A = arith.subf %get3A_41, %get3A_33 : f32
    %sub3A_46 = arith.subf %get3A_45, %get3A_37 : f32
    %mul3A_47 = arith.mulf %sub3A, %sub3A_46 : f32
    %min3A = vector.broadcast %get3A_41 : f32 to vector<136x128xf32>
    %min3A_48 = arith.minimumf %get3A_15, %min3A : vector<136x128xf32>
    %max3A = vector.broadcast %get3A_33 : f32 to vector<136x128xf32>
    %max3A_49 = arith.maximumf %get3A_5, %max3A : vector<136x128xf32>
    %sub3A_50 = arith.subf %min3A_48, %max3A_49 : vector<136x128xf32>
    %max3A_51 = arith.constant 0.000000e+00 : f32
    %max3A_52 = vector.broadcast %max3A_51 : f32 to vector<136x128xf32>
    %max3A_53 = arith.maximumf %sub3A_50, %max3A_52 : vector<136x128xf32>
    %min3A_54 = vector.broadcast %get3A_45 : f32 to vector<136x128xf32>
    %min3A_55 = arith.minimumf %get3A_20, %min3A_54 : vector<136x128xf32>
    %max3A_56 = vector.broadcast %get3A_37 : f32 to vector<136x128xf32>
    %max3A_57 = arith.maximumf %get3A_10, %max3A_56 : vector<136x128xf32>
    %sub3A_58 = arith.subf %min3A_55, %max3A_57 : vector<136x128xf32>
    %max3A_59 = arith.constant 0.000000e+00 : f32
    %max3A_60 = vector.broadcast %max3A_59 : f32 to vector<136x128xf32>
    %max3A_61 = arith.maximumf %sub3A_58, %max3A_60 : vector<136x128xf32>
    %mul3A_62 = arith.mulf %max3A_53, %max3A_61 : vector<136x128xf32>
    %add3A_63 = vector.broadcast %mul3A_47 : f32 to vector<136x128xf32>
    %add3A_64 = arith.addf %get3A_25, %add3A_63 : vector<136x128xf32>
    %sub3A_65 = arith.subf %add3A_64, %mul3A_62 : vector<136x128xf32>
    %div3A = arith.divf %mul3A_62, %sub3A_65 : vector<136x128xf32>
    %reduce_max3A = vector.shape_cast %div3A : vector<136x128xf32> to vector<1x136x128xf32>
    %reduce_max3A_66 = arith.constant dense<0xFF800000> : vector<1xf32>
    %reduce_max3A_67 = vector.multi_reduction <maximumf>, %reduce_max3A, %reduce_max3A_66 [1, 2] : vector<1x136x128xf32> to vector<1xf32>
    %reduce_max3A_68 = vector.shape_cast %reduce_max3A_67 : vector<1xf32> to vector<1x1x1xf32>
    %reduce_max3A_69 = vector.extract %reduce_max3A_68[0, 0, 0] : f32 from vector<1x1x1xf32>
    %eq3A_70 = vector.broadcast %reduce_max3A_69 : f32 to vector<136x128xf32>
    %eq3A_71 = arith.cmpf oeq, %div3A, %eq3A_70 : vector<136x128xf32>
    %jit3A = arith.constant 1073741824 : i32
    %broadcast_in_dim3A_72 = vector.broadcast %jit3A : i32 to vector<136x128xi32>
    %select_n3A = arith.select %eq3A_71, %add3A, %broadcast_in_dim3A_72 : vector<136x128xi1>, vector<136x128xi32>
    %reduce_min3A = vector.shape_cast %select_n3A : vector<136x128xi32> to vector<1x136x128xi32>
    %reduce_min3A_73 = arith.constant dense<2147483647> : vector<1xi32>
    %reduce_min3A_74 = vector.multi_reduction <minsi>, %reduce_min3A, %reduce_min3A_73 [1, 2] : vector<1x136x128xi32> to vector<1xi32>
    %reduce_min3A_75 = vector.shape_cast %reduce_min3A_74 : vector<1xi32> to vector<1x1x1xi32>
    %reduce_min3A_76 = vector.extract %reduce_min3A_75[0, 0, 0] : i32 from vector<1x1x1xi32>
    %ge3A = arith.constant 2.000000e-01 : f32
    %ge3A_77 = arith.cmpf oge, %reduce_max3A_69, %ge3A : f32
    %jit3A_78 = arith.constant 2.000000e+00 : f32
    %jit3A_79 = arith.constant -1.000000e+00 : f32
    %select_n3A_80 = arith.select %ge3A_77, %jit3A_78, %jit3A_79 : f32
    %jit3A_81 = arith.constant 1.000000e+00 : f32
    %jit3A_82 = arith.constant 0.000000e+00 : f32
    %select_n3A_83 = arith.select %ge3A_77, %jit3A_81, %jit3A_82 : f32
    %add3A_84 = arith.constant 0.000000e+00 : f32
    %add3A_85 = arith.addf %add3A_84, %select_n3A_83 : f32
    %get3A_86 = arith.constant 0 : index
    %get3A_87 = arith.constant 0 : index
    %get3A_88 = arith.constant 15 : index
    %get3A_89 = memref.load %arg3[%get3A_86, %get3A_87, %get3A_88] : memref<1x1x240xf32, #tpu.memory_space<smem>>
    %get3A_90 = arith.constant 0 : index
    %get3A_91 = arith.constant 0 : index
    %get3A_92 = arith.constant 16 : index
    %get3A_93 = memref.load %arg3[%get3A_90, %get3A_91, %get3A_92] : memref<1x1x240xf32, #tpu.memory_space<smem>>
    %get3A_94 = arith.constant 0 : index
    %get3A_95 = arith.constant 0 : index
    %get3A_96 = arith.constant 17 : index
    %get3A_97 = memref.load %arg3[%get3A_94, %get3A_95, %get3A_96] : memref<1x1x240xf32, #tpu.memory_space<smem>>
    %get3A_98 = arith.constant 0 : index
    %get3A_99 = arith.constant 0 : index
    %get3A_100 = arith.constant 18 : index
    %get3A_101 = memref.load %arg3[%get3A_98, %get3A_99, %get3A_100] : memref<1x1x240xf32, #tpu.memory_space<smem>>
    %sub3A_102 = arith.subf %get3A_97, %get3A_89 : f32
    %sub3A_103 = arith.subf %get3A_101, %get3A_93 : f32
    %mul3A_104 = arith.mulf %sub3A_102, %sub3A_103 : f32
    %min3A_105 = vector.broadcast %get3A_97 : f32 to vector<136x128xf32>
    %min3A_106 = arith.minimumf %get3A_15, %min3A_105 : vector<136x128xf32>
    %max3A_107 = vector.broadcast %get3A_89 : f32 to vector<136x128xf32>
    %max3A_108 = arith.maximumf %get3A_5, %max3A_107 : vector<136x128xf32>
    %sub3A_109 = arith.subf %min3A_106, %max3A_108 : vector<136x128xf32>
    %max3A_110 = arith.constant 0.000000e+00 : f32
    %max3A_111 = vector.broadcast %max3A_110 : f32 to vector<136x128xf32>
    %max3A_112 = arith.maximumf %sub3A_109, %max3A_111 : vector<136x128xf32>
    %min3A_113 = vector.broadcast %get3A_101 : f32 to vector<136x128xf32>
    %min3A_114 = arith.minimumf %get3A_20, %min3A_113 : vector<136x128xf32>
    %max3A_115 = vector.broadcast %get3A_93 : f32 to vector<136x128xf32>
    %max3A_116 = arith.maximumf %get3A_10, %max3A_115 : vector<136x128xf32>
    %sub3A_117 = arith.subf %min3A_114, %max3A_116 : vector<136x128xf32>
    %max3A_118 = arith.constant 0.000000e+00 : f32
    %max3A_119 = vector.broadcast %max3A_118 : f32 to vector<136x128xf32>
    %max3A_120 = arith.maximumf %sub3A_117, %max3A_119 : vector<136x128xf32>
    %mul3A_121 = arith.mulf %max3A_112, %max3A_120 : vector<136x128xf32>
    %add3A_122 = vector.broadcast %mul3A_104 : f32 to vector<136x128xf32>
    %add3A_123 = arith.addf %get3A_25, %add3A_122 : vector<136x128xf32>
    %sub3A_124 = arith.subf %add3A_123, %mul3A_121 : vector<136x128xf32>
    %div3A_125 = arith.divf %mul3A_121, %sub3A_124 : vector<136x128xf32>
    %reduce_max3A_126 = vector.shape_cast %div3A_125 : vector<136x128xf32> to vector<1x136x128xf32>
    %reduce_max3A_127 = arith.constant dense<0xFF800000> : vector<1xf32>
    %reduce_max3A_128 = vector.multi_reduction <maximumf>, %reduce_max3A_126, %reduce_max3A_127 [1, 2] : vector<1x136x128xf32> to vector<1xf32>
    %reduce_max3A_129 = vector.shape_cast %reduce_max3A_128 : vector<1xf32> to vector<1x1x1xf32>
    %reduce_max3A_130 = vector.extract %reduce_max3A_129[0, 0, 0] : f32 from vector<1x1x1xf32>
    %eq3A_131 = vector.broadcast %reduce_max3A_130 : f32 to vector<136x128xf32>
    %eq3A_132 = arith.cmpf oeq, %div3A_125, %eq3A_131 : vector<136x128xf32>
    %jit3A_133 = arith.constant 1073741824 : i32
    %broadcast_in_dim3A_134 = vector.broadcast %jit3A_133 : i32 to vector<136x128xi32>
    %select_n3A_135 = arith.select %eq3A_132, %add3A, %broadcast_in_dim3A_134 : vector<136x128xi1>, vector<136x128xi32>
    %reduce_min3A_136 = vector.shape_cast %select_n3A_135 : vector<136x128xi32> to vector<1x136x128xi32>
    %reduce_min3A_137 = arith.constant dense<2147483647> : vector<1xi32>
    %reduce_min3A_138 = vector.multi_reduction <minsi>, %reduce_min3A_136, %reduce_min3A_137 [1, 2] : vector<1x136x128xi32> to vector<1xi32>
    %reduce_min3A_139 = vector.shape_cast %reduce_min3A_138 : vector<1xi32> to vector<1x1x1xi32>
    %reduce_min3A_140 = vector.extract %reduce_min3A_139[0, 0, 0] : i32 from vector<1x1x1xi32>
    %ge3A_141 = arith.constant 2.000000e-01 : f32
    %ge3A_142 = arith.cmpf oge, %reduce_max3A_130, %ge3A_141 : f32
    %jit3A_143 = arith.constant 2.000000e+00 : f32
    %jit3A_144 = arith.constant -1.000000e+00 : f32
    %select_n3A_145 = arith.select %ge3A_142, %jit3A_143, %jit3A_144 : f32
    %jit3A_146 = arith.constant 1.000000e+00 : f32
    %jit3A_147 = arith.constant 0.000000e+00 : f32
    %select_n3A_148 = arith.select %ge3A_142, %jit3A_146, %jit3A_147 : f32
    %add3A_149 = arith.addf %add3A_85, %select_n3A_148 : f32
    %gt3A = arith.cmpf ogt, %div3A_125, %div3A : vector<136x128xf32>
    %select_n3A_150 = arith.select %gt3A, %div3A_125, %div3A : vector<136x128xi1>, vector<136x128xf32>
    %jit3A_151 = arith.constant 1 : i32
    %broadcast_in_dim3A_152 = vector.broadcast %jit3A_151 : i32 to vector<136x128xi32>
    %select_n3A_153 = arith.select %gt3A, %broadcast_in_dim3A_152, %broadcast_in_dim3A_29 : vector<136x128xi1>, vector<136x128xi32>
    %get3A_154 = arith.constant 0 : index
    %get3A_155 = arith.constant 0 : index
    %get3A_156 = arith.constant 30 : index
    %get3A_157 = memref.load %arg3[%get3A_154, %get3A_155, %get3A_156] : memref<1x1x240xf32, #tpu.memory_space<smem>>
    %get3A_158 = arith.constant 0 : index
    %get3A_159 = arith.constant 0 : index
    %get3A_160 = arith.constant 31 : index
    %get3A_161 = memref.load %arg3[%get3A_158, %get3A_159, %get3A_160] : memref<1x1x240xf32, #tpu.memory_space<smem>>
    %get3A_162 = arith.constant 0 : index
    %get3A_163 = arith.constant 0 : index
    %get3A_164 = arith.constant 32 : index
    %get3A_165 = memref.load %arg3[%get3A_162, %get3A_163, %get3A_164] : memref<1x1x240xf32, #tpu.memory_space<smem>>
    %get3A_166 = arith.constant 0 : index
    %get3A_167 = arith.constant 0 : index
    %get3A_168 = arith.constant 33 : index
    %get3A_169 = memref.load %arg3[%get3A_166, %get3A_167, %get3A_168] : memref<1x1x240xf32, #tpu.memory_space<smem>>
    %sub3A_170 = arith.subf %get3A_165, %get3A_157 : f32
    %sub3A_171 = arith.subf %get3A_169, %get3A_161 : f32
    %mul3A_172 = arith.mulf %sub3A_170, %sub3A_171 : f32
    %min3A_173 = vector.broadcast %get3A_165 : f32 to vector<136x128xf32>
    %min3A_174 = arith.minimumf %get3A_15, %min3A_173 : vector<136x128xf32>
    %max3A_175 = vector.broadcast %get3A_157 : f32 to vector<136x128xf32>
    %max3A_176 = arith.maximumf %get3A_5, %max3A_175 : vector<136x128xf32>
    %sub3A_177 = arith.subf %min3A_174, %max3A_176 : vector<136x128xf32>
    %max3A_178 = arith.constant 0.000000e+00 : f32
    %max3A_179 = vector.broadcast %max3A_178 : f32 to vector<136x128xf32>
    %max3A_180 = arith.maximumf %sub3A_177, %max3A_179 : vector<136x128xf32>
    %min3A_181 = vector.broadcast %get3A_169 : f32 to vector<136x128xf32>
    %min3A_182 = arith.minimumf %get3A_20, %min3A_181 : vector<136x128xf32>
    %max3A_183 = vector.broadcast %get3A_161 : f32 to vector<136x128xf32>
    %max3A_184 = arith.maximumf %get3A_10, %max3A_183 : vector<136x128xf32>
    %sub3A_185 = arith.subf %min3A_182, %max3A_184 : vector<136x128xf32>
    %max3A_186 = arith.constant 0.000000e+00 : f32
    %max3A_187 = vector.broadcast %max3A_186 : f32 to vector<136x128xf32>
    %max3A_188 = arith.maximumf %sub3A_185, %max3A_187 : vector<136x128xf32>
    %mul3A_189 = arith.mulf %max3A_180, %max3A_188 : vector<136x128xf32>
    %add3A_190 = vector.broadcast %mul3A_172 : f32 to vector<136x128xf32>
    %add3A_191 = arith.addf %get3A_25, %add3A_190 : vector<136x128xf32>
    %sub3A_192 = arith.subf %add3A_191, %mul3A_189 : vector<136x128xf32>
    %div3A_193 = arith.divf %mul3A_189, %sub3A_192 : vector<136x128xf32>
    %reduce_max3A_194 = vector.shape_cast %div3A_193 : vector<136x128xf32> to vector<1x136x128xf32>
    %reduce_max3A_195 = arith.constant dense<0xFF800000> : vector<1xf32>
    %reduce_max3A_196 = vector.multi_reduction <maximumf>, %reduce_max3A_194, %reduce_max3A_195 [1, 2] : vector<1x136x128xf32> to vector<1xf32>
    %reduce_max3A_197 = vector.shape_cast %reduce_max3A_196 : vector<1xf32> to vector<1x1x1xf32>
    %reduce_max3A_198 = vector.extract %reduce_max3A_197[0, 0, 0] : f32 from vector<1x1x1xf32>
    %eq3A_199 = vector.broadcast %reduce_max3A_198 : f32 to vector<136x128xf32>
    %eq3A_200 = arith.cmpf oeq, %div3A_193, %eq3A_199 : vector<136x128xf32>
    %jit3A_201 = arith.constant 1073741824 : i32
    %broadcast_in_dim3A_202 = vector.broadcast %jit3A_201 : i32 to vector<136x128xi32>
    %select_n3A_203 = arith.select %eq3A_200, %add3A, %broadcast_in_dim3A_202 : vector<136x128xi1>, vector<136x128xi32>
    %reduce_min3A_204 = vector.shape_cast %select_n3A_203 : vector<136x128xi32> to vector<1x136x128xi32>
    %reduce_min3A_205 = arith.constant dense<2147483647> : vector<1xi32>
    %reduce_min3A_206 = vector.multi_reduction <minsi>, %reduce_min3A_204, %reduce_min3A_205 [1, 2] : vector<1x136x128xi32> to vector<1xi32>
    %reduce_min3A_207 = vector.shape_cast %reduce_min3A_206 : vector<1xi32> to vector<1x1x1xi32>
    %reduce_min3A_208 = vector.extract %reduce_min3A_207[0, 0, 0] : i32 from vector<1x1x1xi32>
    %ge3A_209 = arith.constant 2.000000e-01 : f32
    %ge3A_210 = arith.cmpf oge, %reduce_max3A_198, %ge3A_209 : f32
    %jit3A_211 = arith.constant 2.000000e+00 : f32
    %jit3A_212 = arith.constant -1.000000e+00 : f32
    %select_n3A_213 = arith.select %ge3A_210, %jit3A_211, %jit3A_212 : f32
    %jit3A_214 = arith.constant 1.000000e+00 : f32
    %jit3A_215 = arith.constant 0.000000e+00 : f32
    %select_n3A_216 = arith.select %ge3A_210, %jit3A_214, %jit3A_215 : f32
    %add3A_217 = arith.addf %add3A_149, %select_n3A_216 : f32
    %gt3A_218 = arith.cmpf ogt, %div3A_193, %select_n3A_150 : vector<136x128xf32>
    %select_n3A_219 = arith.select %gt3A_218, %div3A_193, %select_n3A_150 : vector<136x128xi1>, vector<136x128xf32>
    %jit3A_220 = arith.constant 2 : i32
    %broadcast_in_dim3A_221 = vector.broadcast %jit3A_220 : i32 to vector<136x128xi32>
    %select_n3A_222 = arith.select %gt3A_218, %broadcast_in_dim3A_221, %select_n3A_153 : vector<136x128xi1>, vector<136x128xi32>
    %get3A_223 = arith.constant 0 : index
    %get3A_224 = arith.constant 0 : index
    %get3A_225 = arith.constant 45 : index
    %get3A_226 = memref.load %arg3[%get3A_223, %get3A_224, %get3A_225] : memref<1x1x240xf32, #tpu.memory_space<smem>>
    %get3A_227 = arith.constant 0 : index
    %get3A_228 = arith.constant 0 : index
    %get3A_229 = arith.constant 46 : index
    %get3A_230 = memref.load %arg3[%get3A_227, %get3A_228, %get3A_229] : memref<1x1x240xf32, #tpu.memory_space<smem>>
    %get3A_231 = arith.constant 0 : index
    %get3A_232 = arith.constant 0 : index
    %get3A_233 = arith.constant 47 : index
    %get3A_234 = memref.load %arg3[%get3A_231, %get3A_232, %get3A_233] : memref<1x1x240xf32, #tpu.memory_space<smem>>
    %get3A_235 = arith.constant 0 : index
    %get3A_236 = arith.constant 0 : index
    %get3A_237 = arith.constant 48 : index
    %get3A_238 = memref.load %arg3[%get3A_235, %get3A_236, %get3A_237] : memref<1x1x240xf32, #tpu.memory_space<smem>>
    %sub3A_239 = arith.subf %get3A_234, %get3A_226 : f32
    %sub3A_240 = arith.subf %get3A_238, %get3A_230 : f32
    %mul3A_241 = arith.mulf %sub3A_239, %sub3A_240 : f32
    %min3A_242 = vector.broadcast %get3A_234 : f32 to vector<136x128xf32>
    %min3A_243 = arith.minimumf %get3A_15, %min3A_242 : vector<136x128xf32>
    %max3A_244 = vector.broadcast %get3A_226 : f32 to vector<136x128xf32>
    %max3A_245 = arith.maximumf %get3A_5, %max3A_244 : vector<136x128xf32>
    %sub3A_246 = arith.subf %min3A_243, %max3A_245 : vector<136x128xf32>
    %max3A_247 = arith.constant 0.000000e+00 : f32
    %max3A_248 = vector.broadcast %max3A_247 : f32 to vector<136x128xf32>
    %max3A_249 = arith.maximumf %sub3A_246, %max3A_248 : vector<136x128xf32>
    %min3A_250 = vector.broadcast %get3A_238 : f32 to vector<136x128xf32>
    %min3A_251 = arith.minimumf %get3A_20, %min3A_250 : vector<136x128xf32>
    %max3A_252 = vector.broadcast %get3A_230 : f32 to vector<136x128xf32>
    %max3A_253 = arith.maximumf %get3A_10, %max3A_252 : vector<136x128xf32>
    %sub3A_254 = arith.subf %min3A_251, %max3A_253 : vector<136x128xf32>
    %max3A_255 = arith.constant 0.000000e+00 : f32
    %max3A_256 = vector.broadcast %max3A_255 : f32 to vector<136x128xf32>
    %max3A_257 = arith.maximumf %sub3A_254, %max3A_256 : vector<136x128xf32>
    %mul3A_258 = arith.mulf %max3A_249, %max3A_257 : vector<136x128xf32>
    %add3A_259 = vector.broadcast %mul3A_241 : f32 to vector<136x128xf32>
    %add3A_260 = arith.addf %get3A_25, %add3A_259 : vector<136x128xf32>
    %sub3A_261 = arith.subf %add3A_260, %mul3A_258 : vector<136x128xf32>
    %div3A_262 = arith.divf %mul3A_258, %sub3A_261 : vector<136x128xf32>
    %reduce_max3A_263 = vector.shape_cast %div3A_262 : vector<136x128xf32> to vector<1x136x128xf32>
    %reduce_max3A_264 = arith.constant dense<0xFF800000> : vector<1xf32>
    %reduce_max3A_265 = vector.multi_reduction <maximumf>, %reduce_max3A_263, %reduce_max3A_264 [1, 2] : vector<1x136x128xf32> to vector<1xf32>
    %reduce_max3A_266 = vector.shape_cast %reduce_max3A_265 : vector<1xf32> to vector<1x1x1xf32>
    %reduce_max3A_267 = vector.extract %reduce_max3A_266[0, 0, 0] : f32 from vector<1x1x1xf32>
    %eq3A_268 = vector.broadcast %reduce_max3A_267 : f32 to vector<136x128xf32>
    %eq3A_269 = arith.cmpf oeq, %div3A_262, %eq3A_268 : vector<136x128xf32>
    %jit3A_270 = arith.constant 1073741824 : i32
    %broadcast_in_dim3A_271 = vector.broadcast %jit3A_270 : i32 to vector<136x128xi32>
    %select_n3A_272 = arith.select %eq3A_269, %add3A, %broadcast_in_dim3A_271 : vector<136x128xi1>, vector<136x128xi32>
    %reduce_min3A_273 = vector.shape_cast %select_n3A_272 : vector<136x128xi32> to vector<1x136x128xi32>
    %reduce_min3A_274 = arith.constant dense<2147483647> : vector<1xi32>
    %reduce_min3A_275 = vector.multi_reduction <minsi>, %reduce_min3A_273, %reduce_min3A_274 [1, 2] : vector<1x136x128xi32> to vector<1xi32>
    %reduce_min3A_276 = vector.shape_cast %reduce_min3A_275 : vector<1xi32> to vector<1x1x1xi32>
    %reduce_min3A_277 = vector.extract %reduce_min3A_276[0, 0, 0] : i32 from vector<1x1x1xi32>
    %ge3A_278 = arith.constant 2.000000e-01 : f32
    %ge3A_279 = arith.cmpf oge, %reduce_max3A_267, %ge3A_278 : f32
    %jit3A_280 = arith.constant 2.000000e+00 : f32
    %jit3A_281 = arith.constant -1.000000e+00 : f32
    %select_n3A_282 = arith.select %ge3A_279, %jit3A_280, %jit3A_281 : f32
    %jit3A_283 = arith.constant 1.000000e+00 : f32
    %jit3A_284 = arith.constant 0.000000e+00 : f32
    %select_n3A_285 = arith.select %ge3A_279, %jit3A_283, %jit3A_284 : f32
    %add3A_286 = arith.addf %add3A_217, %select_n3A_285 : f32
    %gt3A_287 = arith.cmpf ogt, %div3A_262, %select_n3A_219 : vector<136x128xf32>
    %select_n3A_288 = arith.select %gt3A_287, %div3A_262, %select_n3A_219 : vector<136x128xi1>, vector<136x128xf32>
    %jit3A_289 = arith.constant 3 : i32
    %broadcast_in_dim3A_290 = vector.broadcast %jit3A_289 : i32 to vector<136x128xi32>
    %select_n3A_291 = arith.select %gt3A_287, %broadcast_in_dim3A_290, %select_n3A_222 : vector<136x128xi1>, vector<136x128xi32>
    %get3A_292 = arith.constant 0 : index
    %get3A_293 = arith.constant 0 : index
    %get3A_294 = arith.constant 60 : index
    %get3A_295 = memref.load %arg3[%get3A_292, %get3A_293, %get3A_294] : memref<1x1x240xf32, #tpu.memory_space<smem>>
    %get3A_296 = arith.constant 0 : index
    %get3A_297 = arith.constant 0 : index
    %get3A_298 = arith.constant 61 : index
    %get3A_299 = memref.load %arg3[%get3A_296, %get3A_297, %get3A_298] : memref<1x1x240xf32, #tpu.memory_space<smem>>
    %get3A_300 = arith.constant 0 : index
    %get3A_301 = arith.constant 0 : index
    %get3A_302 = arith.constant 62 : index
    %get3A_303 = memref.load %arg3[%get3A_300, %get3A_301, %get3A_302] : memref<1x1x240xf32, #tpu.memory_space<smem>>
    %get3A_304 = arith.constant 0 : index
    %get3A_305 = arith.constant 0 : index
    %get3A_306 = arith.constant 63 : index
    %get3A_307 = memref.load %arg3[%get3A_304, %get3A_305, %get3A_306] : memref<1x1x240xf32, #tpu.memory_space<smem>>
    %sub3A_308 = arith.subf %get3A_303, %get3A_295 : f32
    %sub3A_309 = arith.subf %get3A_307, %get3A_299 : f32
    %mul3A_310 = arith.mulf %sub3A_308, %sub3A_309 : f32
    %min3A_311 = vector.broadcast %get3A_303 : f32 to vector<136x128xf32>
    %min3A_312 = arith.minimumf %get3A_15, %min3A_311 : vector<136x128xf32>
    %max3A_313 = vector.broadcast %get3A_295 : f32 to vector<136x128xf32>
    %max3A_314 = arith.maximumf %get3A_5, %max3A_313 : vector<136x128xf32>
    %sub3A_315 = arith.subf %min3A_312, %max3A_314 : vector<136x128xf32>
    %max3A_316 = arith.constant 0.000000e+00 : f32
    %max3A_317 = vector.broadcast %max3A_316 : f32 to vector<136x128xf32>
    %max3A_318 = arith.maximumf %sub3A_315, %max3A_317 : vector<136x128xf32>
    %min3A_319 = vector.broadcast %get3A_307 : f32 to vector<136x128xf32>
    %min3A_320 = arith.minimumf %get3A_20, %min3A_319 : vector<136x128xf32>
    %max3A_321 = vector.broadcast %get3A_299 : f32 to vector<136x128xf32>
    %max3A_322 = arith.maximumf %get3A_10, %max3A_321 : vector<136x128xf32>
    %sub3A_323 = arith.subf %min3A_320, %max3A_322 : vector<136x128xf32>
    %max3A_324 = arith.constant 0.000000e+00 : f32
    %max3A_325 = vector.broadcast %max3A_324 : f32 to vector<136x128xf32>
    %max3A_326 = arith.maximumf %sub3A_323, %max3A_325 : vector<136x128xf32>
    %mul3A_327 = arith.mulf %max3A_318, %max3A_326 : vector<136x128xf32>
    %add3A_328 = vector.broadcast %mul3A_310 : f32 to vector<136x128xf32>
    %add3A_329 = arith.addf %get3A_25, %add3A_328 : vector<136x128xf32>
    %sub3A_330 = arith.subf %add3A_329, %mul3A_327 : vector<136x128xf32>
    %div3A_331 = arith.divf %mul3A_327, %sub3A_330 : vector<136x128xf32>
    %reduce_max3A_332 = vector.shape_cast %div3A_331 : vector<136x128xf32> to vector<1x136x128xf32>
    %reduce_max3A_333 = arith.constant dense<0xFF800000> : vector<1xf32>
    %reduce_max3A_334 = vector.multi_reduction <maximumf>, %reduce_max3A_332, %reduce_max3A_333 [1, 2] : vector<1x136x128xf32> to vector<1xf32>
    %reduce_max3A_335 = vector.shape_cast %reduce_max3A_334 : vector<1xf32> to vector<1x1x1xf32>
    %reduce_max3A_336 = vector.extract %reduce_max3A_335[0, 0, 0] : f32 from vector<1x1x1xf32>
    %eq3A_337 = vector.broadcast %reduce_max3A_336 : f32 to vector<136x128xf32>
    %eq3A_338 = arith.cmpf oeq, %div3A_331, %eq3A_337 : vector<136x128xf32>
    %jit3A_339 = arith.constant 1073741824 : i32
    %broadcast_in_dim3A_340 = vector.broadcast %jit3A_339 : i32 to vector<136x128xi32>
    %select_n3A_341 = arith.select %eq3A_338, %add3A, %broadcast_in_dim3A_340 : vector<136x128xi1>, vector<136x128xi32>
    %reduce_min3A_342 = vector.shape_cast %select_n3A_341 : vector<136x128xi32> to vector<1x136x128xi32>
    %reduce_min3A_343 = arith.constant dense<2147483647> : vector<1xi32>
    %reduce_min3A_344 = vector.multi_reduction <minsi>, %reduce_min3A_342, %reduce_min3A_343 [1, 2] : vector<1x136x128xi32> to vector<1xi32>
    %reduce_min3A_345 = vector.shape_cast %reduce_min3A_344 : vector<1xi32> to vector<1x1x1xi32>
    %reduce_min3A_346 = vector.extract %reduce_min3A_345[0, 0, 0] : i32 from vector<1x1x1xi32>
    %ge3A_347 = arith.constant 2.000000e-01 : f32
    %ge3A_348 = arith.cmpf oge, %reduce_max3A_336, %ge3A_347 : f32
    %jit3A_349 = arith.constant 2.000000e+00 : f32
    %jit3A_350 = arith.constant -1.000000e+00 : f32
    %select_n3A_351 = arith.select %ge3A_348, %jit3A_349, %jit3A_350 : f32
    %jit3A_352 = arith.constant 1.000000e+00 : f32
    %jit3A_353 = arith.constant 0.000000e+00 : f32
    %select_n3A_354 = arith.select %ge3A_348, %jit3A_352, %jit3A_353 : f32
    %add3A_355 = arith.addf %add3A_286, %select_n3A_354 : f32
    %gt3A_356 = arith.cmpf ogt, %div3A_331, %select_n3A_288 : vector<136x128xf32>
    %select_n3A_357 = arith.select %gt3A_356, %div3A_331, %select_n3A_288 : vector<136x128xi1>, vector<136x128xf32>
    %jit3A_358 = arith.constant 4 : i32
    %broadcast_in_dim3A_359 = vector.broadcast %jit3A_358 : i32 to vector<136x128xi32>
    %select_n3A_360 = arith.select %gt3A_356, %broadcast_in_dim3A_359, %select_n3A_291 : vector<136x128xi1>, vector<136x128xi32>
    %get3A_361 = arith.constant 0 : index
    %get3A_362 = arith.constant 0 : index
    %get3A_363 = arith.constant 75 : index
    %get3A_364 = memref.load %arg3[%get3A_361, %get3A_362, %get3A_363] : memref<1x1x240xf32, #tpu.memory_space<smem>>
    %get3A_365 = arith.constant 0 : index
    %get3A_366 = arith.constant 0 : index
    %get3A_367 = arith.constant 76 : index
    %get3A_368 = memref.load %arg3[%get3A_365, %get3A_366, %get3A_367] : memref<1x1x240xf32, #tpu.memory_space<smem>>
    %get3A_369 = arith.constant 0 : index
    %get3A_370 = arith.constant 0 : index
    %get3A_371 = arith.constant 77 : index
    %get3A_372 = memref.load %arg3[%get3A_369, %get3A_370, %get3A_371] : memref<1x1x240xf32, #tpu.memory_space<smem>>
    %get3A_373 = arith.constant 0 : index
    %get3A_374 = arith.constant 0 : index
    %get3A_375 = arith.constant 78 : index
    %get3A_376 = memref.load %arg3[%get3A_373, %get3A_374, %get3A_375] : memref<1x1x240xf32, #tpu.memory_space<smem>>
    %sub3A_377 = arith.subf %get3A_372, %get3A_364 : f32
    %sub3A_378 = arith.subf %get3A_376, %get3A_368 : f32
    %mul3A_379 = arith.mulf %sub3A_377, %sub3A_378 : f32
    %min3A_380 = vector.broadcast %get3A_372 : f32 to vector<136x128xf32>
    %min3A_381 = arith.minimumf %get3A_15, %min3A_380 : vector<136x128xf32>
    %max3A_382 = vector.broadcast %get3A_364 : f32 to vector<136x128xf32>
    %max3A_383 = arith.maximumf %get3A_5, %max3A_382 : vector<136x128xf32>
    %sub3A_384 = arith.subf %min3A_381, %max3A_383 : vector<136x128xf32>
    %max3A_385 = arith.constant 0.000000e+00 : f32
    %max3A_386 = vector.broadcast %max3A_385 : f32 to vector<136x128xf32>
    %max3A_387 = arith.maximumf %sub3A_384, %max3A_386 : vector<136x128xf32>
    %min3A_388 = vector.broadcast %get3A_376 : f32 to vector<136x128xf32>
    %min3A_389 = arith.minimumf %get3A_20, %min3A_388 : vector<136x128xf32>
    %max3A_390 = vector.broadcast %get3A_368 : f32 to vector<136x128xf32>
    %max3A_391 = arith.maximumf %get3A_10, %max3A_390 : vector<136x128xf32>
    %sub3A_392 = arith.subf %min3A_389, %max3A_391 : vector<136x128xf32>
    %max3A_393 = arith.constant 0.000000e+00 : f32
    %max3A_394 = vector.broadcast %max3A_393 : f32 to vector<136x128xf32>
    %max3A_395 = arith.maximumf %sub3A_392, %max3A_394 : vector<136x128xf32>
    %mul3A_396 = arith.mulf %max3A_387, %max3A_395 : vector<136x128xf32>
    %add3A_397 = vector.broadcast %mul3A_379 : f32 to vector<136x128xf32>
    %add3A_398 = arith.addf %get3A_25, %add3A_397 : vector<136x128xf32>
    %sub3A_399 = arith.subf %add3A_398, %mul3A_396 : vector<136x128xf32>
    %div3A_400 = arith.divf %mul3A_396, %sub3A_399 : vector<136x128xf32>
    %reduce_max3A_401 = vector.shape_cast %div3A_400 : vector<136x128xf32> to vector<1x136x128xf32>
    %reduce_max3A_402 = arith.constant dense<0xFF800000> : vector<1xf32>
    %reduce_max3A_403 = vector.multi_reduction <maximumf>, %reduce_max3A_401, %reduce_max3A_402 [1, 2] : vector<1x136x128xf32> to vector<1xf32>
    %reduce_max3A_404 = vector.shape_cast %reduce_max3A_403 : vector<1xf32> to vector<1x1x1xf32>
    %reduce_max3A_405 = vector.extract %reduce_max3A_404[0, 0, 0] : f32 from vector<1x1x1xf32>
    %eq3A_406 = vector.broadcast %reduce_max3A_405 : f32 to vector<136x128xf32>
    %eq3A_407 = arith.cmpf oeq, %div3A_400, %eq3A_406 : vector<136x128xf32>
    %jit3A_408 = arith.constant 1073741824 : i32
    %broadcast_in_dim3A_409 = vector.broadcast %jit3A_408 : i32 to vector<136x128xi32>
    %select_n3A_410 = arith.select %eq3A_407, %add3A, %broadcast_in_dim3A_409 : vector<136x128xi1>, vector<136x128xi32>
    %reduce_min3A_411 = vector.shape_cast %select_n3A_410 : vector<136x128xi32> to vector<1x136x128xi32>
    %reduce_min3A_412 = arith.constant dense<2147483647> : vector<1xi32>
    %reduce_min3A_413 = vector.multi_reduction <minsi>, %reduce_min3A_411, %reduce_min3A_412 [1, 2] : vector<1x136x128xi32> to vector<1xi32>
    %reduce_min3A_414 = vector.shape_cast %reduce_min3A_413 : vector<1xi32> to vector<1x1x1xi32>
    %reduce_min3A_415 = vector.extract %reduce_min3A_414[0, 0, 0] : i32 from vector<1x1x1xi32>
    %ge3A_416 = arith.constant 2.000000e-01 : f32
    %ge3A_417 = arith.cmpf oge, %reduce_max3A_405, %ge3A_416 : f32
    %jit3A_418 = arith.constant 2.000000e+00 : f32
    %jit3A_419 = arith.constant -1.000000e+00 : f32
    %select_n3A_420 = arith.select %ge3A_417, %jit3A_418, %jit3A_419 : f32
    %jit3A_421 = arith.constant 1.000000e+00 : f32
    %jit3A_422 = arith.constant 0.000000e+00 : f32
    %select_n3A_423 = arith.select %ge3A_417, %jit3A_421, %jit3A_422 : f32
    %add3A_424 = arith.addf %add3A_355, %select_n3A_423 : f32
    %gt3A_425 = arith.cmpf ogt, %div3A_400, %select_n3A_357 : vector<136x128xf32>
    %select_n3A_426 = arith.select %gt3A_425, %div3A_400, %select_n3A_357 : vector<136x128xi1>, vector<136x128xf32>
    %jit3A_427 = arith.constant 5 : i32
    %broadcast_in_dim3A_428 = vector.broadcast %jit3A_427 : i32 to vector<136x128xi32>
    %select_n3A_429 = arith.select %gt3A_425, %broadcast_in_dim3A_428, %select_n3A_360 : vector<136x128xi1>, vector<136x128xi32>
    %get3A_430 = arith.constant 0 : index
    %get3A_431 = arith.constant 0 : index
    %get3A_432 = arith.constant 90 : index
    %get3A_433 = memref.load %arg3[%get3A_430, %get3A_431, %get3A_432] : memref<1x1x240xf32, #tpu.memory_space<smem>>
    %get3A_434 = arith.constant 0 : index
    %get3A_435 = arith.constant 0 : index
    %get3A_436 = arith.constant 91 : index
    %get3A_437 = memref.load %arg3[%get3A_434, %get3A_435, %get3A_436] : memref<1x1x240xf32, #tpu.memory_space<smem>>
    %get3A_438 = arith.constant 0 : index
    %get3A_439 = arith.constant 0 : index
    %get3A_440 = arith.constant 92 : index
    %get3A_441 = memref.load %arg3[%get3A_438, %get3A_439, %get3A_440] : memref<1x1x240xf32, #tpu.memory_space<smem>>
    %get3A_442 = arith.constant 0 : index
    %get3A_443 = arith.constant 0 : index
    %get3A_444 = arith.constant 93 : index
    %get3A_445 = memref.load %arg3[%get3A_442, %get3A_443, %get3A_444] : memref<1x1x240xf32, #tpu.memory_space<smem>>
    %sub3A_446 = arith.subf %get3A_441, %get3A_433 : f32
    %sub3A_447 = arith.subf %get3A_445, %get3A_437 : f32
    %mul3A_448 = arith.mulf %sub3A_446, %sub3A_447 : f32
    %min3A_449 = vector.broadcast %get3A_441 : f32 to vector<136x128xf32>
    %min3A_450 = arith.minimumf %get3A_15, %min3A_449 : vector<136x128xf32>
    %max3A_451 = vector.broadcast %get3A_433 : f32 to vector<136x128xf32>
    %max3A_452 = arith.maximumf %get3A_5, %max3A_451 : vector<136x128xf32>
    %sub3A_453 = arith.subf %min3A_450, %max3A_452 : vector<136x128xf32>
    %max3A_454 = arith.constant 0.000000e+00 : f32
    %max3A_455 = vector.broadcast %max3A_454 : f32 to vector<136x128xf32>
    %max3A_456 = arith.maximumf %sub3A_453, %max3A_455 : vector<136x128xf32>
    %min3A_457 = vector.broadcast %get3A_445 : f32 to vector<136x128xf32>
    %min3A_458 = arith.minimumf %get3A_20, %min3A_457 : vector<136x128xf32>
    %max3A_459 = vector.broadcast %get3A_437 : f32 to vector<136x128xf32>
    %max3A_460 = arith.maximumf %get3A_10, %max3A_459 : vector<136x128xf32>
    %sub3A_461 = arith.subf %min3A_458, %max3A_460 : vector<136x128xf32>
    %max3A_462 = arith.constant 0.000000e+00 : f32
    %max3A_463 = vector.broadcast %max3A_462 : f32 to vector<136x128xf32>
    %max3A_464 = arith.maximumf %sub3A_461, %max3A_463 : vector<136x128xf32>
    %mul3A_465 = arith.mulf %max3A_456, %max3A_464 : vector<136x128xf32>
    %add3A_466 = vector.broadcast %mul3A_448 : f32 to vector<136x128xf32>
    %add3A_467 = arith.addf %get3A_25, %add3A_466 : vector<136x128xf32>
    %sub3A_468 = arith.subf %add3A_467, %mul3A_465 : vector<136x128xf32>
    %div3A_469 = arith.divf %mul3A_465, %sub3A_468 : vector<136x128xf32>
    %reduce_max3A_470 = vector.shape_cast %div3A_469 : vector<136x128xf32> to vector<1x136x128xf32>
    %reduce_max3A_471 = arith.constant dense<0xFF800000> : vector<1xf32>
    %reduce_max3A_472 = vector.multi_reduction <maximumf>, %reduce_max3A_470, %reduce_max3A_471 [1, 2] : vector<1x136x128xf32> to vector<1xf32>
    %reduce_max3A_473 = vector.shape_cast %reduce_max3A_472 : vector<1xf32> to vector<1x1x1xf32>
    %reduce_max3A_474 = vector.extract %reduce_max3A_473[0, 0, 0] : f32 from vector<1x1x1xf32>
    %eq3A_475 = vector.broadcast %reduce_max3A_474 : f32 to vector<136x128xf32>
    %eq3A_476 = arith.cmpf oeq, %div3A_469, %eq3A_475 : vector<136x128xf32>
    %jit3A_477 = arith.constant 1073741824 : i32
    %broadcast_in_dim3A_478 = vector.broadcast %jit3A_477 : i32 to vector<136x128xi32>
    %select_n3A_479 = arith.select %eq3A_476, %add3A, %broadcast_in_dim3A_478 : vector<136x128xi1>, vector<136x128xi32>
    %reduce_min3A_480 = vector.shape_cast %select_n3A_479 : vector<136x128xi32> to vector<1x136x128xi32>
    %reduce_min3A_481 = arith.constant dense<2147483647> : vector<1xi32>
    %reduce_min3A_482 = vector.multi_reduction <minsi>, %reduce_min3A_480, %reduce_min3A_481 [1, 2] : vector<1x136x128xi32> to vector<1xi32>
    %reduce_min3A_483 = vector.shape_cast %reduce_min3A_482 : vector<1xi32> to vector<1x1x1xi32>
    %reduce_min3A_484 = vector.extract %reduce_min3A_483[0, 0, 0] : i32 from vector<1x1x1xi32>
    %ge3A_485 = arith.constant 2.000000e-01 : f32
    %ge3A_486 = arith.cmpf oge, %reduce_max3A_474, %ge3A_485 : f32
    %jit3A_487 = arith.constant 2.000000e+00 : f32
    %jit3A_488 = arith.constant -1.000000e+00 : f32
    %select_n3A_489 = arith.select %ge3A_486, %jit3A_487, %jit3A_488 : f32
    %jit3A_490 = arith.constant 1.000000e+00 : f32
    %jit3A_491 = arith.constant 0.000000e+00 : f32
    %select_n3A_492 = arith.select %ge3A_486, %jit3A_490, %jit3A_491 : f32
    %add3A_493 = arith.addf %add3A_424, %select_n3A_492 : f32
    %gt3A_494 = arith.cmpf ogt, %div3A_469, %select_n3A_426 : vector<136x128xf32>
    %select_n3A_495 = arith.select %gt3A_494, %div3A_469, %select_n3A_426 : vector<136x128xi1>, vector<136x128xf32>
    %jit3A_496 = arith.constant 6 : i32
    %broadcast_in_dim3A_497 = vector.broadcast %jit3A_496 : i32 to vector<136x128xi32>
    %select_n3A_498 = arith.select %gt3A_494, %broadcast_in_dim3A_497, %select_n3A_429 : vector<136x128xi1>, vector<136x128xi32>
    %get3A_499 = arith.constant 0 : index
    %get3A_500 = arith.constant 0 : index
    %get3A_501 = arith.constant 105 : index
    %get3A_502 = memref.load %arg3[%get3A_499, %get3A_500, %get3A_501] : memref<1x1x240xf32, #tpu.memory_space<smem>>
    %get3A_503 = arith.constant 0 : index
    %get3A_504 = arith.constant 0 : index
    %get3A_505 = arith.constant 106 : index
    %get3A_506 = memref.load %arg3[%get3A_503, %get3A_504, %get3A_505] : memref<1x1x240xf32, #tpu.memory_space<smem>>
    %get3A_507 = arith.constant 0 : index
    %get3A_508 = arith.constant 0 : index
    %get3A_509 = arith.constant 107 : index
    %get3A_510 = memref.load %arg3[%get3A_507, %get3A_508, %get3A_509] : memref<1x1x240xf32, #tpu.memory_space<smem>>
    %get3A_511 = arith.constant 0 : index
    %get3A_512 = arith.constant 0 : index
    %get3A_513 = arith.constant 108 : index
    %get3A_514 = memref.load %arg3[%get3A_511, %get3A_512, %get3A_513] : memref<1x1x240xf32, #tpu.memory_space<smem>>
    %sub3A_515 = arith.subf %get3A_510, %get3A_502 : f32
    %sub3A_516 = arith.subf %get3A_514, %get3A_506 : f32
    %mul3A_517 = arith.mulf %sub3A_515, %sub3A_516 : f32
    %min3A_518 = vector.broadcast %get3A_510 : f32 to vector<136x128xf32>
    %min3A_519 = arith.minimumf %get3A_15, %min3A_518 : vector<136x128xf32>
    %max3A_520 = vector.broadcast %get3A_502 : f32 to vector<136x128xf32>
    %max3A_521 = arith.maximumf %get3A_5, %max3A_520 : vector<136x128xf32>
    %sub3A_522 = arith.subf %min3A_519, %max3A_521 : vector<136x128xf32>
    %max3A_523 = arith.constant 0.000000e+00 : f32
    %max3A_524 = vector.broadcast %max3A_523 : f32 to vector<136x128xf32>
    %max3A_525 = arith.maximumf %sub3A_522, %max3A_524 : vector<136x128xf32>
    %min3A_526 = vector.broadcast %get3A_514 : f32 to vector<136x128xf32>
    %min3A_527 = arith.minimumf %get3A_20, %min3A_526 : vector<136x128xf32>
    %max3A_528 = vector.broadcast %get3A_506 : f32 to vector<136x128xf32>
    %max3A_529 = arith.maximumf %get3A_10, %max3A_528 : vector<136x128xf32>
    %sub3A_530 = arith.subf %min3A_527, %max3A_529 : vector<136x128xf32>
    %max3A_531 = arith.constant 0.000000e+00 : f32
    %max3A_532 = vector.broadcast %max3A_531 : f32 to vector<136x128xf32>
    %max3A_533 = arith.maximumf %sub3A_530, %max3A_532 : vector<136x128xf32>
    %mul3A_534 = arith.mulf %max3A_525, %max3A_533 : vector<136x128xf32>
    %add3A_535 = vector.broadcast %mul3A_517 : f32 to vector<136x128xf32>
    %add3A_536 = arith.addf %get3A_25, %add3A_535 : vector<136x128xf32>
    %sub3A_537 = arith.subf %add3A_536, %mul3A_534 : vector<136x128xf32>
    %div3A_538 = arith.divf %mul3A_534, %sub3A_537 : vector<136x128xf32>
    %reduce_max3A_539 = vector.shape_cast %div3A_538 : vector<136x128xf32> to vector<1x136x128xf32>
    %reduce_max3A_540 = arith.constant dense<0xFF800000> : vector<1xf32>
    %reduce_max3A_541 = vector.multi_reduction <maximumf>, %reduce_max3A_539, %reduce_max3A_540 [1, 2] : vector<1x136x128xf32> to vector<1xf32>
    %reduce_max3A_542 = vector.shape_cast %reduce_max3A_541 : vector<1xf32> to vector<1x1x1xf32>
    %reduce_max3A_543 = vector.extract %reduce_max3A_542[0, 0, 0] : f32 from vector<1x1x1xf32>
    %eq3A_544 = vector.broadcast %reduce_max3A_543 : f32 to vector<136x128xf32>
    %eq3A_545 = arith.cmpf oeq, %div3A_538, %eq3A_544 : vector<136x128xf32>
    %jit3A_546 = arith.constant 1073741824 : i32
    %broadcast_in_dim3A_547 = vector.broadcast %jit3A_546 : i32 to vector<136x128xi32>
    %select_n3A_548 = arith.select %eq3A_545, %add3A, %broadcast_in_dim3A_547 : vector<136x128xi1>, vector<136x128xi32>
    %reduce_min3A_549 = vector.shape_cast %select_n3A_548 : vector<136x128xi32> to vector<1x136x128xi32>
    %reduce_min3A_550 = arith.constant dense<2147483647> : vector<1xi32>
    %reduce_min3A_551 = vector.multi_reduction <minsi>, %reduce_min3A_549, %reduce_min3A_550 [1, 2] : vector<1x136x128xi32> to vector<1xi32>
    %reduce_min3A_552 = vector.shape_cast %reduce_min3A_551 : vector<1xi32> to vector<1x1x1xi32>
    %reduce_min3A_553 = vector.extract %reduce_min3A_552[0, 0, 0] : i32 from vector<1x1x1xi32>
    %ge3A_554 = arith.constant 2.000000e-01 : f32
    %ge3A_555 = arith.cmpf oge, %reduce_max3A_543, %ge3A_554 : f32
    %jit3A_556 = arith.constant 2.000000e+00 : f32
    %jit3A_557 = arith.constant -1.000000e+00 : f32
    %select_n3A_558 = arith.select %ge3A_555, %jit3A_556, %jit3A_557 : f32
    %jit3A_559 = arith.constant 1.000000e+00 : f32
    %jit3A_560 = arith.constant 0.000000e+00 : f32
    %select_n3A_561 = arith.select %ge3A_555, %jit3A_559, %jit3A_560 : f32
    %add3A_562 = arith.addf %add3A_493, %select_n3A_561 : f32
    %gt3A_563 = arith.cmpf ogt, %div3A_538, %select_n3A_495 : vector<136x128xf32>
    %select_n3A_564 = arith.select %gt3A_563, %div3A_538, %select_n3A_495 : vector<136x128xi1>, vector<136x128xf32>
    %jit3A_565 = arith.constant 7 : i32
    %broadcast_in_dim3A_566 = vector.broadcast %jit3A_565 : i32 to vector<136x128xi32>
    %select_n3A_567 = arith.select %gt3A_563, %broadcast_in_dim3A_566, %select_n3A_498 : vector<136x128xi1>, vector<136x128xi32>
    %get3A_568 = arith.constant 0 : index
    %get3A_569 = arith.constant 0 : index
    %get3A_570 = arith.constant 120 : index
    %get3A_571 = memref.load %arg3[%get3A_568, %get3A_569, %get3A_570] : memref<1x1x240xf32, #tpu.memory_space<smem>>
    %get3A_572 = arith.constant 0 : index
    %get3A_573 = arith.constant 0 : index
    %get3A_574 = arith.constant 121 : index
    %get3A_575 = memref.load %arg3[%get3A_572, %get3A_573, %get3A_574] : memref<1x1x240xf32, #tpu.memory_space<smem>>
    %get3A_576 = arith.constant 0 : index
    %get3A_577 = arith.constant 0 : index
    %get3A_578 = arith.constant 122 : index
    %get3A_579 = memref.load %arg3[%get3A_576, %get3A_577, %get3A_578] : memref<1x1x240xf32, #tpu.memory_space<smem>>
    %get3A_580 = arith.constant 0 : index
    %get3A_581 = arith.constant 0 : index
    %get3A_582 = arith.constant 123 : index
    %get3A_583 = memref.load %arg3[%get3A_580, %get3A_581, %get3A_582] : memref<1x1x240xf32, #tpu.memory_space<smem>>
    %sub3A_584 = arith.subf %get3A_579, %get3A_571 : f32
    %sub3A_585 = arith.subf %get3A_583, %get3A_575 : f32
    %mul3A_586 = arith.mulf %sub3A_584, %sub3A_585 : f32
    %min3A_587 = vector.broadcast %get3A_579 : f32 to vector<136x128xf32>
    %min3A_588 = arith.minimumf %get3A_15, %min3A_587 : vector<136x128xf32>
    %max3A_589 = vector.broadcast %get3A_571 : f32 to vector<136x128xf32>
    %max3A_590 = arith.maximumf %get3A_5, %max3A_589 : vector<136x128xf32>
    %sub3A_591 = arith.subf %min3A_588, %max3A_590 : vector<136x128xf32>
    %max3A_592 = arith.constant 0.000000e+00 : f32
    %max3A_593 = vector.broadcast %max3A_592 : f32 to vector<136x128xf32>
    %max3A_594 = arith.maximumf %sub3A_591, %max3A_593 : vector<136x128xf32>
    %min3A_595 = vector.broadcast %get3A_583 : f32 to vector<136x128xf32>
    %min3A_596 = arith.minimumf %get3A_20, %min3A_595 : vector<136x128xf32>
    %max3A_597 = vector.broadcast %get3A_575 : f32 to vector<136x128xf32>
    %max3A_598 = arith.maximumf %get3A_10, %max3A_597 : vector<136x128xf32>
    %sub3A_599 = arith.subf %min3A_596, %max3A_598 : vector<136x128xf32>
    %max3A_600 = arith.constant 0.000000e+00 : f32
    %max3A_601 = vector.broadcast %max3A_600 : f32 to vector<136x128xf32>
    %max3A_602 = arith.maximumf %sub3A_599, %max3A_601 : vector<136x128xf32>
    %mul3A_603 = arith.mulf %max3A_594, %max3A_602 : vector<136x128xf32>
    %add3A_604 = vector.broadcast %mul3A_586 : f32 to vector<136x128xf32>
    %add3A_605 = arith.addf %get3A_25, %add3A_604 : vector<136x128xf32>
    %sub3A_606 = arith.subf %add3A_605, %mul3A_603 : vector<136x128xf32>
    %div3A_607 = arith.divf %mul3A_603, %sub3A_606 : vector<136x128xf32>
    %reduce_max3A_608 = vector.shape_cast %div3A_607 : vector<136x128xf32> to vector<1x136x128xf32>
    %reduce_max3A_609 = arith.constant dense<0xFF800000> : vector<1xf32>
    %reduce_max3A_610 = vector.multi_reduction <maximumf>, %reduce_max3A_608, %reduce_max3A_609 [1, 2] : vector<1x136x128xf32> to vector<1xf32>
    %reduce_max3A_611 = vector.shape_cast %reduce_max3A_610 : vector<1xf32> to vector<1x1x1xf32>
    %reduce_max3A_612 = vector.extract %reduce_max3A_611[0, 0, 0] : f32 from vector<1x1x1xf32>
    %eq3A_613 = vector.broadcast %reduce_max3A_612 : f32 to vector<136x128xf32>
    %eq3A_614 = arith.cmpf oeq, %div3A_607, %eq3A_613 : vector<136x128xf32>
    %jit3A_615 = arith.constant 1073741824 : i32
    %broadcast_in_dim3A_616 = vector.broadcast %jit3A_615 : i32 to vector<136x128xi32>
    %select_n3A_617 = arith.select %eq3A_614, %add3A, %broadcast_in_dim3A_616 : vector<136x128xi1>, vector<136x128xi32>
    %reduce_min3A_618 = vector.shape_cast %select_n3A_617 : vector<136x128xi32> to vector<1x136x128xi32>
    %reduce_min3A_619 = arith.constant dense<2147483647> : vector<1xi32>
    %reduce_min3A_620 = vector.multi_reduction <minsi>, %reduce_min3A_618, %reduce_min3A_619 [1, 2] : vector<1x136x128xi32> to vector<1xi32>
    %reduce_min3A_621 = vector.shape_cast %reduce_min3A_620 : vector<1xi32> to vector<1x1x1xi32>
    %reduce_min3A_622 = vector.extract %reduce_min3A_621[0, 0, 0] : i32 from vector<1x1x1xi32>
    %ge3A_623 = arith.constant 2.000000e-01 : f32
    %ge3A_624 = arith.cmpf oge, %reduce_max3A_612, %ge3A_623 : f32
    %jit3A_625 = arith.constant 2.000000e+00 : f32
    %jit3A_626 = arith.constant -1.000000e+00 : f32
    %select_n3A_627 = arith.select %ge3A_624, %jit3A_625, %jit3A_626 : f32
    %jit3A_628 = arith.constant 1.000000e+00 : f32
    %jit3A_629 = arith.constant 0.000000e+00 : f32
    %select_n3A_630 = arith.select %ge3A_624, %jit3A_628, %jit3A_629 : f32
    %add3A_631 = arith.addf %add3A_562, %select_n3A_630 : f32
    %gt3A_632 = arith.cmpf ogt, %div3A_607, %select_n3A_564 : vector<136x128xf32>
    %select_n3A_633 = arith.select %gt3A_632, %div3A_607, %select_n3A_564 : vector<136x128xi1>, vector<136x128xf32>
    %jit3A_634 = arith.constant 8 : i32
    %broadcast_in_dim3A_635 = vector.broadcast %jit3A_634 : i32 to vector<136x128xi32>
    %select_n3A_636 = arith.select %gt3A_632, %broadcast_in_dim3A_635, %select_n3A_567 : vector<136x128xi1>, vector<136x128xi32>
    %get3A_637 = arith.constant 0 : index
    %get3A_638 = arith.constant 0 : index
    %get3A_639 = arith.constant 135 : index
    %get3A_640 = memref.load %arg3[%get3A_637, %get3A_638, %get3A_639] : memref<1x1x240xf32, #tpu.memory_space<smem>>
    %get3A_641 = arith.constant 0 : index
    %get3A_642 = arith.constant 0 : index
    %get3A_643 = arith.constant 136 : index
    %get3A_644 = memref.load %arg3[%get3A_641, %get3A_642, %get3A_643] : memref<1x1x240xf32, #tpu.memory_space<smem>>
    %get3A_645 = arith.constant 0 : index
    %get3A_646 = arith.constant 0 : index
    %get3A_647 = arith.constant 137 : index
    %get3A_648 = memref.load %arg3[%get3A_645, %get3A_646, %get3A_647] : memref<1x1x240xf32, #tpu.memory_space<smem>>
    %get3A_649 = arith.constant 0 : index
    %get3A_650 = arith.constant 0 : index
    %get3A_651 = arith.constant 138 : index
    %get3A_652 = memref.load %arg3[%get3A_649, %get3A_650, %get3A_651] : memref<1x1x240xf32, #tpu.memory_space<smem>>
    %sub3A_653 = arith.subf %get3A_648, %get3A_640 : f32
    %sub3A_654 = arith.subf %get3A_652, %get3A_644 : f32
    %mul3A_655 = arith.mulf %sub3A_653, %sub3A_654 : f32
    %min3A_656 = vector.broadcast %get3A_648 : f32 to vector<136x128xf32>
    %min3A_657 = arith.minimumf %get3A_15, %min3A_656 : vector<136x128xf32>
    %max3A_658 = vector.broadcast %get3A_640 : f32 to vector<136x128xf32>
    %max3A_659 = arith.maximumf %get3A_5, %max3A_658 : vector<136x128xf32>
    %sub3A_660 = arith.subf %min3A_657, %max3A_659 : vector<136x128xf32>
    %max3A_661 = arith.constant 0.000000e+00 : f32
    %max3A_662 = vector.broadcast %max3A_661 : f32 to vector<136x128xf32>
    %max3A_663 = arith.maximumf %sub3A_660, %max3A_662 : vector<136x128xf32>
    %min3A_664 = vector.broadcast %get3A_652 : f32 to vector<136x128xf32>
    %min3A_665 = arith.minimumf %get3A_20, %min3A_664 : vector<136x128xf32>
    %max3A_666 = vector.broadcast %get3A_644 : f32 to vector<136x128xf32>
    %max3A_667 = arith.maximumf %get3A_10, %max3A_666 : vector<136x128xf32>
    %sub3A_668 = arith.subf %min3A_665, %max3A_667 : vector<136x128xf32>
    %max3A_669 = arith.constant 0.000000e+00 : f32
    %max3A_670 = vector.broadcast %max3A_669 : f32 to vector<136x128xf32>
    %max3A_671 = arith.maximumf %sub3A_668, %max3A_670 : vector<136x128xf32>
    %mul3A_672 = arith.mulf %max3A_663, %max3A_671 : vector<136x128xf32>
    %add3A_673 = vector.broadcast %mul3A_655 : f32 to vector<136x128xf32>
    %add3A_674 = arith.addf %get3A_25, %add3A_673 : vector<136x128xf32>
    %sub3A_675 = arith.subf %add3A_674, %mul3A_672 : vector<136x128xf32>
    %div3A_676 = arith.divf %mul3A_672, %sub3A_675 : vector<136x128xf32>
    %reduce_max3A_677 = vector.shape_cast %div3A_676 : vector<136x128xf32> to vector<1x136x128xf32>
    %reduce_max3A_678 = arith.constant dense<0xFF800000> : vector<1xf32>
    %reduce_max3A_679 = vector.multi_reduction <maximumf>, %reduce_max3A_677, %reduce_max3A_678 [1, 2] : vector<1x136x128xf32> to vector<1xf32>
    %reduce_max3A_680 = vector.shape_cast %reduce_max3A_679 : vector<1xf32> to vector<1x1x1xf32>
    %reduce_max3A_681 = vector.extract %reduce_max3A_680[0, 0, 0] : f32 from vector<1x1x1xf32>
    %eq3A_682 = vector.broadcast %reduce_max3A_681 : f32 to vector<136x128xf32>
    %eq3A_683 = arith.cmpf oeq, %div3A_676, %eq3A_682 : vector<136x128xf32>
    %jit3A_684 = arith.constant 1073741824 : i32
    %broadcast_in_dim3A_685 = vector.broadcast %jit3A_684 : i32 to vector<136x128xi32>
    %select_n3A_686 = arith.select %eq3A_683, %add3A, %broadcast_in_dim3A_685 : vector<136x128xi1>, vector<136x128xi32>
    %reduce_min3A_687 = vector.shape_cast %select_n3A_686 : vector<136x128xi32> to vector<1x136x128xi32>
    %reduce_min3A_688 = arith.constant dense<2147483647> : vector<1xi32>
    %reduce_min3A_689 = vector.multi_reduction <minsi>, %reduce_min3A_687, %reduce_min3A_688 [1, 2] : vector<1x136x128xi32> to vector<1xi32>
    %reduce_min3A_690 = vector.shape_cast %reduce_min3A_689 : vector<1xi32> to vector<1x1x1xi32>
    %reduce_min3A_691 = vector.extract %reduce_min3A_690[0, 0, 0] : i32 from vector<1x1x1xi32>
    %ge3A_692 = arith.constant 2.000000e-01 : f32
    %ge3A_693 = arith.cmpf oge, %reduce_max3A_681, %ge3A_692 : f32
    %jit3A_694 = arith.constant 2.000000e+00 : f32
    %jit3A_695 = arith.constant -1.000000e+00 : f32
    %select_n3A_696 = arith.select %ge3A_693, %jit3A_694, %jit3A_695 : f32
    %jit3A_697 = arith.constant 1.000000e+00 : f32
    %jit3A_698 = arith.constant 0.000000e+00 : f32
    %select_n3A_699 = arith.select %ge3A_693, %jit3A_697, %jit3A_698 : f32
    %add3A_700 = arith.addf %add3A_631, %select_n3A_699 : f32
    %gt3A_701 = arith.cmpf ogt, %div3A_676, %select_n3A_633 : vector<136x128xf32>
    %select_n3A_702 = arith.select %gt3A_701, %div3A_676, %select_n3A_633 : vector<136x128xi1>, vector<136x128xf32>
    %jit3A_703 = arith.constant 9 : i32
    %broadcast_in_dim3A_704 = vector.broadcast %jit3A_703 : i32 to vector<136x128xi32>
    %select_n3A_705 = arith.select %gt3A_701, %broadcast_in_dim3A_704, %select_n3A_636 : vector<136x128xi1>, vector<136x128xi32>
    %get3A_706 = arith.constant 0 : index
    %get3A_707 = arith.constant 0 : index
    %get3A_708 = arith.constant 150 : index
    %get3A_709 = memref.load %arg3[%get3A_706, %get3A_707, %get3A_708] : memref<1x1x240xf32, #tpu.memory_space<smem>>
    %get3A_710 = arith.constant 0 : index
    %get3A_711 = arith.constant 0 : index
    %get3A_712 = arith.constant 151 : index
    %get3A_713 = memref.load %arg3[%get3A_710, %get3A_711, %get3A_712] : memref<1x1x240xf32, #tpu.memory_space<smem>>
    %get3A_714 = arith.constant 0 : index
    %get3A_715 = arith.constant 0 : index
    %get3A_716 = arith.constant 152 : index
    %get3A_717 = memref.load %arg3[%get3A_714, %get3A_715, %get3A_716] : memref<1x1x240xf32, #tpu.memory_space<smem>>
    %get3A_718 = arith.constant 0 : index
    %get3A_719 = arith.constant 0 : index
    %get3A_720 = arith.constant 153 : index
    %get3A_721 = memref.load %arg3[%get3A_718, %get3A_719, %get3A_720] : memref<1x1x240xf32, #tpu.memory_space<smem>>
    %sub3A_722 = arith.subf %get3A_717, %get3A_709 : f32
    %sub3A_723 = arith.subf %get3A_721, %get3A_713 : f32
    %mul3A_724 = arith.mulf %sub3A_722, %sub3A_723 : f32
    %min3A_725 = vector.broadcast %get3A_717 : f32 to vector<136x128xf32>
    %min3A_726 = arith.minimumf %get3A_15, %min3A_725 : vector<136x128xf32>
    %max3A_727 = vector.broadcast %get3A_709 : f32 to vector<136x128xf32>
    %max3A_728 = arith.maximumf %get3A_5, %max3A_727 : vector<136x128xf32>
    %sub3A_729 = arith.subf %min3A_726, %max3A_728 : vector<136x128xf32>
    %max3A_730 = arith.constant 0.000000e+00 : f32
    %max3A_731 = vector.broadcast %max3A_730 : f32 to vector<136x128xf32>
    %max3A_732 = arith.maximumf %sub3A_729, %max3A_731 : vector<136x128xf32>
    %min3A_733 = vector.broadcast %get3A_721 : f32 to vector<136x128xf32>
    %min3A_734 = arith.minimumf %get3A_20, %min3A_733 : vector<136x128xf32>
    %max3A_735 = vector.broadcast %get3A_713 : f32 to vector<136x128xf32>
    %max3A_736 = arith.maximumf %get3A_10, %max3A_735 : vector<136x128xf32>
    %sub3A_737 = arith.subf %min3A_734, %max3A_736 : vector<136x128xf32>
    %max3A_738 = arith.constant 0.000000e+00 : f32
    %max3A_739 = vector.broadcast %max3A_738 : f32 to vector<136x128xf32>
    %max3A_740 = arith.maximumf %sub3A_737, %max3A_739 : vector<136x128xf32>
    %mul3A_741 = arith.mulf %max3A_732, %max3A_740 : vector<136x128xf32>
    %add3A_742 = vector.broadcast %mul3A_724 : f32 to vector<136x128xf32>
    %add3A_743 = arith.addf %get3A_25, %add3A_742 : vector<136x128xf32>
    %sub3A_744 = arith.subf %add3A_743, %mul3A_741 : vector<136x128xf32>
    %div3A_745 = arith.divf %mul3A_741, %sub3A_744 : vector<136x128xf32>
    %reduce_max3A_746 = vector.shape_cast %div3A_745 : vector<136x128xf32> to vector<1x136x128xf32>
    %reduce_max3A_747 = arith.constant dense<0xFF800000> : vector<1xf32>
    %reduce_max3A_748 = vector.multi_reduction <maximumf>, %reduce_max3A_746, %reduce_max3A_747 [1, 2] : vector<1x136x128xf32> to vector<1xf32>
    %reduce_max3A_749 = vector.shape_cast %reduce_max3A_748 : vector<1xf32> to vector<1x1x1xf32>
    %reduce_max3A_750 = vector.extract %reduce_max3A_749[0, 0, 0] : f32 from vector<1x1x1xf32>
    %eq3A_751 = vector.broadcast %reduce_max3A_750 : f32 to vector<136x128xf32>
    %eq3A_752 = arith.cmpf oeq, %div3A_745, %eq3A_751 : vector<136x128xf32>
    %jit3A_753 = arith.constant 1073741824 : i32
    %broadcast_in_dim3A_754 = vector.broadcast %jit3A_753 : i32 to vector<136x128xi32>
    %select_n3A_755 = arith.select %eq3A_752, %add3A, %broadcast_in_dim3A_754 : vector<136x128xi1>, vector<136x128xi32>
    %reduce_min3A_756 = vector.shape_cast %select_n3A_755 : vector<136x128xi32> to vector<1x136x128xi32>
    %reduce_min3A_757 = arith.constant dense<2147483647> : vector<1xi32>
    %reduce_min3A_758 = vector.multi_reduction <minsi>, %reduce_min3A_756, %reduce_min3A_757 [1, 2] : vector<1x136x128xi32> to vector<1xi32>
    %reduce_min3A_759 = vector.shape_cast %reduce_min3A_758 : vector<1xi32> to vector<1x1x1xi32>
    %reduce_min3A_760 = vector.extract %reduce_min3A_759[0, 0, 0] : i32 from vector<1x1x1xi32>
    %ge3A_761 = arith.constant 2.000000e-01 : f32
    %ge3A_762 = arith.cmpf oge, %reduce_max3A_750, %ge3A_761 : f32
    %jit3A_763 = arith.constant 2.000000e+00 : f32
    %jit3A_764 = arith.constant -1.000000e+00 : f32
    %select_n3A_765 = arith.select %ge3A_762, %jit3A_763, %jit3A_764 : f32
    %jit3A_766 = arith.constant 1.000000e+00 : f32
    %jit3A_767 = arith.constant 0.000000e+00 : f32
    %select_n3A_768 = arith.select %ge3A_762, %jit3A_766, %jit3A_767 : f32
    %add3A_769 = arith.addf %add3A_700, %select_n3A_768 : f32
    %gt3A_770 = arith.cmpf ogt, %div3A_745, %select_n3A_702 : vector<136x128xf32>
    %select_n3A_771 = arith.select %gt3A_770, %div3A_745, %select_n3A_702 : vector<136x128xi1>, vector<136x128xf32>
    %jit3A_772 = arith.constant 10 : i32
    %broadcast_in_dim3A_773 = vector.broadcast %jit3A_772 : i32 to vector<136x128xi32>
    %select_n3A_774 = arith.select %gt3A_770, %broadcast_in_dim3A_773, %select_n3A_705 : vector<136x128xi1>, vector<136x128xi32>
    %get3A_775 = arith.constant 0 : index
    %get3A_776 = arith.constant 0 : index
    %get3A_777 = arith.constant 165 : index
    %get3A_778 = memref.load %arg3[%get3A_775, %get3A_776, %get3A_777] : memref<1x1x240xf32, #tpu.memory_space<smem>>
    %get3A_779 = arith.constant 0 : index
    %get3A_780 = arith.constant 0 : index
    %get3A_781 = arith.constant 166 : index
    %get3A_782 = memref.load %arg3[%get3A_779, %get3A_780, %get3A_781] : memref<1x1x240xf32, #tpu.memory_space<smem>>
    %get3A_783 = arith.constant 0 : index
    %get3A_784 = arith.constant 0 : index
    %get3A_785 = arith.constant 167 : index
    %get3A_786 = memref.load %arg3[%get3A_783, %get3A_784, %get3A_785] : memref<1x1x240xf32, #tpu.memory_space<smem>>
    %get3A_787 = arith.constant 0 : index
    %get3A_788 = arith.constant 0 : index
    %get3A_789 = arith.constant 168 : index
    %get3A_790 = memref.load %arg3[%get3A_787, %get3A_788, %get3A_789] : memref<1x1x240xf32, #tpu.memory_space<smem>>
    %sub3A_791 = arith.subf %get3A_786, %get3A_778 : f32
    %sub3A_792 = arith.subf %get3A_790, %get3A_782 : f32
    %mul3A_793 = arith.mulf %sub3A_791, %sub3A_792 : f32
    %min3A_794 = vector.broadcast %get3A_786 : f32 to vector<136x128xf32>
    %min3A_795 = arith.minimumf %get3A_15, %min3A_794 : vector<136x128xf32>
    %max3A_796 = vector.broadcast %get3A_778 : f32 to vector<136x128xf32>
    %max3A_797 = arith.maximumf %get3A_5, %max3A_796 : vector<136x128xf32>
    %sub3A_798 = arith.subf %min3A_795, %max3A_797 : vector<136x128xf32>
    %max3A_799 = arith.constant 0.000000e+00 : f32
    %max3A_800 = vector.broadcast %max3A_799 : f32 to vector<136x128xf32>
    %max3A_801 = arith.maximumf %sub3A_798, %max3A_800 : vector<136x128xf32>
    %min3A_802 = vector.broadcast %get3A_790 : f32 to vector<136x128xf32>
    %min3A_803 = arith.minimumf %get3A_20, %min3A_802 : vector<136x128xf32>
    %max3A_804 = vector.broadcast %get3A_782 : f32 to vector<136x128xf32>
    %max3A_805 = arith.maximumf %get3A_10, %max3A_804 : vector<136x128xf32>
    %sub3A_806 = arith.subf %min3A_803, %max3A_805 : vector<136x128xf32>
    %max3A_807 = arith.constant 0.000000e+00 : f32
    %max3A_808 = vector.broadcast %max3A_807 : f32 to vector<136x128xf32>
    %max3A_809 = arith.maximumf %sub3A_806, %max3A_808 : vector<136x128xf32>
    %mul3A_810 = arith.mulf %max3A_801, %max3A_809 : vector<136x128xf32>
    %add3A_811 = vector.broadcast %mul3A_793 : f32 to vector<136x128xf32>
    %add3A_812 = arith.addf %get3A_25, %add3A_811 : vector<136x128xf32>
    %sub3A_813 = arith.subf %add3A_812, %mul3A_810 : vector<136x128xf32>
    %div3A_814 = arith.divf %mul3A_810, %sub3A_813 : vector<136x128xf32>
    %reduce_max3A_815 = vector.shape_cast %div3A_814 : vector<136x128xf32> to vector<1x136x128xf32>
    %reduce_max3A_816 = arith.constant dense<0xFF800000> : vector<1xf32>
    %reduce_max3A_817 = vector.multi_reduction <maximumf>, %reduce_max3A_815, %reduce_max3A_816 [1, 2] : vector<1x136x128xf32> to vector<1xf32>
    %reduce_max3A_818 = vector.shape_cast %reduce_max3A_817 : vector<1xf32> to vector<1x1x1xf32>
    %reduce_max3A_819 = vector.extract %reduce_max3A_818[0, 0, 0] : f32 from vector<1x1x1xf32>
    %eq3A_820 = vector.broadcast %reduce_max3A_819 : f32 to vector<136x128xf32>
    %eq3A_821 = arith.cmpf oeq, %div3A_814, %eq3A_820 : vector<136x128xf32>
    %jit3A_822 = arith.constant 1073741824 : i32
    %broadcast_in_dim3A_823 = vector.broadcast %jit3A_822 : i32 to vector<136x128xi32>
    %select_n3A_824 = arith.select %eq3A_821, %add3A, %broadcast_in_dim3A_823 : vector<136x128xi1>, vector<136x128xi32>
    %reduce_min3A_825 = vector.shape_cast %select_n3A_824 : vector<136x128xi32> to vector<1x136x128xi32>
    %reduce_min3A_826 = arith.constant dense<2147483647> : vector<1xi32>
    %reduce_min3A_827 = vector.multi_reduction <minsi>, %reduce_min3A_825, %reduce_min3A_826 [1, 2] : vector<1x136x128xi32> to vector<1xi32>
    %reduce_min3A_828 = vector.shape_cast %reduce_min3A_827 : vector<1xi32> to vector<1x1x1xi32>
    %reduce_min3A_829 = vector.extract %reduce_min3A_828[0, 0, 0] : i32 from vector<1x1x1xi32>
    %ge3A_830 = arith.constant 2.000000e-01 : f32
    %ge3A_831 = arith.cmpf oge, %reduce_max3A_819, %ge3A_830 : f32
    %jit3A_832 = arith.constant 2.000000e+00 : f32
    %jit3A_833 = arith.constant -1.000000e+00 : f32
    %select_n3A_834 = arith.select %ge3A_831, %jit3A_832, %jit3A_833 : f32
    %jit3A_835 = arith.constant 1.000000e+00 : f32
    %jit3A_836 = arith.constant 0.000000e+00 : f32
    %select_n3A_837 = arith.select %ge3A_831, %jit3A_835, %jit3A_836 : f32
    %add3A_838 = arith.addf %add3A_769, %select_n3A_837 : f32
    %gt3A_839 = arith.cmpf ogt, %div3A_814, %select_n3A_771 : vector<136x128xf32>
    %select_n3A_840 = arith.select %gt3A_839, %div3A_814, %select_n3A_771 : vector<136x128xi1>, vector<136x128xf32>
    %jit3A_841 = arith.constant 11 : i32
    %broadcast_in_dim3A_842 = vector.broadcast %jit3A_841 : i32 to vector<136x128xi32>
    %select_n3A_843 = arith.select %gt3A_839, %broadcast_in_dim3A_842, %select_n3A_774 : vector<136x128xi1>, vector<136x128xi32>
    %get3A_844 = arith.constant 0 : index
    %get3A_845 = arith.constant 0 : index
    %get3A_846 = arith.constant 180 : index
    %get3A_847 = memref.load %arg3[%get3A_844, %get3A_845, %get3A_846] : memref<1x1x240xf32, #tpu.memory_space<smem>>
    %get3A_848 = arith.constant 0 : index
    %get3A_849 = arith.constant 0 : index
    %get3A_850 = arith.constant 181 : index
    %get3A_851 = memref.load %arg3[%get3A_848, %get3A_849, %get3A_850] : memref<1x1x240xf32, #tpu.memory_space<smem>>
    %get3A_852 = arith.constant 0 : index
    %get3A_853 = arith.constant 0 : index
    %get3A_854 = arith.constant 182 : index
    %get3A_855 = memref.load %arg3[%get3A_852, %get3A_853, %get3A_854] : memref<1x1x240xf32, #tpu.memory_space<smem>>
    %get3A_856 = arith.constant 0 : index
    %get3A_857 = arith.constant 0 : index
    %get3A_858 = arith.constant 183 : index
    %get3A_859 = memref.load %arg3[%get3A_856, %get3A_857, %get3A_858] : memref<1x1x240xf32, #tpu.memory_space<smem>>
    %sub3A_860 = arith.subf %get3A_855, %get3A_847 : f32
    %sub3A_861 = arith.subf %get3A_859, %get3A_851 : f32
    %mul3A_862 = arith.mulf %sub3A_860, %sub3A_861 : f32
    %min3A_863 = vector.broadcast %get3A_855 : f32 to vector<136x128xf32>
    %min3A_864 = arith.minimumf %get3A_15, %min3A_863 : vector<136x128xf32>
    %max3A_865 = vector.broadcast %get3A_847 : f32 to vector<136x128xf32>
    %max3A_866 = arith.maximumf %get3A_5, %max3A_865 : vector<136x128xf32>
    %sub3A_867 = arith.subf %min3A_864, %max3A_866 : vector<136x128xf32>
    %max3A_868 = arith.constant 0.000000e+00 : f32
    %max3A_869 = vector.broadcast %max3A_868 : f32 to vector<136x128xf32>
    %max3A_870 = arith.maximumf %sub3A_867, %max3A_869 : vector<136x128xf32>
    %min3A_871 = vector.broadcast %get3A_859 : f32 to vector<136x128xf32>
    %min3A_872 = arith.minimumf %get3A_20, %min3A_871 : vector<136x128xf32>
    %max3A_873 = vector.broadcast %get3A_851 : f32 to vector<136x128xf32>
    %max3A_874 = arith.maximumf %get3A_10, %max3A_873 : vector<136x128xf32>
    %sub3A_875 = arith.subf %min3A_872, %max3A_874 : vector<136x128xf32>
    %max3A_876 = arith.constant 0.000000e+00 : f32
    %max3A_877 = vector.broadcast %max3A_876 : f32 to vector<136x128xf32>
    %max3A_878 = arith.maximumf %sub3A_875, %max3A_877 : vector<136x128xf32>
    %mul3A_879 = arith.mulf %max3A_870, %max3A_878 : vector<136x128xf32>
    %add3A_880 = vector.broadcast %mul3A_862 : f32 to vector<136x128xf32>
    %add3A_881 = arith.addf %get3A_25, %add3A_880 : vector<136x128xf32>
    %sub3A_882 = arith.subf %add3A_881, %mul3A_879 : vector<136x128xf32>
    %div3A_883 = arith.divf %mul3A_879, %sub3A_882 : vector<136x128xf32>
    %reduce_max3A_884 = vector.shape_cast %div3A_883 : vector<136x128xf32> to vector<1x136x128xf32>
    %reduce_max3A_885 = arith.constant dense<0xFF800000> : vector<1xf32>
    %reduce_max3A_886 = vector.multi_reduction <maximumf>, %reduce_max3A_884, %reduce_max3A_885 [1, 2] : vector<1x136x128xf32> to vector<1xf32>
    %reduce_max3A_887 = vector.shape_cast %reduce_max3A_886 : vector<1xf32> to vector<1x1x1xf32>
    %reduce_max3A_888 = vector.extract %reduce_max3A_887[0, 0, 0] : f32 from vector<1x1x1xf32>
    %eq3A_889 = vector.broadcast %reduce_max3A_888 : f32 to vector<136x128xf32>
    %eq3A_890 = arith.cmpf oeq, %div3A_883, %eq3A_889 : vector<136x128xf32>
    %jit3A_891 = arith.constant 1073741824 : i32
    %broadcast_in_dim3A_892 = vector.broadcast %jit3A_891 : i32 to vector<136x128xi32>
    %select_n3A_893 = arith.select %eq3A_890, %add3A, %broadcast_in_dim3A_892 : vector<136x128xi1>, vector<136x128xi32>
    %reduce_min3A_894 = vector.shape_cast %select_n3A_893 : vector<136x128xi32> to vector<1x136x128xi32>
    %reduce_min3A_895 = arith.constant dense<2147483647> : vector<1xi32>
    %reduce_min3A_896 = vector.multi_reduction <minsi>, %reduce_min3A_894, %reduce_min3A_895 [1, 2] : vector<1x136x128xi32> to vector<1xi32>
    %reduce_min3A_897 = vector.shape_cast %reduce_min3A_896 : vector<1xi32> to vector<1x1x1xi32>
    %reduce_min3A_898 = vector.extract %reduce_min3A_897[0, 0, 0] : i32 from vector<1x1x1xi32>
    %ge3A_899 = arith.constant 2.000000e-01 : f32
    %ge3A_900 = arith.cmpf oge, %reduce_max3A_888, %ge3A_899 : f32
    %jit3A_901 = arith.constant 2.000000e+00 : f32
    %jit3A_902 = arith.constant -1.000000e+00 : f32
    %select_n3A_903 = arith.select %ge3A_900, %jit3A_901, %jit3A_902 : f32
    %jit3A_904 = arith.constant 1.000000e+00 : f32
    %jit3A_905 = arith.constant 0.000000e+00 : f32
    %select_n3A_906 = arith.select %ge3A_900, %jit3A_904, %jit3A_905 : f32
    %add3A_907 = arith.addf %add3A_838, %select_n3A_906 : f32
    %gt3A_908 = arith.cmpf ogt, %div3A_883, %select_n3A_840 : vector<136x128xf32>
    %select_n3A_909 = arith.select %gt3A_908, %div3A_883, %select_n3A_840 : vector<136x128xi1>, vector<136x128xf32>
    %jit3A_910 = arith.constant 12 : i32
    %broadcast_in_dim3A_911 = vector.broadcast %jit3A_910 : i32 to vector<136x128xi32>
    %select_n3A_912 = arith.select %gt3A_908, %broadcast_in_dim3A_911, %select_n3A_843 : vector<136x128xi1>, vector<136x128xi32>
    %get3A_913 = arith.constant 0 : index
    %get3A_914 = arith.constant 0 : index
    %get3A_915 = arith.constant 195 : index
    %get3A_916 = memref.load %arg3[%get3A_913, %get3A_914, %get3A_915] : memref<1x1x240xf32, #tpu.memory_space<smem>>
    %get3A_917 = arith.constant 0 : index
    %get3A_918 = arith.constant 0 : index
    %get3A_919 = arith.constant 196 : index
    %get3A_920 = memref.load %arg3[%get3A_917, %get3A_918, %get3A_919] : memref<1x1x240xf32, #tpu.memory_space<smem>>
    %get3A_921 = arith.constant 0 : index
    %get3A_922 = arith.constant 0 : index
    %get3A_923 = arith.constant 197 : index
    %get3A_924 = memref.load %arg3[%get3A_921, %get3A_922, %get3A_923] : memref<1x1x240xf32, #tpu.memory_space<smem>>
    %get3A_925 = arith.constant 0 : index
    %get3A_926 = arith.constant 0 : index
    %get3A_927 = arith.constant 198 : index
    %get3A_928 = memref.load %arg3[%get3A_925, %get3A_926, %get3A_927] : memref<1x1x240xf32, #tpu.memory_space<smem>>
    %sub3A_929 = arith.subf %get3A_924, %get3A_916 : f32
    %sub3A_930 = arith.subf %get3A_928, %get3A_920 : f32
    %mul3A_931 = arith.mulf %sub3A_929, %sub3A_930 : f32
    %min3A_932 = vector.broadcast %get3A_924 : f32 to vector<136x128xf32>
    %min3A_933 = arith.minimumf %get3A_15, %min3A_932 : vector<136x128xf32>
    %max3A_934 = vector.broadcast %get3A_916 : f32 to vector<136x128xf32>
    %max3A_935 = arith.maximumf %get3A_5, %max3A_934 : vector<136x128xf32>
    %sub3A_936 = arith.subf %min3A_933, %max3A_935 : vector<136x128xf32>
    %max3A_937 = arith.constant 0.000000e+00 : f32
    %max3A_938 = vector.broadcast %max3A_937 : f32 to vector<136x128xf32>
    %max3A_939 = arith.maximumf %sub3A_936, %max3A_938 : vector<136x128xf32>
    %min3A_940 = vector.broadcast %get3A_928 : f32 to vector<136x128xf32>
    %min3A_941 = arith.minimumf %get3A_20, %min3A_940 : vector<136x128xf32>
    %max3A_942 = vector.broadcast %get3A_920 : f32 to vector<136x128xf32>
    %max3A_943 = arith.maximumf %get3A_10, %max3A_942 : vector<136x128xf32>
    %sub3A_944 = arith.subf %min3A_941, %max3A_943 : vector<136x128xf32>
    %max3A_945 = arith.constant 0.000000e+00 : f32
    %max3A_946 = vector.broadcast %max3A_945 : f32 to vector<136x128xf32>
    %max3A_947 = arith.maximumf %sub3A_944, %max3A_946 : vector<136x128xf32>
    %mul3A_948 = arith.mulf %max3A_939, %max3A_947 : vector<136x128xf32>
    %add3A_949 = vector.broadcast %mul3A_931 : f32 to vector<136x128xf32>
    %add3A_950 = arith.addf %get3A_25, %add3A_949 : vector<136x128xf32>
    %sub3A_951 = arith.subf %add3A_950, %mul3A_948 : vector<136x128xf32>
    %div3A_952 = arith.divf %mul3A_948, %sub3A_951 : vector<136x128xf32>
    %reduce_max3A_953 = vector.shape_cast %div3A_952 : vector<136x128xf32> to vector<1x136x128xf32>
    %reduce_max3A_954 = arith.constant dense<0xFF800000> : vector<1xf32>
    %reduce_max3A_955 = vector.multi_reduction <maximumf>, %reduce_max3A_953, %reduce_max3A_954 [1, 2] : vector<1x136x128xf32> to vector<1xf32>
    %reduce_max3A_956 = vector.shape_cast %reduce_max3A_955 : vector<1xf32> to vector<1x1x1xf32>
    %reduce_max3A_957 = vector.extract %reduce_max3A_956[0, 0, 0] : f32 from vector<1x1x1xf32>
    %eq3A_958 = vector.broadcast %reduce_max3A_957 : f32 to vector<136x128xf32>
    %eq3A_959 = arith.cmpf oeq, %div3A_952, %eq3A_958 : vector<136x128xf32>
    %jit3A_960 = arith.constant 1073741824 : i32
    %broadcast_in_dim3A_961 = vector.broadcast %jit3A_960 : i32 to vector<136x128xi32>
    %select_n3A_962 = arith.select %eq3A_959, %add3A, %broadcast_in_dim3A_961 : vector<136x128xi1>, vector<136x128xi32>
    %reduce_min3A_963 = vector.shape_cast %select_n3A_962 : vector<136x128xi32> to vector<1x136x128xi32>
    %reduce_min3A_964 = arith.constant dense<2147483647> : vector<1xi32>
    %reduce_min3A_965 = vector.multi_reduction <minsi>, %reduce_min3A_963, %reduce_min3A_964 [1, 2] : vector<1x136x128xi32> to vector<1xi32>
    %reduce_min3A_966 = vector.shape_cast %reduce_min3A_965 : vector<1xi32> to vector<1x1x1xi32>
    %reduce_min3A_967 = vector.extract %reduce_min3A_966[0, 0, 0] : i32 from vector<1x1x1xi32>
    %ge3A_968 = arith.constant 2.000000e-01 : f32
    %ge3A_969 = arith.cmpf oge, %reduce_max3A_957, %ge3A_968 : f32
    %jit3A_970 = arith.constant 2.000000e+00 : f32
    %jit3A_971 = arith.constant -1.000000e+00 : f32
    %select_n3A_972 = arith.select %ge3A_969, %jit3A_970, %jit3A_971 : f32
    %jit3A_973 = arith.constant 1.000000e+00 : f32
    %jit3A_974 = arith.constant 0.000000e+00 : f32
    %select_n3A_975 = arith.select %ge3A_969, %jit3A_973, %jit3A_974 : f32
    %add3A_976 = arith.addf %add3A_907, %select_n3A_975 : f32
    %gt3A_977 = arith.cmpf ogt, %div3A_952, %select_n3A_909 : vector<136x128xf32>
    %select_n3A_978 = arith.select %gt3A_977, %div3A_952, %select_n3A_909 : vector<136x128xi1>, vector<136x128xf32>
    %jit3A_979 = arith.constant 13 : i32
    %broadcast_in_dim3A_980 = vector.broadcast %jit3A_979 : i32 to vector<136x128xi32>
    %select_n3A_981 = arith.select %gt3A_977, %broadcast_in_dim3A_980, %select_n3A_912 : vector<136x128xi1>, vector<136x128xi32>
    %get3A_982 = arith.constant 0 : index
    %get3A_983 = arith.constant 0 : index
    %get3A_984 = arith.constant 210 : index
    %get3A_985 = memref.load %arg3[%get3A_982, %get3A_983, %get3A_984] : memref<1x1x240xf32, #tpu.memory_space<smem>>
    %get3A_986 = arith.constant 0 : index
    %get3A_987 = arith.constant 0 : index
    %get3A_988 = arith.constant 211 : index
    %get3A_989 = memref.load %arg3[%get3A_986, %get3A_987, %get3A_988] : memref<1x1x240xf32, #tpu.memory_space<smem>>
    %get3A_990 = arith.constant 0 : index
    %get3A_991 = arith.constant 0 : index
    %get3A_992 = arith.constant 212 : index
    %get3A_993 = memref.load %arg3[%get3A_990, %get3A_991, %get3A_992] : memref<1x1x240xf32, #tpu.memory_space<smem>>
    %get3A_994 = arith.constant 0 : index
    %get3A_995 = arith.constant 0 : index
    %get3A_996 = arith.constant 213 : index
    %get3A_997 = memref.load %arg3[%get3A_994, %get3A_995, %get3A_996] : memref<1x1x240xf32, #tpu.memory_space<smem>>
    %sub3A_998 = arith.subf %get3A_993, %get3A_985 : f32
    %sub3A_999 = arith.subf %get3A_997, %get3A_989 : f32
    %mul3A_1000 = arith.mulf %sub3A_998, %sub3A_999 : f32
    %min3A_1001 = vector.broadcast %get3A_993 : f32 to vector<136x128xf32>
    %min3A_1002 = arith.minimumf %get3A_15, %min3A_1001 : vector<136x128xf32>
    %max3A_1003 = vector.broadcast %get3A_985 : f32 to vector<136x128xf32>
    %max3A_1004 = arith.maximumf %get3A_5, %max3A_1003 : vector<136x128xf32>
    %sub3A_1005 = arith.subf %min3A_1002, %max3A_1004 : vector<136x128xf32>
    %max3A_1006 = arith.constant 0.000000e+00 : f32
    %max3A_1007 = vector.broadcast %max3A_1006 : f32 to vector<136x128xf32>
    %max3A_1008 = arith.maximumf %sub3A_1005, %max3A_1007 : vector<136x128xf32>
    %min3A_1009 = vector.broadcast %get3A_997 : f32 to vector<136x128xf32>
    %min3A_1010 = arith.minimumf %get3A_20, %min3A_1009 : vector<136x128xf32>
    %max3A_1011 = vector.broadcast %get3A_989 : f32 to vector<136x128xf32>
    %max3A_1012 = arith.maximumf %get3A_10, %max3A_1011 : vector<136x128xf32>
    %sub3A_1013 = arith.subf %min3A_1010, %max3A_1012 : vector<136x128xf32>
    %max3A_1014 = arith.constant 0.000000e+00 : f32
    %max3A_1015 = vector.broadcast %max3A_1014 : f32 to vector<136x128xf32>
    %max3A_1016 = arith.maximumf %sub3A_1013, %max3A_1015 : vector<136x128xf32>
    %mul3A_1017 = arith.mulf %max3A_1008, %max3A_1016 : vector<136x128xf32>
    %add3A_1018 = vector.broadcast %mul3A_1000 : f32 to vector<136x128xf32>
    %add3A_1019 = arith.addf %get3A_25, %add3A_1018 : vector<136x128xf32>
    %sub3A_1020 = arith.subf %add3A_1019, %mul3A_1017 : vector<136x128xf32>
    %div3A_1021 = arith.divf %mul3A_1017, %sub3A_1020 : vector<136x128xf32>
    %reduce_max3A_1022 = vector.shape_cast %div3A_1021 : vector<136x128xf32> to vector<1x136x128xf32>
    %reduce_max3A_1023 = arith.constant dense<0xFF800000> : vector<1xf32>
    %reduce_max3A_1024 = vector.multi_reduction <maximumf>, %reduce_max3A_1022, %reduce_max3A_1023 [1, 2] : vector<1x136x128xf32> to vector<1xf32>
    %reduce_max3A_1025 = vector.shape_cast %reduce_max3A_1024 : vector<1xf32> to vector<1x1x1xf32>
    %reduce_max3A_1026 = vector.extract %reduce_max3A_1025[0, 0, 0] : f32 from vector<1x1x1xf32>
    %eq3A_1027 = vector.broadcast %reduce_max3A_1026 : f32 to vector<136x128xf32>
    %eq3A_1028 = arith.cmpf oeq, %div3A_1021, %eq3A_1027 : vector<136x128xf32>
    %jit3A_1029 = arith.constant 1073741824 : i32
    %broadcast_in_dim3A_1030 = vector.broadcast %jit3A_1029 : i32 to vector<136x128xi32>
    %select_n3A_1031 = arith.select %eq3A_1028, %add3A, %broadcast_in_dim3A_1030 : vector<136x128xi1>, vector<136x128xi32>
    %reduce_min3A_1032 = vector.shape_cast %select_n3A_1031 : vector<136x128xi32> to vector<1x136x128xi32>
    %reduce_min3A_1033 = arith.constant dense<2147483647> : vector<1xi32>
    %reduce_min3A_1034 = vector.multi_reduction <minsi>, %reduce_min3A_1032, %reduce_min3A_1033 [1, 2] : vector<1x136x128xi32> to vector<1xi32>
    %reduce_min3A_1035 = vector.shape_cast %reduce_min3A_1034 : vector<1xi32> to vector<1x1x1xi32>
    %reduce_min3A_1036 = vector.extract %reduce_min3A_1035[0, 0, 0] : i32 from vector<1x1x1xi32>
    %ge3A_1037 = arith.constant 2.000000e-01 : f32
    %ge3A_1038 = arith.cmpf oge, %reduce_max3A_1026, %ge3A_1037 : f32
    %jit3A_1039 = arith.constant 2.000000e+00 : f32
    %jit3A_1040 = arith.constant -1.000000e+00 : f32
    %select_n3A_1041 = arith.select %ge3A_1038, %jit3A_1039, %jit3A_1040 : f32
    %jit3A_1042 = arith.constant 1.000000e+00 : f32
    %jit3A_1043 = arith.constant 0.000000e+00 : f32
    %select_n3A_1044 = arith.select %ge3A_1038, %jit3A_1042, %jit3A_1043 : f32
    %add3A_1045 = arith.addf %add3A_976, %select_n3A_1044 : f32
    %gt3A_1046 = arith.cmpf ogt, %div3A_1021, %select_n3A_978 : vector<136x128xf32>
    %select_n3A_1047 = arith.select %gt3A_1046, %div3A_1021, %select_n3A_978 : vector<136x128xi1>, vector<136x128xf32>
    %jit3A_1048 = arith.constant 14 : i32
    %broadcast_in_dim3A_1049 = vector.broadcast %jit3A_1048 : i32 to vector<136x128xi32>
    %select_n3A_1050 = arith.select %gt3A_1046, %broadcast_in_dim3A_1049, %select_n3A_981 : vector<136x128xi1>, vector<136x128xi32>
    %get3A_1051 = arith.constant 0 : index
    %get3A_1052 = arith.constant 0 : index
    %get3A_1053 = arith.constant 225 : index
    %get3A_1054 = memref.load %arg3[%get3A_1051, %get3A_1052, %get3A_1053] : memref<1x1x240xf32, #tpu.memory_space<smem>>
    %get3A_1055 = arith.constant 0 : index
    %get3A_1056 = arith.constant 0 : index
    %get3A_1057 = arith.constant 226 : index
    %get3A_1058 = memref.load %arg3[%get3A_1055, %get3A_1056, %get3A_1057] : memref<1x1x240xf32, #tpu.memory_space<smem>>
    %get3A_1059 = arith.constant 0 : index
    %get3A_1060 = arith.constant 0 : index
    %get3A_1061 = arith.constant 227 : index
    %get3A_1062 = memref.load %arg3[%get3A_1059, %get3A_1060, %get3A_1061] : memref<1x1x240xf32, #tpu.memory_space<smem>>
    %get3A_1063 = arith.constant 0 : index
    %get3A_1064 = arith.constant 0 : index
    %get3A_1065 = arith.constant 228 : index
    %get3A_1066 = memref.load %arg3[%get3A_1063, %get3A_1064, %get3A_1065] : memref<1x1x240xf32, #tpu.memory_space<smem>>
    %sub3A_1067 = arith.subf %get3A_1062, %get3A_1054 : f32
    %sub3A_1068 = arith.subf %get3A_1066, %get3A_1058 : f32
    %mul3A_1069 = arith.mulf %sub3A_1067, %sub3A_1068 : f32
    %min3A_1070 = vector.broadcast %get3A_1062 : f32 to vector<136x128xf32>
    %min3A_1071 = arith.minimumf %get3A_15, %min3A_1070 : vector<136x128xf32>
    %max3A_1072 = vector.broadcast %get3A_1054 : f32 to vector<136x128xf32>
    %max3A_1073 = arith.maximumf %get3A_5, %max3A_1072 : vector<136x128xf32>
    %sub3A_1074 = arith.subf %min3A_1071, %max3A_1073 : vector<136x128xf32>
    %max3A_1075 = arith.constant 0.000000e+00 : f32
    %max3A_1076 = vector.broadcast %max3A_1075 : f32 to vector<136x128xf32>
    %max3A_1077 = arith.maximumf %sub3A_1074, %max3A_1076 : vector<136x128xf32>
    %min3A_1078 = vector.broadcast %get3A_1066 : f32 to vector<136x128xf32>
    %min3A_1079 = arith.minimumf %get3A_20, %min3A_1078 : vector<136x128xf32>
    %max3A_1080 = vector.broadcast %get3A_1058 : f32 to vector<136x128xf32>
    %max3A_1081 = arith.maximumf %get3A_10, %max3A_1080 : vector<136x128xf32>
    %sub3A_1082 = arith.subf %min3A_1079, %max3A_1081 : vector<136x128xf32>
    %max3A_1083 = arith.constant 0.000000e+00 : f32
    %max3A_1084 = vector.broadcast %max3A_1083 : f32 to vector<136x128xf32>
    %max3A_1085 = arith.maximumf %sub3A_1082, %max3A_1084 : vector<136x128xf32>
    %mul3A_1086 = arith.mulf %max3A_1077, %max3A_1085 : vector<136x128xf32>
    %add3A_1087 = vector.broadcast %mul3A_1069 : f32 to vector<136x128xf32>
    %add3A_1088 = arith.addf %get3A_25, %add3A_1087 : vector<136x128xf32>
    %sub3A_1089 = arith.subf %add3A_1088, %mul3A_1086 : vector<136x128xf32>
    %div3A_1090 = arith.divf %mul3A_1086, %sub3A_1089 : vector<136x128xf32>
    %reduce_max3A_1091 = vector.shape_cast %div3A_1090 : vector<136x128xf32> to vector<1x136x128xf32>
    %reduce_max3A_1092 = arith.constant dense<0xFF800000> : vector<1xf32>
    %reduce_max3A_1093 = vector.multi_reduction <maximumf>, %reduce_max3A_1091, %reduce_max3A_1092 [1, 2] : vector<1x136x128xf32> to vector<1xf32>
    %reduce_max3A_1094 = vector.shape_cast %reduce_max3A_1093 : vector<1xf32> to vector<1x1x1xf32>
    %reduce_max3A_1095 = vector.extract %reduce_max3A_1094[0, 0, 0] : f32 from vector<1x1x1xf32>
    %eq3A_1096 = vector.broadcast %reduce_max3A_1095 : f32 to vector<136x128xf32>
    %eq3A_1097 = arith.cmpf oeq, %div3A_1090, %eq3A_1096 : vector<136x128xf32>
    %jit3A_1098 = arith.constant 1073741824 : i32
    %broadcast_in_dim3A_1099 = vector.broadcast %jit3A_1098 : i32 to vector<136x128xi32>
    %select_n3A_1100 = arith.select %eq3A_1097, %add3A, %broadcast_in_dim3A_1099 : vector<136x128xi1>, vector<136x128xi32>
    %reduce_min3A_1101 = vector.shape_cast %select_n3A_1100 : vector<136x128xi32> to vector<1x136x128xi32>
    %reduce_min3A_1102 = arith.constant dense<2147483647> : vector<1xi32>
    %reduce_min3A_1103 = vector.multi_reduction <minsi>, %reduce_min3A_1101, %reduce_min3A_1102 [1, 2] : vector<1x136x128xi32> to vector<1xi32>
    %reduce_min3A_1104 = vector.shape_cast %reduce_min3A_1103 : vector<1xi32> to vector<1x1x1xi32>
    %reduce_min3A_1105 = vector.extract %reduce_min3A_1104[0, 0, 0] : i32 from vector<1x1x1xi32>
    %ge3A_1106 = arith.constant 2.000000e-01 : f32
    %ge3A_1107 = arith.cmpf oge, %reduce_max3A_1095, %ge3A_1106 : f32
    %jit3A_1108 = arith.constant 2.000000e+00 : f32
    %jit3A_1109 = arith.constant -1.000000e+00 : f32
    %select_n3A_1110 = arith.select %ge3A_1107, %jit3A_1108, %jit3A_1109 : f32
    %jit3A_1111 = arith.constant 1.000000e+00 : f32
    %jit3A_1112 = arith.constant 0.000000e+00 : f32
    %select_n3A_1113 = arith.select %ge3A_1107, %jit3A_1111, %jit3A_1112 : f32
    %add3A_1114 = arith.addf %add3A_1045, %select_n3A_1113 : f32
    %gt3A_1115 = arith.cmpf ogt, %div3A_1090, %select_n3A_1047 : vector<136x128xf32>
    %select_n3A_1116 = arith.select %gt3A_1115, %div3A_1090, %select_n3A_1047 : vector<136x128xi1>, vector<136x128xf32>
    %jit3A_1117 = arith.constant 15 : i32
    %broadcast_in_dim3A_1118 = vector.broadcast %jit3A_1117 : i32 to vector<136x128xi32>
    %select_n3A_1119 = arith.select %gt3A_1115, %broadcast_in_dim3A_1118, %select_n3A_1050 : vector<136x128xi1>, vector<136x128xi32>
    %gt3A_1120 = arith.constant 0.000000e+00 : f32
    %gt3A_1121 = arith.cmpf ogt, %add3A_1114, %gt3A_1120 : f32
    %eq3A_1122 = vector.broadcast %reduce_min3A_76 : i32 to vector<136x128xi32>
    %eq3A_1123 = arith.cmpi eq, %add3A, %eq3A_1122 : vector<136x128xi32>
    %max3A_1124 = vector.broadcast %select_n3A_80 : f32 to vector<136x128xf32>
    %max3A_1125 = arith.maximumf %select_n3A_1116, %max3A_1124 : vector<136x128xf32>
    %select_n3A_1126 = arith.select %eq3A_1123, %max3A_1125, %select_n3A_1116 : vector<136x128xi1>, vector<136x128xf32>
    %jit3A_1127 = arith.constant 0 : i32
    %broadcast_in_dim3A_1128 = vector.broadcast %jit3A_1127 : i32 to vector<136x128xi32>
    %select_n3A_1129 = arith.select %eq3A_1123, %broadcast_in_dim3A_1128, %select_n3A_1119 : vector<136x128xi1>, vector<136x128xi32>
    %eq3A_1130 = vector.broadcast %reduce_min3A_140 : i32 to vector<136x128xi32>
    %eq3A_1131 = arith.cmpi eq, %add3A, %eq3A_1130 : vector<136x128xi32>
    %max3A_1132 = vector.broadcast %select_n3A_145 : f32 to vector<136x128xf32>
    %max3A_1133 = arith.maximumf %select_n3A_1126, %max3A_1132 : vector<136x128xf32>
    %select_n3A_1134 = arith.select %eq3A_1131, %max3A_1133, %select_n3A_1126 : vector<136x128xi1>, vector<136x128xf32>
    %jit3A_1135 = arith.constant 1 : i32
    %broadcast_in_dim3A_1136 = vector.broadcast %jit3A_1135 : i32 to vector<136x128xi32>
    %select_n3A_1137 = arith.select %eq3A_1131, %broadcast_in_dim3A_1136, %select_n3A_1129 : vector<136x128xi1>, vector<136x128xi32>
    %eq3A_1138 = vector.broadcast %reduce_min3A_208 : i32 to vector<136x128xi32>
    %eq3A_1139 = arith.cmpi eq, %add3A, %eq3A_1138 : vector<136x128xi32>
    %max3A_1140 = vector.broadcast %select_n3A_213 : f32 to vector<136x128xf32>
    %max3A_1141 = arith.maximumf %select_n3A_1134, %max3A_1140 : vector<136x128xf32>
    %select_n3A_1142 = arith.select %eq3A_1139, %max3A_1141, %select_n3A_1134 : vector<136x128xi1>, vector<136x128xf32>
    %jit3A_1143 = arith.constant 2 : i32
    %broadcast_in_dim3A_1144 = vector.broadcast %jit3A_1143 : i32 to vector<136x128xi32>
    %select_n3A_1145 = arith.select %eq3A_1139, %broadcast_in_dim3A_1144, %select_n3A_1137 : vector<136x128xi1>, vector<136x128xi32>
    %eq3A_1146 = vector.broadcast %reduce_min3A_277 : i32 to vector<136x128xi32>
    %eq3A_1147 = arith.cmpi eq, %add3A, %eq3A_1146 : vector<136x128xi32>
    %max3A_1148 = vector.broadcast %select_n3A_282 : f32 to vector<136x128xf32>
    %max3A_1149 = arith.maximumf %select_n3A_1142, %max3A_1148 : vector<136x128xf32>
    %select_n3A_1150 = arith.select %eq3A_1147, %max3A_1149, %select_n3A_1142 : vector<136x128xi1>, vector<136x128xf32>
    %jit3A_1151 = arith.constant 3 : i32
    %broadcast_in_dim3A_1152 = vector.broadcast %jit3A_1151 : i32 to vector<136x128xi32>
    %select_n3A_1153 = arith.select %eq3A_1147, %broadcast_in_dim3A_1152, %select_n3A_1145 : vector<136x128xi1>, vector<136x128xi32>
    %eq3A_1154 = vector.broadcast %reduce_min3A_346 : i32 to vector<136x128xi32>
    %eq3A_1155 = arith.cmpi eq, %add3A, %eq3A_1154 : vector<136x128xi32>
    %max3A_1156 = vector.broadcast %select_n3A_351 : f32 to vector<136x128xf32>
    %max3A_1157 = arith.maximumf %select_n3A_1150, %max3A_1156 : vector<136x128xf32>
    %select_n3A_1158 = arith.select %eq3A_1155, %max3A_1157, %select_n3A_1150 : vector<136x128xi1>, vector<136x128xf32>
    %jit3A_1159 = arith.constant 4 : i32
    %broadcast_in_dim3A_1160 = vector.broadcast %jit3A_1159 : i32 to vector<136x128xi32>
    %select_n3A_1161 = arith.select %eq3A_1155, %broadcast_in_dim3A_1160, %select_n3A_1153 : vector<136x128xi1>, vector<136x128xi32>
    %eq3A_1162 = vector.broadcast %reduce_min3A_415 : i32 to vector<136x128xi32>
    %eq3A_1163 = arith.cmpi eq, %add3A, %eq3A_1162 : vector<136x128xi32>
    %max3A_1164 = vector.broadcast %select_n3A_420 : f32 to vector<136x128xf32>
    %max3A_1165 = arith.maximumf %select_n3A_1158, %max3A_1164 : vector<136x128xf32>
    %select_n3A_1166 = arith.select %eq3A_1163, %max3A_1165, %select_n3A_1158 : vector<136x128xi1>, vector<136x128xf32>
    %jit3A_1167 = arith.constant 5 : i32
    %broadcast_in_dim3A_1168 = vector.broadcast %jit3A_1167 : i32 to vector<136x128xi32>
    %select_n3A_1169 = arith.select %eq3A_1163, %broadcast_in_dim3A_1168, %select_n3A_1161 : vector<136x128xi1>, vector<136x128xi32>
    %eq3A_1170 = vector.broadcast %reduce_min3A_484 : i32 to vector<136x128xi32>
    %eq3A_1171 = arith.cmpi eq, %add3A, %eq3A_1170 : vector<136x128xi32>
    %max3A_1172 = vector.broadcast %select_n3A_489 : f32 to vector<136x128xf32>
    %max3A_1173 = arith.maximumf %select_n3A_1166, %max3A_1172 : vector<136x128xf32>
    %select_n3A_1174 = arith.select %eq3A_1171, %max3A_1173, %select_n3A_1166 : vector<136x128xi1>, vector<136x128xf32>
    %jit3A_1175 = arith.constant 6 : i32
    %broadcast_in_dim3A_1176 = vector.broadcast %jit3A_1175 : i32 to vector<136x128xi32>
    %select_n3A_1177 = arith.select %eq3A_1171, %broadcast_in_dim3A_1176, %select_n3A_1169 : vector<136x128xi1>, vector<136x128xi32>
    %eq3A_1178 = vector.broadcast %reduce_min3A_553 : i32 to vector<136x128xi32>
    %eq3A_1179 = arith.cmpi eq, %add3A, %eq3A_1178 : vector<136x128xi32>
    %max3A_1180 = vector.broadcast %select_n3A_558 : f32 to vector<136x128xf32>
    %max3A_1181 = arith.maximumf %select_n3A_1174, %max3A_1180 : vector<136x128xf32>
    %select_n3A_1182 = arith.select %eq3A_1179, %max3A_1181, %select_n3A_1174 : vector<136x128xi1>, vector<136x128xf32>
    %jit3A_1183 = arith.constant 7 : i32
    %broadcast_in_dim3A_1184 = vector.broadcast %jit3A_1183 : i32 to vector<136x128xi32>
    %select_n3A_1185 = arith.select %eq3A_1179, %broadcast_in_dim3A_1184, %select_n3A_1177 : vector<136x128xi1>, vector<136x128xi32>
    %eq3A_1186 = vector.broadcast %reduce_min3A_622 : i32 to vector<136x128xi32>
    %eq3A_1187 = arith.cmpi eq, %add3A, %eq3A_1186 : vector<136x128xi32>
    %max3A_1188 = vector.broadcast %select_n3A_627 : f32 to vector<136x128xf32>
    %max3A_1189 = arith.maximumf %select_n3A_1182, %max3A_1188 : vector<136x128xf32>
    %select_n3A_1190 = arith.select %eq3A_1187, %max3A_1189, %select_n3A_1182 : vector<136x128xi1>, vector<136x128xf32>
    %jit3A_1191 = arith.constant 8 : i32
    %broadcast_in_dim3A_1192 = vector.broadcast %jit3A_1191 : i32 to vector<136x128xi32>
    %select_n3A_1193 = arith.select %eq3A_1187, %broadcast_in_dim3A_1192, %select_n3A_1185 : vector<136x128xi1>, vector<136x128xi32>
    %eq3A_1194 = vector.broadcast %reduce_min3A_691 : i32 to vector<136x128xi32>
    %eq3A_1195 = arith.cmpi eq, %add3A, %eq3A_1194 : vector<136x128xi32>
    %max3A_1196 = vector.broadcast %select_n3A_696 : f32 to vector<136x128xf32>
    %max3A_1197 = arith.maximumf %select_n3A_1190, %max3A_1196 : vector<136x128xf32>
    %select_n3A_1198 = arith.select %eq3A_1195, %max3A_1197, %select_n3A_1190 : vector<136x128xi1>, vector<136x128xf32>
    %jit3A_1199 = arith.constant 9 : i32
    %broadcast_in_dim3A_1200 = vector.broadcast %jit3A_1199 : i32 to vector<136x128xi32>
    %select_n3A_1201 = arith.select %eq3A_1195, %broadcast_in_dim3A_1200, %select_n3A_1193 : vector<136x128xi1>, vector<136x128xi32>
    %eq3A_1202 = vector.broadcast %reduce_min3A_760 : i32 to vector<136x128xi32>
    %eq3A_1203 = arith.cmpi eq, %add3A, %eq3A_1202 : vector<136x128xi32>
    %max3A_1204 = vector.broadcast %select_n3A_765 : f32 to vector<136x128xf32>
    %max3A_1205 = arith.maximumf %select_n3A_1198, %max3A_1204 : vector<136x128xf32>
    %select_n3A_1206 = arith.select %eq3A_1203, %max3A_1205, %select_n3A_1198 : vector<136x128xi1>, vector<136x128xf32>
    %jit3A_1207 = arith.constant 10 : i32
    %broadcast_in_dim3A_1208 = vector.broadcast %jit3A_1207 : i32 to vector<136x128xi32>
    %select_n3A_1209 = arith.select %eq3A_1203, %broadcast_in_dim3A_1208, %select_n3A_1201 : vector<136x128xi1>, vector<136x128xi32>
    %eq3A_1210 = vector.broadcast %reduce_min3A_829 : i32 to vector<136x128xi32>
    %eq3A_1211 = arith.cmpi eq, %add3A, %eq3A_1210 : vector<136x128xi32>
    %max3A_1212 = vector.broadcast %select_n3A_834 : f32 to vector<136x128xf32>
    %max3A_1213 = arith.maximumf %select_n3A_1206, %max3A_1212 : vector<136x128xf32>
    %select_n3A_1214 = arith.select %eq3A_1211, %max3A_1213, %select_n3A_1206 : vector<136x128xi1>, vector<136x128xf32>
    %jit3A_1215 = arith.constant 11 : i32
    %broadcast_in_dim3A_1216 = vector.broadcast %jit3A_1215 : i32 to vector<136x128xi32>
    %select_n3A_1217 = arith.select %eq3A_1211, %broadcast_in_dim3A_1216, %select_n3A_1209 : vector<136x128xi1>, vector<136x128xi32>
    %eq3A_1218 = vector.broadcast %reduce_min3A_898 : i32 to vector<136x128xi32>
    %eq3A_1219 = arith.cmpi eq, %add3A, %eq3A_1218 : vector<136x128xi32>
    %max3A_1220 = vector.broadcast %select_n3A_903 : f32 to vector<136x128xf32>
    %max3A_1221 = arith.maximumf %select_n3A_1214, %max3A_1220 : vector<136x128xf32>
    %select_n3A_1222 = arith.select %eq3A_1219, %max3A_1221, %select_n3A_1214 : vector<136x128xi1>, vector<136x128xf32>
    %jit3A_1223 = arith.constant 12 : i32
    %broadcast_in_dim3A_1224 = vector.broadcast %jit3A_1223 : i32 to vector<136x128xi32>
    %select_n3A_1225 = arith.select %eq3A_1219, %broadcast_in_dim3A_1224, %select_n3A_1217 : vector<136x128xi1>, vector<136x128xi32>
    %eq3A_1226 = vector.broadcast %reduce_min3A_967 : i32 to vector<136x128xi32>
    %eq3A_1227 = arith.cmpi eq, %add3A, %eq3A_1226 : vector<136x128xi32>
    %max3A_1228 = vector.broadcast %select_n3A_972 : f32 to vector<136x128xf32>
    %max3A_1229 = arith.maximumf %select_n3A_1222, %max3A_1228 : vector<136x128xf32>
    %select_n3A_1230 = arith.select %eq3A_1227, %max3A_1229, %select_n3A_1222 : vector<136x128xi1>, vector<136x128xf32>
    %jit3A_1231 = arith.constant 13 : i32
    %broadcast_in_dim3A_1232 = vector.broadcast %jit3A_1231 : i32 to vector<136x128xi32>
    %select_n3A_1233 = arith.select %eq3A_1227, %broadcast_in_dim3A_1232, %select_n3A_1225 : vector<136x128xi1>, vector<136x128xi32>
    %eq3A_1234 = vector.broadcast %reduce_min3A_1036 : i32 to vector<136x128xi32>
    %eq3A_1235 = arith.cmpi eq, %add3A, %eq3A_1234 : vector<136x128xi32>
    %max3A_1236 = vector.broadcast %select_n3A_1041 : f32 to vector<136x128xf32>
    %max3A_1237 = arith.maximumf %select_n3A_1230, %max3A_1236 : vector<136x128xf32>
    %select_n3A_1238 = arith.select %eq3A_1235, %max3A_1237, %select_n3A_1230 : vector<136x128xi1>, vector<136x128xf32>
    %jit3A_1239 = arith.constant 14 : i32
    %broadcast_in_dim3A_1240 = vector.broadcast %jit3A_1239 : i32 to vector<136x128xi32>
    %select_n3A_1241 = arith.select %eq3A_1235, %broadcast_in_dim3A_1240, %select_n3A_1233 : vector<136x128xi1>, vector<136x128xi32>
    %eq3A_1242 = vector.broadcast %reduce_min3A_1105 : i32 to vector<136x128xi32>
    %eq3A_1243 = arith.cmpi eq, %add3A, %eq3A_1242 : vector<136x128xi32>
    %max3A_1244 = vector.broadcast %select_n3A_1110 : f32 to vector<136x128xf32>
    %max3A_1245 = arith.maximumf %select_n3A_1238, %max3A_1244 : vector<136x128xf32>
    %select_n3A_1246 = arith.select %eq3A_1243, %max3A_1245, %select_n3A_1238 : vector<136x128xi1>, vector<136x128xf32>
    %jit3A_1247 = arith.constant 15 : i32
    %broadcast_in_dim3A_1248 = vector.broadcast %jit3A_1247 : i32 to vector<136x128xi32>
    %select_n3A_1249 = arith.select %eq3A_1243, %broadcast_in_dim3A_1248, %select_n3A_1241 : vector<136x128xi1>, vector<136x128xi32>
    %ge3A_1250 = arith.constant 3.500000e-01 : f32
    %ge3A_1251 = vector.broadcast %ge3A_1250 : f32 to vector<136x128xf32>
    %ge3A_1252 = arith.cmpf oge, %select_n3A_1246, %ge3A_1251 : vector<136x128xf32>
    %and3A = vector.broadcast %gt3A_1121 : i1 to vector<136x128xi1>
    %and3A_1253 = arith.andi %ge3A_1252, %and3A : vector<136x128xi1>
    %jit3A_1254 = arith.constant 1.000000e+00 : f32
    %jit3A_1255 = arith.constant 0.000000e+00 : f32
    %broadcast_in_dim3A_1256 = vector.broadcast %jit3A_1254 : f32 to vector<136x128xf32>
    %broadcast_in_dim3A_1257 = vector.broadcast %jit3A_1255 : f32 to vector<136x128xf32>
    %select_n3A_1258 = arith.select %and3A_1253, %broadcast_in_dim3A_1256, %broadcast_in_dim3A_1257 : vector<136x128xi1>, vector<136x128xf32>
    %get3A_1259 = arith.constant 5 : index
    %get3A_1260 = arith.constant 0 : index
    %get3A_1261 = arith.constant 0 : index
    %get3A_1262 = vector.load %arg2[%get3A_1259, %get3A_1260, %get3A_1261] : memref<11x136x128xf32, #tpu.memory_space<vmem>>, vector<1x136x128xf32>
    %get3A_1263 = vector.shape_cast %get3A_1262 : vector<1x136x128xf32> to vector<136x128xf32>
    %get3A_1264 = arith.constant 6 : index
    %get3A_1265 = arith.constant 0 : index
    %get3A_1266 = arith.constant 0 : index
    %get3A_1267 = vector.load %arg2[%get3A_1264, %get3A_1265, %get3A_1266] : memref<11x136x128xf32, #tpu.memory_space<vmem>>, vector<1x136x128xf32>
    %get3A_1268 = vector.shape_cast %get3A_1267 : vector<1x136x128xf32> to vector<136x128xf32>
    %get3A_1269 = arith.constant 7 : index
    %get3A_1270 = arith.constant 0 : index
    %get3A_1271 = arith.constant 0 : index
    %get3A_1272 = vector.load %arg2[%get3A_1269, %get3A_1270, %get3A_1271] : memref<11x136x128xf32, #tpu.memory_space<vmem>>, vector<1x136x128xf32>
    %get3A_1273 = vector.shape_cast %get3A_1272 : vector<1x136x128xf32> to vector<136x128xf32>
    %get3A_1274 = arith.constant 8 : index
    %get3A_1275 = arith.constant 0 : index
    %get3A_1276 = arith.constant 0 : index
    %get3A_1277 = vector.load %arg2[%get3A_1274, %get3A_1275, %get3A_1276] : memref<11x136x128xf32, #tpu.memory_space<vmem>>, vector<1x136x128xf32>
    %get3A_1278 = vector.shape_cast %get3A_1277 : vector<1x136x128xf32> to vector<136x128xf32>
    %get3A_1279 = arith.constant 9 : index
    %get3A_1280 = arith.constant 0 : index
    %get3A_1281 = arith.constant 0 : index
    %get3A_1282 = vector.load %arg2[%get3A_1279, %get3A_1280, %get3A_1281] : memref<11x136x128xf32, #tpu.memory_space<vmem>>, vector<1x136x128xf32>
    %get3A_1283 = vector.shape_cast %get3A_1282 : vector<1x136x128xf32> to vector<136x128xf32>
    %get3A_1284 = arith.constant 10 : index
    %get3A_1285 = arith.constant 0 : index
    %get3A_1286 = arith.constant 0 : index
    %get3A_1287 = vector.load %arg2[%get3A_1284, %get3A_1285, %get3A_1286] : memref<11x136x128xf32, #tpu.memory_space<vmem>>, vector<1x136x128xf32>
    %get3A_1288 = vector.shape_cast %get3A_1287 : vector<1x136x128xf32> to vector<136x128xf32>
    %eq3A_1289 = arith.constant 0 : i32
    %eq3A_1290 = vector.broadcast %eq3A_1289 : i32 to vector<136x128xi32>
    %eq3A_1291 = arith.cmpi eq, %select_n3A_1249, %eq3A_1290 : vector<136x128xi32>
    %jit3A_1292 = arith.constant 1.000000e+00 : f32
    %jit3A_1293 = arith.constant 0.000000e+00 : f32
    %broadcast_in_dim3A_1294 = vector.broadcast %jit3A_1292 : f32 to vector<136x128xf32>
    %broadcast_in_dim3A_1295 = vector.broadcast %jit3A_1293 : f32 to vector<136x128xf32>
    %select_n3A_1296 = arith.select %eq3A_1291, %broadcast_in_dim3A_1294, %broadcast_in_dim3A_1295 : vector<136x128xi1>, vector<136x128xf32>
    %get3A_1297 = arith.constant 0 : index
    %get3A_1298 = arith.constant 0 : index
    %get3A_1299 = arith.constant 0 : index
    %get3A_1300 = memref.load %arg3[%get3A_1297, %get3A_1298, %get3A_1299] : memref<1x1x240xf32, #tpu.memory_space<smem>>
    %mul3A_1301 = vector.broadcast %get3A_1300 : f32 to vector<136x128xf32>
    %mul3A_1302 = arith.mulf %select_n3A_1296, %mul3A_1301 : vector<136x128xf32>
    %get3A_1303 = arith.constant 0 : index
    %get3A_1304 = arith.constant 0 : index
    %get3A_1305 = arith.constant 1 : index
    %get3A_1306 = memref.load %arg3[%get3A_1303, %get3A_1304, %get3A_1305] : memref<1x1x240xf32, #tpu.memory_space<smem>>
    %mul3A_1307 = vector.broadcast %get3A_1306 : f32 to vector<136x128xf32>
    %mul3A_1308 = arith.mulf %select_n3A_1296, %mul3A_1307 : vector<136x128xf32>
    %get3A_1309 = arith.constant 0 : index
    %get3A_1310 = arith.constant 0 : index
    %get3A_1311 = arith.constant 2 : index
    %get3A_1312 = memref.load %arg3[%get3A_1309, %get3A_1310, %get3A_1311] : memref<1x1x240xf32, #tpu.memory_space<smem>>
    %mul3A_1313 = vector.broadcast %get3A_1312 : f32 to vector<136x128xf32>
    %mul3A_1314 = arith.mulf %select_n3A_1296, %mul3A_1313 : vector<136x128xf32>
    %get3A_1315 = arith.constant 0 : index
    %get3A_1316 = arith.constant 0 : index
    %get3A_1317 = arith.constant 3 : index
    %get3A_1318 = memref.load %arg3[%get3A_1315, %get3A_1316, %get3A_1317] : memref<1x1x240xf32, #tpu.memory_space<smem>>
    %mul3A_1319 = vector.broadcast %get3A_1318 : f32 to vector<136x128xf32>
    %mul3A_1320 = arith.mulf %select_n3A_1296, %mul3A_1319 : vector<136x128xf32>
    %eq3A_1321 = arith.constant 1 : i32
    %eq3A_1322 = vector.broadcast %eq3A_1321 : i32 to vector<136x128xi32>
    %eq3A_1323 = arith.cmpi eq, %select_n3A_1249, %eq3A_1322 : vector<136x128xi32>
    %jit3A_1324 = arith.constant 1.000000e+00 : f32
    %jit3A_1325 = arith.constant 0.000000e+00 : f32
    %broadcast_in_dim3A_1326 = vector.broadcast %jit3A_1324 : f32 to vector<136x128xf32>
    %broadcast_in_dim3A_1327 = vector.broadcast %jit3A_1325 : f32 to vector<136x128xf32>
    %select_n3A_1328 = arith.select %eq3A_1323, %broadcast_in_dim3A_1326, %broadcast_in_dim3A_1327 : vector<136x128xi1>, vector<136x128xf32>
    %get3A_1329 = arith.constant 0 : index
    %get3A_1330 = arith.constant 0 : index
    %get3A_1331 = arith.constant 15 : index
    %get3A_1332 = memref.load %arg3[%get3A_1329, %get3A_1330, %get3A_1331] : memref<1x1x240xf32, #tpu.memory_space<smem>>
    %mul3A_1333 = vector.broadcast %get3A_1332 : f32 to vector<136x128xf32>
    %mul3A_1334 = arith.mulf %select_n3A_1328, %mul3A_1333 : vector<136x128xf32>
    %add3A_1335 = arith.addf %mul3A_1302, %mul3A_1334 : vector<136x128xf32>
    %get3A_1336 = arith.constant 0 : index
    %get3A_1337 = arith.constant 0 : index
    %get3A_1338 = arith.constant 16 : index
    %get3A_1339 = memref.load %arg3[%get3A_1336, %get3A_1337, %get3A_1338] : memref<1x1x240xf32, #tpu.memory_space<smem>>
    %mul3A_1340 = vector.broadcast %get3A_1339 : f32 to vector<136x128xf32>
    %mul3A_1341 = arith.mulf %select_n3A_1328, %mul3A_1340 : vector<136x128xf32>
    %add3A_1342 = arith.addf %mul3A_1308, %mul3A_1341 : vector<136x128xf32>
    %get3A_1343 = arith.constant 0 : index
    %get3A_1344 = arith.constant 0 : index
    %get3A_1345 = arith.constant 17 : index
    %get3A_1346 = memref.load %arg3[%get3A_1343, %get3A_1344, %get3A_1345] : memref<1x1x240xf32, #tpu.memory_space<smem>>
    %mul3A_1347 = vector.broadcast %get3A_1346 : f32 to vector<136x128xf32>
    %mul3A_1348 = arith.mulf %select_n3A_1328, %mul3A_1347 : vector<136x128xf32>
    %add3A_1349 = arith.addf %mul3A_1314, %mul3A_1348 : vector<136x128xf32>
    %get3A_1350 = arith.constant 0 : index
    %get3A_1351 = arith.constant 0 : index
    %get3A_1352 = arith.constant 18 : index
    %get3A_1353 = memref.load %arg3[%get3A_1350, %get3A_1351, %get3A_1352] : memref<1x1x240xf32, #tpu.memory_space<smem>>
    %mul3A_1354 = vector.broadcast %get3A_1353 : f32 to vector<136x128xf32>
    %mul3A_1355 = arith.mulf %select_n3A_1328, %mul3A_1354 : vector<136x128xf32>
    %add3A_1356 = arith.addf %mul3A_1320, %mul3A_1355 : vector<136x128xf32>
    %eq3A_1357 = arith.constant 2 : i32
    %eq3A_1358 = vector.broadcast %eq3A_1357 : i32 to vector<136x128xi32>
    %eq3A_1359 = arith.cmpi eq, %select_n3A_1249, %eq3A_1358 : vector<136x128xi32>
    %jit3A_1360 = arith.constant 1.000000e+00 : f32
    %jit3A_1361 = arith.constant 0.000000e+00 : f32
    %broadcast_in_dim3A_1362 = vector.broadcast %jit3A_1360 : f32 to vector<136x128xf32>
    %broadcast_in_dim3A_1363 = vector.broadcast %jit3A_1361 : f32 to vector<136x128xf32>
    %select_n3A_1364 = arith.select %eq3A_1359, %broadcast_in_dim3A_1362, %broadcast_in_dim3A_1363 : vector<136x128xi1>, vector<136x128xf32>
    %get3A_1365 = arith.constant 0 : index
    %get3A_1366 = arith.constant 0 : index
    %get3A_1367 = arith.constant 30 : index
    %get3A_1368 = memref.load %arg3[%get3A_1365, %get3A_1366, %get3A_1367] : memref<1x1x240xf32, #tpu.memory_space<smem>>
    %mul3A_1369 = vector.broadcast %get3A_1368 : f32 to vector<136x128xf32>
    %mul3A_1370 = arith.mulf %select_n3A_1364, %mul3A_1369 : vector<136x128xf32>
    %add3A_1371 = arith.addf %add3A_1335, %mul3A_1370 : vector<136x128xf32>
    %get3A_1372 = arith.constant 0 : index
    %get3A_1373 = arith.constant 0 : index
    %get3A_1374 = arith.constant 31 : index
    %get3A_1375 = memref.load %arg3[%get3A_1372, %get3A_1373, %get3A_1374] : memref<1x1x240xf32, #tpu.memory_space<smem>>
    %mul3A_1376 = vector.broadcast %get3A_1375 : f32 to vector<136x128xf32>
    %mul3A_1377 = arith.mulf %select_n3A_1364, %mul3A_1376 : vector<136x128xf32>
    %add3A_1378 = arith.addf %add3A_1342, %mul3A_1377 : vector<136x128xf32>
    %get3A_1379 = arith.constant 0 : index
    %get3A_1380 = arith.constant 0 : index
    %get3A_1381 = arith.constant 32 : index
    %get3A_1382 = memref.load %arg3[%get3A_1379, %get3A_1380, %get3A_1381] : memref<1x1x240xf32, #tpu.memory_space<smem>>
    %mul3A_1383 = vector.broadcast %get3A_1382 : f32 to vector<136x128xf32>
    %mul3A_1384 = arith.mulf %select_n3A_1364, %mul3A_1383 : vector<136x128xf32>
    %add3A_1385 = arith.addf %add3A_1349, %mul3A_1384 : vector<136x128xf32>
    %get3A_1386 = arith.constant 0 : index
    %get3A_1387 = arith.constant 0 : index
    %get3A_1388 = arith.constant 33 : index
    %get3A_1389 = memref.load %arg3[%get3A_1386, %get3A_1387, %get3A_1388] : memref<1x1x240xf32, #tpu.memory_space<smem>>
    %mul3A_1390 = vector.broadcast %get3A_1389 : f32 to vector<136x128xf32>
    %mul3A_1391 = arith.mulf %select_n3A_1364, %mul3A_1390 : vector<136x128xf32>
    %add3A_1392 = arith.addf %add3A_1356, %mul3A_1391 : vector<136x128xf32>
    %eq3A_1393 = arith.constant 3 : i32
    %eq3A_1394 = vector.broadcast %eq3A_1393 : i32 to vector<136x128xi32>
    %eq3A_1395 = arith.cmpi eq, %select_n3A_1249, %eq3A_1394 : vector<136x128xi32>
    %jit3A_1396 = arith.constant 1.000000e+00 : f32
    %jit3A_1397 = arith.constant 0.000000e+00 : f32
    %broadcast_in_dim3A_1398 = vector.broadcast %jit3A_1396 : f32 to vector<136x128xf32>
    %broadcast_in_dim3A_1399 = vector.broadcast %jit3A_1397 : f32 to vector<136x128xf32>
    %select_n3A_1400 = arith.select %eq3A_1395, %broadcast_in_dim3A_1398, %broadcast_in_dim3A_1399 : vector<136x128xi1>, vector<136x128xf32>
    %get3A_1401 = arith.constant 0 : index
    %get3A_1402 = arith.constant 0 : index
    %get3A_1403 = arith.constant 45 : index
    %get3A_1404 = memref.load %arg3[%get3A_1401, %get3A_1402, %get3A_1403] : memref<1x1x240xf32, #tpu.memory_space<smem>>
    %mul3A_1405 = vector.broadcast %get3A_1404 : f32 to vector<136x128xf32>
    %mul3A_1406 = arith.mulf %select_n3A_1400, %mul3A_1405 : vector<136x128xf32>
    %add3A_1407 = arith.addf %add3A_1371, %mul3A_1406 : vector<136x128xf32>
    %get3A_1408 = arith.constant 0 : index
    %get3A_1409 = arith.constant 0 : index
    %get3A_1410 = arith.constant 46 : index
    %get3A_1411 = memref.load %arg3[%get3A_1408, %get3A_1409, %get3A_1410] : memref<1x1x240xf32, #tpu.memory_space<smem>>
    %mul3A_1412 = vector.broadcast %get3A_1411 : f32 to vector<136x128xf32>
    %mul3A_1413 = arith.mulf %select_n3A_1400, %mul3A_1412 : vector<136x128xf32>
    %add3A_1414 = arith.addf %add3A_1378, %mul3A_1413 : vector<136x128xf32>
    %get3A_1415 = arith.constant 0 : index
    %get3A_1416 = arith.constant 0 : index
    %get3A_1417 = arith.constant 47 : index
    %get3A_1418 = memref.load %arg3[%get3A_1415, %get3A_1416, %get3A_1417] : memref<1x1x240xf32, #tpu.memory_space<smem>>
    %mul3A_1419 = vector.broadcast %get3A_1418 : f32 to vector<136x128xf32>
    %mul3A_1420 = arith.mulf %select_n3A_1400, %mul3A_1419 : vector<136x128xf32>
    %add3A_1421 = arith.addf %add3A_1385, %mul3A_1420 : vector<136x128xf32>
    %get3A_1422 = arith.constant 0 : index
    %get3A_1423 = arith.constant 0 : index
    %get3A_1424 = arith.constant 48 : index
    %get3A_1425 = memref.load %arg3[%get3A_1422, %get3A_1423, %get3A_1424] : memref<1x1x240xf32, #tpu.memory_space<smem>>
    %mul3A_1426 = vector.broadcast %get3A_1425 : f32 to vector<136x128xf32>
    %mul3A_1427 = arith.mulf %select_n3A_1400, %mul3A_1426 : vector<136x128xf32>
    %add3A_1428 = arith.addf %add3A_1392, %mul3A_1427 : vector<136x128xf32>
    %eq3A_1429 = arith.constant 4 : i32
    %eq3A_1430 = vector.broadcast %eq3A_1429 : i32 to vector<136x128xi32>
    %eq3A_1431 = arith.cmpi eq, %select_n3A_1249, %eq3A_1430 : vector<136x128xi32>
    %jit3A_1432 = arith.constant 1.000000e+00 : f32
    %jit3A_1433 = arith.constant 0.000000e+00 : f32
    %broadcast_in_dim3A_1434 = vector.broadcast %jit3A_1432 : f32 to vector<136x128xf32>
    %broadcast_in_dim3A_1435 = vector.broadcast %jit3A_1433 : f32 to vector<136x128xf32>
    %select_n3A_1436 = arith.select %eq3A_1431, %broadcast_in_dim3A_1434, %broadcast_in_dim3A_1435 : vector<136x128xi1>, vector<136x128xf32>
    %get3A_1437 = arith.constant 0 : index
    %get3A_1438 = arith.constant 0 : index
    %get3A_1439 = arith.constant 60 : index
    %get3A_1440 = memref.load %arg3[%get3A_1437, %get3A_1438, %get3A_1439] : memref<1x1x240xf32, #tpu.memory_space<smem>>
    %mul3A_1441 = vector.broadcast %get3A_1440 : f32 to vector<136x128xf32>
    %mul3A_1442 = arith.mulf %select_n3A_1436, %mul3A_1441 : vector<136x128xf32>
    %add3A_1443 = arith.addf %add3A_1407, %mul3A_1442 : vector<136x128xf32>
    %get3A_1444 = arith.constant 0 : index
    %get3A_1445 = arith.constant 0 : index
    %get3A_1446 = arith.constant 61 : index
    %get3A_1447 = memref.load %arg3[%get3A_1444, %get3A_1445, %get3A_1446] : memref<1x1x240xf32, #tpu.memory_space<smem>>
    %mul3A_1448 = vector.broadcast %get3A_1447 : f32 to vector<136x128xf32>
    %mul3A_1449 = arith.mulf %select_n3A_1436, %mul3A_1448 : vector<136x128xf32>
    %add3A_1450 = arith.addf %add3A_1414, %mul3A_1449 : vector<136x128xf32>
    %get3A_1451 = arith.constant 0 : index
    %get3A_1452 = arith.constant 0 : index
    %get3A_1453 = arith.constant 62 : index
    %get3A_1454 = memref.load %arg3[%get3A_1451, %get3A_1452, %get3A_1453] : memref<1x1x240xf32, #tpu.memory_space<smem>>
    %mul3A_1455 = vector.broadcast %get3A_1454 : f32 to vector<136x128xf32>
    %mul3A_1456 = arith.mulf %select_n3A_1436, %mul3A_1455 : vector<136x128xf32>
    %add3A_1457 = arith.addf %add3A_1421, %mul3A_1456 : vector<136x128xf32>
    %get3A_1458 = arith.constant 0 : index
    %get3A_1459 = arith.constant 0 : index
    %get3A_1460 = arith.constant 63 : index
    %get3A_1461 = memref.load %arg3[%get3A_1458, %get3A_1459, %get3A_1460] : memref<1x1x240xf32, #tpu.memory_space<smem>>
    %mul3A_1462 = vector.broadcast %get3A_1461 : f32 to vector<136x128xf32>
    %mul3A_1463 = arith.mulf %select_n3A_1436, %mul3A_1462 : vector<136x128xf32>
    %add3A_1464 = arith.addf %add3A_1428, %mul3A_1463 : vector<136x128xf32>
    %eq3A_1465 = arith.constant 5 : i32
    %eq3A_1466 = vector.broadcast %eq3A_1465 : i32 to vector<136x128xi32>
    %eq3A_1467 = arith.cmpi eq, %select_n3A_1249, %eq3A_1466 : vector<136x128xi32>
    %jit3A_1468 = arith.constant 1.000000e+00 : f32
    %jit3A_1469 = arith.constant 0.000000e+00 : f32
    %broadcast_in_dim3A_1470 = vector.broadcast %jit3A_1468 : f32 to vector<136x128xf32>
    %broadcast_in_dim3A_1471 = vector.broadcast %jit3A_1469 : f32 to vector<136x128xf32>
    %select_n3A_1472 = arith.select %eq3A_1467, %broadcast_in_dim3A_1470, %broadcast_in_dim3A_1471 : vector<136x128xi1>, vector<136x128xf32>
    %get3A_1473 = arith.constant 0 : index
    %get3A_1474 = arith.constant 0 : index
    %get3A_1475 = arith.constant 75 : index
    %get3A_1476 = memref.load %arg3[%get3A_1473, %get3A_1474, %get3A_1475] : memref<1x1x240xf32, #tpu.memory_space<smem>>
    %mul3A_1477 = vector.broadcast %get3A_1476 : f32 to vector<136x128xf32>
    %mul3A_1478 = arith.mulf %select_n3A_1472, %mul3A_1477 : vector<136x128xf32>
    %add3A_1479 = arith.addf %add3A_1443, %mul3A_1478 : vector<136x128xf32>
    %get3A_1480 = arith.constant 0 : index
    %get3A_1481 = arith.constant 0 : index
    %get3A_1482 = arith.constant 76 : index
    %get3A_1483 = memref.load %arg3[%get3A_1480, %get3A_1481, %get3A_1482] : memref<1x1x240xf32, #tpu.memory_space<smem>>
    %mul3A_1484 = vector.broadcast %get3A_1483 : f32 to vector<136x128xf32>
    %mul3A_1485 = arith.mulf %select_n3A_1472, %mul3A_1484 : vector<136x128xf32>
    %add3A_1486 = arith.addf %add3A_1450, %mul3A_1485 : vector<136x128xf32>
    %get3A_1487 = arith.constant 0 : index
    %get3A_1488 = arith.constant 0 : index
    %get3A_1489 = arith.constant 77 : index
    %get3A_1490 = memref.load %arg3[%get3A_1487, %get3A_1488, %get3A_1489] : memref<1x1x240xf32, #tpu.memory_space<smem>>
    %mul3A_1491 = vector.broadcast %get3A_1490 : f32 to vector<136x128xf32>
    %mul3A_1492 = arith.mulf %select_n3A_1472, %mul3A_1491 : vector<136x128xf32>
    %add3A_1493 = arith.addf %add3A_1457, %mul3A_1492 : vector<136x128xf32>
    %get3A_1494 = arith.constant 0 : index
    %get3A_1495 = arith.constant 0 : index
    %get3A_1496 = arith.constant 78 : index
    %get3A_1497 = memref.load %arg3[%get3A_1494, %get3A_1495, %get3A_1496] : memref<1x1x240xf32, #tpu.memory_space<smem>>
    %mul3A_1498 = vector.broadcast %get3A_1497 : f32 to vector<136x128xf32>
    %mul3A_1499 = arith.mulf %select_n3A_1472, %mul3A_1498 : vector<136x128xf32>
    %add3A_1500 = arith.addf %add3A_1464, %mul3A_1499 : vector<136x128xf32>
    %eq3A_1501 = arith.constant 6 : i32
    %eq3A_1502 = vector.broadcast %eq3A_1501 : i32 to vector<136x128xi32>
    %eq3A_1503 = arith.cmpi eq, %select_n3A_1249, %eq3A_1502 : vector<136x128xi32>
    %jit3A_1504 = arith.constant 1.000000e+00 : f32
    %jit3A_1505 = arith.constant 0.000000e+00 : f32
    %broadcast_in_dim3A_1506 = vector.broadcast %jit3A_1504 : f32 to vector<136x128xf32>
    %broadcast_in_dim3A_1507 = vector.broadcast %jit3A_1505 : f32 to vector<136x128xf32>
    %select_n3A_1508 = arith.select %eq3A_1503, %broadcast_in_dim3A_1506, %broadcast_in_dim3A_1507 : vector<136x128xi1>, vector<136x128xf32>
    %get3A_1509 = arith.constant 0 : index
    %get3A_1510 = arith.constant 0 : index
    %get3A_1511 = arith.constant 90 : index
    %get3A_1512 = memref.load %arg3[%get3A_1509, %get3A_1510, %get3A_1511] : memref<1x1x240xf32, #tpu.memory_space<smem>>
    %mul3A_1513 = vector.broadcast %get3A_1512 : f32 to vector<136x128xf32>
    %mul3A_1514 = arith.mulf %select_n3A_1508, %mul3A_1513 : vector<136x128xf32>
    %add3A_1515 = arith.addf %add3A_1479, %mul3A_1514 : vector<136x128xf32>
    %get3A_1516 = arith.constant 0 : index
    %get3A_1517 = arith.constant 0 : index
    %get3A_1518 = arith.constant 91 : index
    %get3A_1519 = memref.load %arg3[%get3A_1516, %get3A_1517, %get3A_1518] : memref<1x1x240xf32, #tpu.memory_space<smem>>
    %mul3A_1520 = vector.broadcast %get3A_1519 : f32 to vector<136x128xf32>
    %mul3A_1521 = arith.mulf %select_n3A_1508, %mul3A_1520 : vector<136x128xf32>
    %add3A_1522 = arith.addf %add3A_1486, %mul3A_1521 : vector<136x128xf32>
    %get3A_1523 = arith.constant 0 : index
    %get3A_1524 = arith.constant 0 : index
    %get3A_1525 = arith.constant 92 : index
    %get3A_1526 = memref.load %arg3[%get3A_1523, %get3A_1524, %get3A_1525] : memref<1x1x240xf32, #tpu.memory_space<smem>>
    %mul3A_1527 = vector.broadcast %get3A_1526 : f32 to vector<136x128xf32>
    %mul3A_1528 = arith.mulf %select_n3A_1508, %mul3A_1527 : vector<136x128xf32>
    %add3A_1529 = arith.addf %add3A_1493, %mul3A_1528 : vector<136x128xf32>
    %get3A_1530 = arith.constant 0 : index
    %get3A_1531 = arith.constant 0 : index
    %get3A_1532 = arith.constant 93 : index
    %get3A_1533 = memref.load %arg3[%get3A_1530, %get3A_1531, %get3A_1532] : memref<1x1x240xf32, #tpu.memory_space<smem>>
    %mul3A_1534 = vector.broadcast %get3A_1533 : f32 to vector<136x128xf32>
    %mul3A_1535 = arith.mulf %select_n3A_1508, %mul3A_1534 : vector<136x128xf32>
    %add3A_1536 = arith.addf %add3A_1500, %mul3A_1535 : vector<136x128xf32>
    %eq3A_1537 = arith.constant 7 : i32
    %eq3A_1538 = vector.broadcast %eq3A_1537 : i32 to vector<136x128xi32>
    %eq3A_1539 = arith.cmpi eq, %select_n3A_1249, %eq3A_1538 : vector<136x128xi32>
    %jit3A_1540 = arith.constant 1.000000e+00 : f32
    %jit3A_1541 = arith.constant 0.000000e+00 : f32
    %broadcast_in_dim3A_1542 = vector.broadcast %jit3A_1540 : f32 to vector<136x128xf32>
    %broadcast_in_dim3A_1543 = vector.broadcast %jit3A_1541 : f32 to vector<136x128xf32>
    %select_n3A_1544 = arith.select %eq3A_1539, %broadcast_in_dim3A_1542, %broadcast_in_dim3A_1543 : vector<136x128xi1>, vector<136x128xf32>
    %get3A_1545 = arith.constant 0 : index
    %get3A_1546 = arith.constant 0 : index
    %get3A_1547 = arith.constant 105 : index
    %get3A_1548 = memref.load %arg3[%get3A_1545, %get3A_1546, %get3A_1547] : memref<1x1x240xf32, #tpu.memory_space<smem>>
    %mul3A_1549 = vector.broadcast %get3A_1548 : f32 to vector<136x128xf32>
    %mul3A_1550 = arith.mulf %select_n3A_1544, %mul3A_1549 : vector<136x128xf32>
    %add3A_1551 = arith.addf %add3A_1515, %mul3A_1550 : vector<136x128xf32>
    %get3A_1552 = arith.constant 0 : index
    %get3A_1553 = arith.constant 0 : index
    %get3A_1554 = arith.constant 106 : index
    %get3A_1555 = memref.load %arg3[%get3A_1552, %get3A_1553, %get3A_1554] : memref<1x1x240xf32, #tpu.memory_space<smem>>
    %mul3A_1556 = vector.broadcast %get3A_1555 : f32 to vector<136x128xf32>
    %mul3A_1557 = arith.mulf %select_n3A_1544, %mul3A_1556 : vector<136x128xf32>
    %add3A_1558 = arith.addf %add3A_1522, %mul3A_1557 : vector<136x128xf32>
    %get3A_1559 = arith.constant 0 : index
    %get3A_1560 = arith.constant 0 : index
    %get3A_1561 = arith.constant 107 : index
    %get3A_1562 = memref.load %arg3[%get3A_1559, %get3A_1560, %get3A_1561] : memref<1x1x240xf32, #tpu.memory_space<smem>>
    %mul3A_1563 = vector.broadcast %get3A_1562 : f32 to vector<136x128xf32>
    %mul3A_1564 = arith.mulf %select_n3A_1544, %mul3A_1563 : vector<136x128xf32>
    %add3A_1565 = arith.addf %add3A_1529, %mul3A_1564 : vector<136x128xf32>
    %get3A_1566 = arith.constant 0 : index
    %get3A_1567 = arith.constant 0 : index
    %get3A_1568 = arith.constant 108 : index
    %get3A_1569 = memref.load %arg3[%get3A_1566, %get3A_1567, %get3A_1568] : memref<1x1x240xf32, #tpu.memory_space<smem>>
    %mul3A_1570 = vector.broadcast %get3A_1569 : f32 to vector<136x128xf32>
    %mul3A_1571 = arith.mulf %select_n3A_1544, %mul3A_1570 : vector<136x128xf32>
    %add3A_1572 = arith.addf %add3A_1536, %mul3A_1571 : vector<136x128xf32>
    %eq3A_1573 = arith.constant 8 : i32
    %eq3A_1574 = vector.broadcast %eq3A_1573 : i32 to vector<136x128xi32>
    %eq3A_1575 = arith.cmpi eq, %select_n3A_1249, %eq3A_1574 : vector<136x128xi32>
    %jit3A_1576 = arith.constant 1.000000e+00 : f32
    %jit3A_1577 = arith.constant 0.000000e+00 : f32
    %broadcast_in_dim3A_1578 = vector.broadcast %jit3A_1576 : f32 to vector<136x128xf32>
    %broadcast_in_dim3A_1579 = vector.broadcast %jit3A_1577 : f32 to vector<136x128xf32>
    %select_n3A_1580 = arith.select %eq3A_1575, %broadcast_in_dim3A_1578, %broadcast_in_dim3A_1579 : vector<136x128xi1>, vector<136x128xf32>
    %get3A_1581 = arith.constant 0 : index
    %get3A_1582 = arith.constant 0 : index
    %get3A_1583 = arith.constant 120 : index
    %get3A_1584 = memref.load %arg3[%get3A_1581, %get3A_1582, %get3A_1583] : memref<1x1x240xf32, #tpu.memory_space<smem>>
    %mul3A_1585 = vector.broadcast %get3A_1584 : f32 to vector<136x128xf32>
    %mul3A_1586 = arith.mulf %select_n3A_1580, %mul3A_1585 : vector<136x128xf32>
    %add3A_1587 = arith.addf %add3A_1551, %mul3A_1586 : vector<136x128xf32>
    %get3A_1588 = arith.constant 0 : index
    %get3A_1589 = arith.constant 0 : index
    %get3A_1590 = arith.constant 121 : index
    %get3A_1591 = memref.load %arg3[%get3A_1588, %get3A_1589, %get3A_1590] : memref<1x1x240xf32, #tpu.memory_space<smem>>
    %mul3A_1592 = vector.broadcast %get3A_1591 : f32 to vector<136x128xf32>
    %mul3A_1593 = arith.mulf %select_n3A_1580, %mul3A_1592 : vector<136x128xf32>
    %add3A_1594 = arith.addf %add3A_1558, %mul3A_1593 : vector<136x128xf32>
    %get3A_1595 = arith.constant 0 : index
    %get3A_1596 = arith.constant 0 : index
    %get3A_1597 = arith.constant 122 : index
    %get3A_1598 = memref.load %arg3[%get3A_1595, %get3A_1596, %get3A_1597] : memref<1x1x240xf32, #tpu.memory_space<smem>>
    %mul3A_1599 = vector.broadcast %get3A_1598 : f32 to vector<136x128xf32>
    %mul3A_1600 = arith.mulf %select_n3A_1580, %mul3A_1599 : vector<136x128xf32>
    %add3A_1601 = arith.addf %add3A_1565, %mul3A_1600 : vector<136x128xf32>
    %get3A_1602 = arith.constant 0 : index
    %get3A_1603 = arith.constant 0 : index
    %get3A_1604 = arith.constant 123 : index
    %get3A_1605 = memref.load %arg3[%get3A_1602, %get3A_1603, %get3A_1604] : memref<1x1x240xf32, #tpu.memory_space<smem>>
    %mul3A_1606 = vector.broadcast %get3A_1605 : f32 to vector<136x128xf32>
    %mul3A_1607 = arith.mulf %select_n3A_1580, %mul3A_1606 : vector<136x128xf32>
    %add3A_1608 = arith.addf %add3A_1572, %mul3A_1607 : vector<136x128xf32>
    %eq3A_1609 = arith.constant 9 : i32
    %eq3A_1610 = vector.broadcast %eq3A_1609 : i32 to vector<136x128xi32>
    %eq3A_1611 = arith.cmpi eq, %select_n3A_1249, %eq3A_1610 : vector<136x128xi32>
    %jit3A_1612 = arith.constant 1.000000e+00 : f32
    %jit3A_1613 = arith.constant 0.000000e+00 : f32
    %broadcast_in_dim3A_1614 = vector.broadcast %jit3A_1612 : f32 to vector<136x128xf32>
    %broadcast_in_dim3A_1615 = vector.broadcast %jit3A_1613 : f32 to vector<136x128xf32>
    %select_n3A_1616 = arith.select %eq3A_1611, %broadcast_in_dim3A_1614, %broadcast_in_dim3A_1615 : vector<136x128xi1>, vector<136x128xf32>
    %get3A_1617 = arith.constant 0 : index
    %get3A_1618 = arith.constant 0 : index
    %get3A_1619 = arith.constant 135 : index
    %get3A_1620 = memref.load %arg3[%get3A_1617, %get3A_1618, %get3A_1619] : memref<1x1x240xf32, #tpu.memory_space<smem>>
    %mul3A_1621 = vector.broadcast %get3A_1620 : f32 to vector<136x128xf32>
    %mul3A_1622 = arith.mulf %select_n3A_1616, %mul3A_1621 : vector<136x128xf32>
    %add3A_1623 = arith.addf %add3A_1587, %mul3A_1622 : vector<136x128xf32>
    %get3A_1624 = arith.constant 0 : index
    %get3A_1625 = arith.constant 0 : index
    %get3A_1626 = arith.constant 136 : index
    %get3A_1627 = memref.load %arg3[%get3A_1624, %get3A_1625, %get3A_1626] : memref<1x1x240xf32, #tpu.memory_space<smem>>
    %mul3A_1628 = vector.broadcast %get3A_1627 : f32 to vector<136x128xf32>
    %mul3A_1629 = arith.mulf %select_n3A_1616, %mul3A_1628 : vector<136x128xf32>
    %add3A_1630 = arith.addf %add3A_1594, %mul3A_1629 : vector<136x128xf32>
    %get3A_1631 = arith.constant 0 : index
    %get3A_1632 = arith.constant 0 : index
    %get3A_1633 = arith.constant 137 : index
    %get3A_1634 = memref.load %arg3[%get3A_1631, %get3A_1632, %get3A_1633] : memref<1x1x240xf32, #tpu.memory_space<smem>>
    %mul3A_1635 = vector.broadcast %get3A_1634 : f32 to vector<136x128xf32>
    %mul3A_1636 = arith.mulf %select_n3A_1616, %mul3A_1635 : vector<136x128xf32>
    %add3A_1637 = arith.addf %add3A_1601, %mul3A_1636 : vector<136x128xf32>
    %get3A_1638 = arith.constant 0 : index
    %get3A_1639 = arith.constant 0 : index
    %get3A_1640 = arith.constant 138 : index
    %get3A_1641 = memref.load %arg3[%get3A_1638, %get3A_1639, %get3A_1640] : memref<1x1x240xf32, #tpu.memory_space<smem>>
    %mul3A_1642 = vector.broadcast %get3A_1641 : f32 to vector<136x128xf32>
    %mul3A_1643 = arith.mulf %select_n3A_1616, %mul3A_1642 : vector<136x128xf32>
    %add3A_1644 = arith.addf %add3A_1608, %mul3A_1643 : vector<136x128xf32>
    %eq3A_1645 = arith.constant 10 : i32
    %eq3A_1646 = vector.broadcast %eq3A_1645 : i32 to vector<136x128xi32>
    %eq3A_1647 = arith.cmpi eq, %select_n3A_1249, %eq3A_1646 : vector<136x128xi32>
    %jit3A_1648 = arith.constant 1.000000e+00 : f32
    %jit3A_1649 = arith.constant 0.000000e+00 : f32
    %broadcast_in_dim3A_1650 = vector.broadcast %jit3A_1648 : f32 to vector<136x128xf32>
    %broadcast_in_dim3A_1651 = vector.broadcast %jit3A_1649 : f32 to vector<136x128xf32>
    %select_n3A_1652 = arith.select %eq3A_1647, %broadcast_in_dim3A_1650, %broadcast_in_dim3A_1651 : vector<136x128xi1>, vector<136x128xf32>
    %get3A_1653 = arith.constant 0 : index
    %get3A_1654 = arith.constant 0 : index
    %get3A_1655 = arith.constant 150 : index
    %get3A_1656 = memref.load %arg3[%get3A_1653, %get3A_1654, %get3A_1655] : memref<1x1x240xf32, #tpu.memory_space<smem>>
    %mul3A_1657 = vector.broadcast %get3A_1656 : f32 to vector<136x128xf32>
    %mul3A_1658 = arith.mulf %select_n3A_1652, %mul3A_1657 : vector<136x128xf32>
    %add3A_1659 = arith.addf %add3A_1623, %mul3A_1658 : vector<136x128xf32>
    %get3A_1660 = arith.constant 0 : index
    %get3A_1661 = arith.constant 0 : index
    %get3A_1662 = arith.constant 151 : index
    %get3A_1663 = memref.load %arg3[%get3A_1660, %get3A_1661, %get3A_1662] : memref<1x1x240xf32, #tpu.memory_space<smem>>
    %mul3A_1664 = vector.broadcast %get3A_1663 : f32 to vector<136x128xf32>
    %mul3A_1665 = arith.mulf %select_n3A_1652, %mul3A_1664 : vector<136x128xf32>
    %add3A_1666 = arith.addf %add3A_1630, %mul3A_1665 : vector<136x128xf32>
    %get3A_1667 = arith.constant 0 : index
    %get3A_1668 = arith.constant 0 : index
    %get3A_1669 = arith.constant 152 : index
    %get3A_1670 = memref.load %arg3[%get3A_1667, %get3A_1668, %get3A_1669] : memref<1x1x240xf32, #tpu.memory_space<smem>>
    %mul3A_1671 = vector.broadcast %get3A_1670 : f32 to vector<136x128xf32>
    %mul3A_1672 = arith.mulf %select_n3A_1652, %mul3A_1671 : vector<136x128xf32>
    %add3A_1673 = arith.addf %add3A_1637, %mul3A_1672 : vector<136x128xf32>
    %get3A_1674 = arith.constant 0 : index
    %get3A_1675 = arith.constant 0 : index
    %get3A_1676 = arith.constant 153 : index
    %get3A_1677 = memref.load %arg3[%get3A_1674, %get3A_1675, %get3A_1676] : memref<1x1x240xf32, #tpu.memory_space<smem>>
    %mul3A_1678 = vector.broadcast %get3A_1677 : f32 to vector<136x128xf32>
    %mul3A_1679 = arith.mulf %select_n3A_1652, %mul3A_1678 : vector<136x128xf32>
    %add3A_1680 = arith.addf %add3A_1644, %mul3A_1679 : vector<136x128xf32>
    %eq3A_1681 = arith.constant 11 : i32
    %eq3A_1682 = vector.broadcast %eq3A_1681 : i32 to vector<136x128xi32>
    %eq3A_1683 = arith.cmpi eq, %select_n3A_1249, %eq3A_1682 : vector<136x128xi32>
    %jit3A_1684 = arith.constant 1.000000e+00 : f32
    %jit3A_1685 = arith.constant 0.000000e+00 : f32
    %broadcast_in_dim3A_1686 = vector.broadcast %jit3A_1684 : f32 to vector<136x128xf32>
    %broadcast_in_dim3A_1687 = vector.broadcast %jit3A_1685 : f32 to vector<136x128xf32>
    %select_n3A_1688 = arith.select %eq3A_1683, %broadcast_in_dim3A_1686, %broadcast_in_dim3A_1687 : vector<136x128xi1>, vector<136x128xf32>
    %get3A_1689 = arith.constant 0 : index
    %get3A_1690 = arith.constant 0 : index
    %get3A_1691 = arith.constant 165 : index
    %get3A_1692 = memref.load %arg3[%get3A_1689, %get3A_1690, %get3A_1691] : memref<1x1x240xf32, #tpu.memory_space<smem>>
    %mul3A_1693 = vector.broadcast %get3A_1692 : f32 to vector<136x128xf32>
    %mul3A_1694 = arith.mulf %select_n3A_1688, %mul3A_1693 : vector<136x128xf32>
    %add3A_1695 = arith.addf %add3A_1659, %mul3A_1694 : vector<136x128xf32>
    %get3A_1696 = arith.constant 0 : index
    %get3A_1697 = arith.constant 0 : index
    %get3A_1698 = arith.constant 166 : index
    %get3A_1699 = memref.load %arg3[%get3A_1696, %get3A_1697, %get3A_1698] : memref<1x1x240xf32, #tpu.memory_space<smem>>
    %mul3A_1700 = vector.broadcast %get3A_1699 : f32 to vector<136x128xf32>
    %mul3A_1701 = arith.mulf %select_n3A_1688, %mul3A_1700 : vector<136x128xf32>
    %add3A_1702 = arith.addf %add3A_1666, %mul3A_1701 : vector<136x128xf32>
    %get3A_1703 = arith.constant 0 : index
    %get3A_1704 = arith.constant 0 : index
    %get3A_1705 = arith.constant 167 : index
    %get3A_1706 = memref.load %arg3[%get3A_1703, %get3A_1704, %get3A_1705] : memref<1x1x240xf32, #tpu.memory_space<smem>>
    %mul3A_1707 = vector.broadcast %get3A_1706 : f32 to vector<136x128xf32>
    %mul3A_1708 = arith.mulf %select_n3A_1688, %mul3A_1707 : vector<136x128xf32>
    %add3A_1709 = arith.addf %add3A_1673, %mul3A_1708 : vector<136x128xf32>
    %get3A_1710 = arith.constant 0 : index
    %get3A_1711 = arith.constant 0 : index
    %get3A_1712 = arith.constant 168 : index
    %get3A_1713 = memref.load %arg3[%get3A_1710, %get3A_1711, %get3A_1712] : memref<1x1x240xf32, #tpu.memory_space<smem>>
    %mul3A_1714 = vector.broadcast %get3A_1713 : f32 to vector<136x128xf32>
    %mul3A_1715 = arith.mulf %select_n3A_1688, %mul3A_1714 : vector<136x128xf32>
    %add3A_1716 = arith.addf %add3A_1680, %mul3A_1715 : vector<136x128xf32>
    %eq3A_1717 = arith.constant 12 : i32
    %eq3A_1718 = vector.broadcast %eq3A_1717 : i32 to vector<136x128xi32>
    %eq3A_1719 = arith.cmpi eq, %select_n3A_1249, %eq3A_1718 : vector<136x128xi32>
    %jit3A_1720 = arith.constant 1.000000e+00 : f32
    %jit3A_1721 = arith.constant 0.000000e+00 : f32
    %broadcast_in_dim3A_1722 = vector.broadcast %jit3A_1720 : f32 to vector<136x128xf32>
    %broadcast_in_dim3A_1723 = vector.broadcast %jit3A_1721 : f32 to vector<136x128xf32>
    %select_n3A_1724 = arith.select %eq3A_1719, %broadcast_in_dim3A_1722, %broadcast_in_dim3A_1723 : vector<136x128xi1>, vector<136x128xf32>
    %get3A_1725 = arith.constant 0 : index
    %get3A_1726 = arith.constant 0 : index
    %get3A_1727 = arith.constant 180 : index
    %get3A_1728 = memref.load %arg3[%get3A_1725, %get3A_1726, %get3A_1727] : memref<1x1x240xf32, #tpu.memory_space<smem>>
    %mul3A_1729 = vector.broadcast %get3A_1728 : f32 to vector<136x128xf32>
    %mul3A_1730 = arith.mulf %select_n3A_1724, %mul3A_1729 : vector<136x128xf32>
    %add3A_1731 = arith.addf %add3A_1695, %mul3A_1730 : vector<136x128xf32>
    %get3A_1732 = arith.constant 0 : index
    %get3A_1733 = arith.constant 0 : index
    %get3A_1734 = arith.constant 181 : index
    %get3A_1735 = memref.load %arg3[%get3A_1732, %get3A_1733, %get3A_1734] : memref<1x1x240xf32, #tpu.memory_space<smem>>
    %mul3A_1736 = vector.broadcast %get3A_1735 : f32 to vector<136x128xf32>
    %mul3A_1737 = arith.mulf %select_n3A_1724, %mul3A_1736 : vector<136x128xf32>
    %add3A_1738 = arith.addf %add3A_1702, %mul3A_1737 : vector<136x128xf32>
    %get3A_1739 = arith.constant 0 : index
    %get3A_1740 = arith.constant 0 : index
    %get3A_1741 = arith.constant 182 : index
    %get3A_1742 = memref.load %arg3[%get3A_1739, %get3A_1740, %get3A_1741] : memref<1x1x240xf32, #tpu.memory_space<smem>>
    %mul3A_1743 = vector.broadcast %get3A_1742 : f32 to vector<136x128xf32>
    %mul3A_1744 = arith.mulf %select_n3A_1724, %mul3A_1743 : vector<136x128xf32>
    %add3A_1745 = arith.addf %add3A_1709, %mul3A_1744 : vector<136x128xf32>
    %get3A_1746 = arith.constant 0 : index
    %get3A_1747 = arith.constant 0 : index
    %get3A_1748 = arith.constant 183 : index
    %get3A_1749 = memref.load %arg3[%get3A_1746, %get3A_1747, %get3A_1748] : memref<1x1x240xf32, #tpu.memory_space<smem>>
    %mul3A_1750 = vector.broadcast %get3A_1749 : f32 to vector<136x128xf32>
    %mul3A_1751 = arith.mulf %select_n3A_1724, %mul3A_1750 : vector<136x128xf32>
    %add3A_1752 = arith.addf %add3A_1716, %mul3A_1751 : vector<136x128xf32>
    %eq3A_1753 = arith.constant 13 : i32
    %eq3A_1754 = vector.broadcast %eq3A_1753 : i32 to vector<136x128xi32>
    %eq3A_1755 = arith.cmpi eq, %select_n3A_1249, %eq3A_1754 : vector<136x128xi32>
    %jit3A_1756 = arith.constant 1.000000e+00 : f32
    %jit3A_1757 = arith.constant 0.000000e+00 : f32
    %broadcast_in_dim3A_1758 = vector.broadcast %jit3A_1756 : f32 to vector<136x128xf32>
    %broadcast_in_dim3A_1759 = vector.broadcast %jit3A_1757 : f32 to vector<136x128xf32>
    %select_n3A_1760 = arith.select %eq3A_1755, %broadcast_in_dim3A_1758, %broadcast_in_dim3A_1759 : vector<136x128xi1>, vector<136x128xf32>
    %get3A_1761 = arith.constant 0 : index
    %get3A_1762 = arith.constant 0 : index
    %get3A_1763 = arith.constant 195 : index
    %get3A_1764 = memref.load %arg3[%get3A_1761, %get3A_1762, %get3A_1763] : memref<1x1x240xf32, #tpu.memory_space<smem>>
    %mul3A_1765 = vector.broadcast %get3A_1764 : f32 to vector<136x128xf32>
    %mul3A_1766 = arith.mulf %select_n3A_1760, %mul3A_1765 : vector<136x128xf32>
    %add3A_1767 = arith.addf %add3A_1731, %mul3A_1766 : vector<136x128xf32>
    %get3A_1768 = arith.constant 0 : index
    %get3A_1769 = arith.constant 0 : index
    %get3A_1770 = arith.constant 196 : index
    %get3A_1771 = memref.load %arg3[%get3A_1768, %get3A_1769, %get3A_1770] : memref<1x1x240xf32, #tpu.memory_space<smem>>
    %mul3A_1772 = vector.broadcast %get3A_1771 : f32 to vector<136x128xf32>
    %mul3A_1773 = arith.mulf %select_n3A_1760, %mul3A_1772 : vector<136x128xf32>
    %add3A_1774 = arith.addf %add3A_1738, %mul3A_1773 : vector<136x128xf32>
    %get3A_1775 = arith.constant 0 : index
    %get3A_1776 = arith.constant 0 : index
    %get3A_1777 = arith.constant 197 : index
    %get3A_1778 = memref.load %arg3[%get3A_1775, %get3A_1776, %get3A_1777] : memref<1x1x240xf32, #tpu.memory_space<smem>>
    %mul3A_1779 = vector.broadcast %get3A_1778 : f32 to vector<136x128xf32>
    %mul3A_1780 = arith.mulf %select_n3A_1760, %mul3A_1779 : vector<136x128xf32>
    %add3A_1781 = arith.addf %add3A_1745, %mul3A_1780 : vector<136x128xf32>
    %get3A_1782 = arith.constant 0 : index
    %get3A_1783 = arith.constant 0 : index
    %get3A_1784 = arith.constant 198 : index
    %get3A_1785 = memref.load %arg3[%get3A_1782, %get3A_1783, %get3A_1784] : memref<1x1x240xf32, #tpu.memory_space<smem>>
    %mul3A_1786 = vector.broadcast %get3A_1785 : f32 to vector<136x128xf32>
    %mul3A_1787 = arith.mulf %select_n3A_1760, %mul3A_1786 : vector<136x128xf32>
    %add3A_1788 = arith.addf %add3A_1752, %mul3A_1787 : vector<136x128xf32>
    %eq3A_1789 = arith.constant 14 : i32
    %eq3A_1790 = vector.broadcast %eq3A_1789 : i32 to vector<136x128xi32>
    %eq3A_1791 = arith.cmpi eq, %select_n3A_1249, %eq3A_1790 : vector<136x128xi32>
    %jit3A_1792 = arith.constant 1.000000e+00 : f32
    %jit3A_1793 = arith.constant 0.000000e+00 : f32
    %broadcast_in_dim3A_1794 = vector.broadcast %jit3A_1792 : f32 to vector<136x128xf32>
    %broadcast_in_dim3A_1795 = vector.broadcast %jit3A_1793 : f32 to vector<136x128xf32>
    %select_n3A_1796 = arith.select %eq3A_1791, %broadcast_in_dim3A_1794, %broadcast_in_dim3A_1795 : vector<136x128xi1>, vector<136x128xf32>
    %get3A_1797 = arith.constant 0 : index
    %get3A_1798 = arith.constant 0 : index
    %get3A_1799 = arith.constant 210 : index
    %get3A_1800 = memref.load %arg3[%get3A_1797, %get3A_1798, %get3A_1799] : memref<1x1x240xf32, #tpu.memory_space<smem>>
    %mul3A_1801 = vector.broadcast %get3A_1800 : f32 to vector<136x128xf32>
    %mul3A_1802 = arith.mulf %select_n3A_1796, %mul3A_1801 : vector<136x128xf32>
    %add3A_1803 = arith.addf %add3A_1767, %mul3A_1802 : vector<136x128xf32>
    %get3A_1804 = arith.constant 0 : index
    %get3A_1805 = arith.constant 0 : index
    %get3A_1806 = arith.constant 211 : index
    %get3A_1807 = memref.load %arg3[%get3A_1804, %get3A_1805, %get3A_1806] : memref<1x1x240xf32, #tpu.memory_space<smem>>
    %mul3A_1808 = vector.broadcast %get3A_1807 : f32 to vector<136x128xf32>
    %mul3A_1809 = arith.mulf %select_n3A_1796, %mul3A_1808 : vector<136x128xf32>
    %add3A_1810 = arith.addf %add3A_1774, %mul3A_1809 : vector<136x128xf32>
    %get3A_1811 = arith.constant 0 : index
    %get3A_1812 = arith.constant 0 : index
    %get3A_1813 = arith.constant 212 : index
    %get3A_1814 = memref.load %arg3[%get3A_1811, %get3A_1812, %get3A_1813] : memref<1x1x240xf32, #tpu.memory_space<smem>>
    %mul3A_1815 = vector.broadcast %get3A_1814 : f32 to vector<136x128xf32>
    %mul3A_1816 = arith.mulf %select_n3A_1796, %mul3A_1815 : vector<136x128xf32>
    %add3A_1817 = arith.addf %add3A_1781, %mul3A_1816 : vector<136x128xf32>
    %get3A_1818 = arith.constant 0 : index
    %get3A_1819 = arith.constant 0 : index
    %get3A_1820 = arith.constant 213 : index
    %get3A_1821 = memref.load %arg3[%get3A_1818, %get3A_1819, %get3A_1820] : memref<1x1x240xf32, #tpu.memory_space<smem>>
    %mul3A_1822 = vector.broadcast %get3A_1821 : f32 to vector<136x128xf32>
    %mul3A_1823 = arith.mulf %select_n3A_1796, %mul3A_1822 : vector<136x128xf32>
    %add3A_1824 = arith.addf %add3A_1788, %mul3A_1823 : vector<136x128xf32>
    %eq3A_1825 = arith.constant 15 : i32
    %eq3A_1826 = vector.broadcast %eq3A_1825 : i32 to vector<136x128xi32>
    %eq3A_1827 = arith.cmpi eq, %select_n3A_1249, %eq3A_1826 : vector<136x128xi32>
    %jit3A_1828 = arith.constant 1.000000e+00 : f32
    %jit3A_1829 = arith.constant 0.000000e+00 : f32
    %broadcast_in_dim3A_1830 = vector.broadcast %jit3A_1828 : f32 to vector<136x128xf32>
    %broadcast_in_dim3A_1831 = vector.broadcast %jit3A_1829 : f32 to vector<136x128xf32>
    %select_n3A_1832 = arith.select %eq3A_1827, %broadcast_in_dim3A_1830, %broadcast_in_dim3A_1831 : vector<136x128xi1>, vector<136x128xf32>
    %get3A_1833 = arith.constant 0 : index
    %get3A_1834 = arith.constant 0 : index
    %get3A_1835 = arith.constant 225 : index
    %get3A_1836 = memref.load %arg3[%get3A_1833, %get3A_1834, %get3A_1835] : memref<1x1x240xf32, #tpu.memory_space<smem>>
    %mul3A_1837 = vector.broadcast %get3A_1836 : f32 to vector<136x128xf32>
    %mul3A_1838 = arith.mulf %select_n3A_1832, %mul3A_1837 : vector<136x128xf32>
    %add3A_1839 = arith.addf %add3A_1803, %mul3A_1838 : vector<136x128xf32>
    %get3A_1840 = arith.constant 0 : index
    %get3A_1841 = arith.constant 0 : index
    %get3A_1842 = arith.constant 226 : index
    %get3A_1843 = memref.load %arg3[%get3A_1840, %get3A_1841, %get3A_1842] : memref<1x1x240xf32, #tpu.memory_space<smem>>
    %mul3A_1844 = vector.broadcast %get3A_1843 : f32 to vector<136x128xf32>
    %mul3A_1845 = arith.mulf %select_n3A_1832, %mul3A_1844 : vector<136x128xf32>
    %add3A_1846 = arith.addf %add3A_1810, %mul3A_1845 : vector<136x128xf32>
    %get3A_1847 = arith.constant 0 : index
    %get3A_1848 = arith.constant 0 : index
    %get3A_1849 = arith.constant 227 : index
    %get3A_1850 = memref.load %arg3[%get3A_1847, %get3A_1848, %get3A_1849] : memref<1x1x240xf32, #tpu.memory_space<smem>>
    %mul3A_1851 = vector.broadcast %get3A_1850 : f32 to vector<136x128xf32>
    %mul3A_1852 = arith.mulf %select_n3A_1832, %mul3A_1851 : vector<136x128xf32>
    %add3A_1853 = arith.addf %add3A_1817, %mul3A_1852 : vector<136x128xf32>
    %get3A_1854 = arith.constant 0 : index
    %get3A_1855 = arith.constant 0 : index
    %get3A_1856 = arith.constant 228 : index
    %get3A_1857 = memref.load %arg3[%get3A_1854, %get3A_1855, %get3A_1856] : memref<1x1x240xf32, #tpu.memory_space<smem>>
    %mul3A_1858 = vector.broadcast %get3A_1857 : f32 to vector<136x128xf32>
    %mul3A_1859 = arith.mulf %select_n3A_1832, %mul3A_1858 : vector<136x128xf32>
    %add3A_1860 = arith.addf %add3A_1824, %mul3A_1859 : vector<136x128xf32>
    %add3A_1861 = arith.addf %add3A_1839, %add3A_1853 : vector<136x128xf32>
    %mul3A_1862 = arith.constant 5.000000e-01 : f32
    %mul3A_1863 = vector.broadcast %mul3A_1862 : f32 to vector<136x128xf32>
    %mul3A_1864 = arith.mulf %add3A_1861, %mul3A_1863 : vector<136x128xf32>
    %sub3A_1865 = arith.subf %mul3A_1864, %get3A_1263 : vector<136x128xf32>
    %mul3A_1866 = arith.mulf %sub3A_1865, %get3A_1273 : vector<136x128xf32>
    %add3A_1867 = arith.addf %add3A_1846, %add3A_1860 : vector<136x128xf32>
    %mul3A_1868 = arith.constant 5.000000e-01 : f32
    %mul3A_1869 = vector.broadcast %mul3A_1868 : f32 to vector<136x128xf32>
    %mul3A_1870 = arith.mulf %add3A_1867, %mul3A_1869 : vector<136x128xf32>
    %sub3A_1871 = arith.subf %mul3A_1870, %get3A_1268 : vector<136x128xf32>
    %mul3A_1872 = arith.mulf %sub3A_1871, %get3A_1278 : vector<136x128xf32>
    %sub3A_1873 = arith.subf %add3A_1853, %add3A_1839 : vector<136x128xf32>
    %mul3A_1874 = arith.mulf %sub3A_1873, %get3A_1283 : vector<136x128xf32>
    %max3A_1875 = arith.constant 9.99999996E-13 : f32
    %max3A_1876 = vector.broadcast %max3A_1875 : f32 to vector<136x128xf32>
    %max3A_1877 = arith.maximumf %mul3A_1874, %max3A_1876 : vector<136x128xf32>
    %log3A = math.log %max3A_1877 : vector<136x128xf32>
    %mul3A_1878 = arith.constant 5.000000e+00 : f32
    %mul3A_1879 = vector.broadcast %mul3A_1878 : f32 to vector<136x128xf32>
    %mul3A_1880 = arith.mulf %log3A, %mul3A_1879 : vector<136x128xf32>
    %sub3A_1881 = arith.subf %add3A_1860, %add3A_1846 : vector<136x128xf32>
    %mul3A_1882 = arith.mulf %sub3A_1881, %get3A_1288 : vector<136x128xf32>
    %max3A_1883 = arith.constant 9.99999996E-13 : f32
    %max3A_1884 = vector.broadcast %max3A_1883 : f32 to vector<136x128xf32>
    %max3A_1885 = arith.maximumf %mul3A_1882, %max3A_1884 : vector<136x128xf32>
    %log3A_1886 = math.log %max3A_1885 : vector<136x128xf32>
    %mul3A_1887 = arith.constant 5.000000e+00 : f32
    %mul3A_1888 = vector.broadcast %mul3A_1887 : f32 to vector<136x128xf32>
    %mul3A_1889 = arith.mulf %log3A_1886, %mul3A_1888 : vector<136x128xf32>
    %get3A_1890 = arith.constant 0 : index
    %get3A_1891 = arith.constant 0 : index
    %get3A_1892 = arith.constant 0 : index
    %get3A_1893 = arith.constant 0 : index
    %get3A_1894 = vector.load %arg1[%get3A_1890, %get3A_1891, %get3A_1892, %get3A_1893] : memref<1x16x136x128xf32, #tpu.memory_space<vmem>>, vector<1x1x136x128xf32>
    %get3A_1895 = vector.shape_cast %get3A_1894 : vector<1x1x136x128xf32> to vector<136x128xf32>
    %sub3A_1896 = arith.subf %get3A_1895, %mul3A_1866 : vector<136x128xf32>
    %abs3A = math.absf %sub3A_1896 : vector<136x128xf32>
    %lt3A = arith.constant 1.000000e+00 : f32
    %lt3A_1897 = vector.broadcast %lt3A : f32 to vector<136x128xf32>
    %lt3A_1898 = arith.cmpf olt, %abs3A, %lt3A_1897 : vector<136x128xf32>
    %mul3A_1899 = arith.constant 5.000000e-01 : f32
    %mul3A_1900 = vector.broadcast %mul3A_1899 : f32 to vector<136x128xf32>
    %mul3A_1901 = arith.mulf %mul3A_1900, %sub3A_1896 : vector<136x128xf32>
    %mul3A_1902 = arith.mulf %mul3A_1901, %sub3A_1896 : vector<136x128xf32>
    %sub3A_1903 = arith.constant 5.000000e-01 : f32
    %sub3A_1904 = vector.broadcast %sub3A_1903 : f32 to vector<136x128xf32>
    %sub3A_1905 = arith.subf %abs3A, %sub3A_1904 : vector<136x128xf32>
    %select_n3A_1906 = arith.select %lt3A_1898, %mul3A_1902, %sub3A_1905 : vector<136x128xi1>, vector<136x128xf32>
    %get3A_1907 = arith.constant 0 : index
    %get3A_1908 = arith.constant 1 : index
    %get3A_1909 = arith.constant 0 : index
    %get3A_1910 = arith.constant 0 : index
    %get3A_1911 = vector.load %arg1[%get3A_1907, %get3A_1908, %get3A_1909, %get3A_1910] : memref<1x16x136x128xf32, #tpu.memory_space<vmem>>, vector<1x1x136x128xf32>
    %get3A_1912 = vector.shape_cast %get3A_1911 : vector<1x1x136x128xf32> to vector<136x128xf32>
    %sub3A_1913 = arith.subf %get3A_1912, %mul3A_1872 : vector<136x128xf32>
    %abs3A_1914 = math.absf %sub3A_1913 : vector<136x128xf32>
    %lt3A_1915 = arith.constant 1.000000e+00 : f32
    %lt3A_1916 = vector.broadcast %lt3A_1915 : f32 to vector<136x128xf32>
    %lt3A_1917 = arith.cmpf olt, %abs3A_1914, %lt3A_1916 : vector<136x128xf32>
    %mul3A_1918 = arith.constant 5.000000e-01 : f32
    %mul3A_1919 = vector.broadcast %mul3A_1918 : f32 to vector<136x128xf32>
    %mul3A_1920 = arith.mulf %mul3A_1919, %sub3A_1913 : vector<136x128xf32>
    %mul3A_1921 = arith.mulf %mul3A_1920, %sub3A_1913 : vector<136x128xf32>
    %sub3A_1922 = arith.constant 5.000000e-01 : f32
    %sub3A_1923 = vector.broadcast %sub3A_1922 : f32 to vector<136x128xf32>
    %sub3A_1924 = arith.subf %abs3A_1914, %sub3A_1923 : vector<136x128xf32>
    %select_n3A_1925 = arith.select %lt3A_1917, %mul3A_1921, %sub3A_1924 : vector<136x128xi1>, vector<136x128xf32>
    %add3A_1926 = arith.addf %select_n3A_1906, %select_n3A_1925 : vector<136x128xf32>
    %get3A_1927 = arith.constant 0 : index
    %get3A_1928 = arith.constant 2 : index
    %get3A_1929 = arith.constant 0 : index
    %get3A_1930 = arith.constant 0 : index
    %get3A_1931 = vector.load %arg1[%get3A_1927, %get3A_1928, %get3A_1929, %get3A_1930] : memref<1x16x136x128xf32, #tpu.memory_space<vmem>>, vector<1x1x136x128xf32>
    %get3A_1932 = vector.shape_cast %get3A_1931 : vector<1x1x136x128xf32> to vector<136x128xf32>
    %sub3A_1933 = arith.subf %get3A_1932, %mul3A_1880 : vector<136x128xf32>
    %abs3A_1934 = math.absf %sub3A_1933 : vector<136x128xf32>
    %lt3A_1935 = arith.constant 1.000000e+00 : f32
    %lt3A_1936 = vector.broadcast %lt3A_1935 : f32 to vector<136x128xf32>
    %lt3A_1937 = arith.cmpf olt, %abs3A_1934, %lt3A_1936 : vector<136x128xf32>
    %mul3A_1938 = arith.constant 5.000000e-01 : f32
    %mul3A_1939 = vector.broadcast %mul3A_1938 : f32 to vector<136x128xf32>
    %mul3A_1940 = arith.mulf %mul3A_1939, %sub3A_1933 : vector<136x128xf32>
    %mul3A_1941 = arith.mulf %mul3A_1940, %sub3A_1933 : vector<136x128xf32>
    %sub3A_1942 = arith.constant 5.000000e-01 : f32
    %sub3A_1943 = vector.broadcast %sub3A_1942 : f32 to vector<136x128xf32>
    %sub3A_1944 = arith.subf %abs3A_1934, %sub3A_1943 : vector<136x128xf32>
    %select_n3A_1945 = arith.select %lt3A_1937, %mul3A_1941, %sub3A_1944 : vector<136x128xi1>, vector<136x128xf32>
    %add3A_1946 = arith.addf %add3A_1926, %select_n3A_1945 : vector<136x128xf32>
    %get3A_1947 = arith.constant 0 : index
    %get3A_1948 = arith.constant 3 : index
    %get3A_1949 = arith.constant 0 : index
    %get3A_1950 = arith.constant 0 : index
    %get3A_1951 = vector.load %arg1[%get3A_1947, %get3A_1948, %get3A_1949, %get3A_1950] : memref<1x16x136x128xf32, #tpu.memory_space<vmem>>, vector<1x1x136x128xf32>
    %get3A_1952 = vector.shape_cast %get3A_1951 : vector<1x1x136x128xf32> to vector<136x128xf32>
    %sub3A_1953 = arith.subf %get3A_1952, %mul3A_1889 : vector<136x128xf32>
    %abs3A_1954 = math.absf %sub3A_1953 : vector<136x128xf32>
    %lt3A_1955 = arith.constant 1.000000e+00 : f32
    %lt3A_1956 = vector.broadcast %lt3A_1955 : f32 to vector<136x128xf32>
    %lt3A_1957 = arith.cmpf olt, %abs3A_1954, %lt3A_1956 : vector<136x128xf32>
    %mul3A_1958 = arith.constant 5.000000e-01 : f32
    %mul3A_1959 = vector.broadcast %mul3A_1958 : f32 to vector<136x128xf32>
    %mul3A_1960 = arith.mulf %mul3A_1959, %sub3A_1953 : vector<136x128xf32>
    %mul3A_1961 = arith.mulf %mul3A_1960, %sub3A_1953 : vector<136x128xf32>
    %sub3A_1962 = arith.constant 5.000000e-01 : f32
    %sub3A_1963 = vector.broadcast %sub3A_1962 : f32 to vector<136x128xf32>
    %sub3A_1964 = arith.subf %abs3A_1954, %sub3A_1963 : vector<136x128xf32>
    %select_n3A_1965 = arith.select %lt3A_1957, %mul3A_1961, %sub3A_1964 : vector<136x128xi1>, vector<136x128xf32>
    %add3A_1966 = arith.addf %add3A_1946, %select_n3A_1965 : vector<136x128xf32>
    %jit3A_1967 = arith.constant 0.000000e+00 : f32
    %broadcast_in_dim3A_1968 = vector.broadcast %jit3A_1967 : f32 to vector<136x128xf32>
    %select_n3A_1969 = arith.select %and3A_1253, %add3A_1966, %broadcast_in_dim3A_1968 : vector<136x128xi1>, vector<136x128xf32>
    %reduce_sum3A = vector.shape_cast %select_n3A_1969 : vector<136x128xf32> to vector<1x136x128xf32>
    %reduce_sum3A_1970 = arith.constant dense<0.000000e+00> : vector<1xf32>
    %reduce_sum3A_1971 = vector.multi_reduction <add>, %reduce_sum3A, %reduce_sum3A_1970 [1, 2] : vector<1x136x128xf32> to vector<1xf32>
    %reduce_sum3A_1972 = vector.shape_cast %reduce_sum3A_1971 : vector<1xf32> to vector<1x1x1xf32>
    %reduce_sum3A_1973 = vector.extract %reduce_sum3A_1972[0, 0, 0] : f32 from vector<1x1x1xf32>
    %eq3A_1974 = arith.constant 0 : i32
    %eq3A_1975 = vector.broadcast %eq3A_1974 : i32 to vector<136x128xi32>
    %eq3A_1976 = arith.cmpi eq, %select_n3A_1249, %eq3A_1975 : vector<136x128xi32>
    %jit3A_1977 = arith.constant 1.000000e+00 : f32
    %jit3A_1978 = arith.constant 0.000000e+00 : f32
    %broadcast_in_dim3A_1979 = vector.broadcast %jit3A_1977 : f32 to vector<136x128xf32>
    %broadcast_in_dim3A_1980 = vector.broadcast %jit3A_1978 : f32 to vector<136x128xf32>
    %select_n3A_1981 = arith.select %eq3A_1976, %broadcast_in_dim3A_1979, %broadcast_in_dim3A_1980 : vector<136x128xi1>, vector<136x128xf32>
    %get3A_1982 = arith.constant 0 : index
    %get3A_1983 = arith.constant 0 : index
    %get3A_1984 = arith.constant 4 : index
    %get3A_1985 = memref.load %arg3[%get3A_1982, %get3A_1983, %get3A_1984] : memref<1x1x240xf32, #tpu.memory_space<smem>>
    %mul3A_1986 = vector.broadcast %get3A_1985 : f32 to vector<136x128xf32>
    %mul3A_1987 = arith.mulf %select_n3A_1981, %mul3A_1986 : vector<136x128xf32>
    %get3A_1988 = arith.constant 0 : index
    %get3A_1989 = arith.constant 0 : index
    %get3A_1990 = arith.constant 5 : index
    %get3A_1991 = memref.load %arg3[%get3A_1988, %get3A_1989, %get3A_1990] : memref<1x1x240xf32, #tpu.memory_space<smem>>
    %mul3A_1992 = vector.broadcast %get3A_1991 : f32 to vector<136x128xf32>
    %mul3A_1993 = arith.mulf %select_n3A_1981, %mul3A_1992 : vector<136x128xf32>
    %get3A_1994 = arith.constant 0 : index
    %get3A_1995 = arith.constant 0 : index
    %get3A_1996 = arith.constant 6 : index
    %get3A_1997 = memref.load %arg3[%get3A_1994, %get3A_1995, %get3A_1996] : memref<1x1x240xf32, #tpu.memory_space<smem>>
    %mul3A_1998 = vector.broadcast %get3A_1997 : f32 to vector<136x128xf32>
    %mul3A_1999 = arith.mulf %select_n3A_1981, %mul3A_1998 : vector<136x128xf32>
    %get3A_2000 = arith.constant 0 : index
    %get3A_2001 = arith.constant 0 : index
    %get3A_2002 = arith.constant 7 : index
    %get3A_2003 = memref.load %arg3[%get3A_2000, %get3A_2001, %get3A_2002] : memref<1x1x240xf32, #tpu.memory_space<smem>>
    %mul3A_2004 = vector.broadcast %get3A_2003 : f32 to vector<136x128xf32>
    %mul3A_2005 = arith.mulf %select_n3A_1981, %mul3A_2004 : vector<136x128xf32>
    %get3A_2006 = arith.constant 0 : index
    %get3A_2007 = arith.constant 0 : index
    %get3A_2008 = arith.constant 8 : index
    %get3A_2009 = memref.load %arg3[%get3A_2006, %get3A_2007, %get3A_2008] : memref<1x1x240xf32, #tpu.memory_space<smem>>
    %mul3A_2010 = vector.broadcast %get3A_2009 : f32 to vector<136x128xf32>
    %mul3A_2011 = arith.mulf %select_n3A_1981, %mul3A_2010 : vector<136x128xf32>
    %eq3A_2012 = arith.constant 1 : i32
    %eq3A_2013 = vector.broadcast %eq3A_2012 : i32 to vector<136x128xi32>
    %eq3A_2014 = arith.cmpi eq, %select_n3A_1249, %eq3A_2013 : vector<136x128xi32>
    %jit3A_2015 = arith.constant 1.000000e+00 : f32
    %jit3A_2016 = arith.constant 0.000000e+00 : f32
    %broadcast_in_dim3A_2017 = vector.broadcast %jit3A_2015 : f32 to vector<136x128xf32>
    %broadcast_in_dim3A_2018 = vector.broadcast %jit3A_2016 : f32 to vector<136x128xf32>
    %select_n3A_2019 = arith.select %eq3A_2014, %broadcast_in_dim3A_2017, %broadcast_in_dim3A_2018 : vector<136x128xi1>, vector<136x128xf32>
    %get3A_2020 = arith.constant 0 : index
    %get3A_2021 = arith.constant 0 : index
    %get3A_2022 = arith.constant 19 : index
    %get3A_2023 = memref.load %arg3[%get3A_2020, %get3A_2021, %get3A_2022] : memref<1x1x240xf32, #tpu.memory_space<smem>>
    %mul3A_2024 = vector.broadcast %get3A_2023 : f32 to vector<136x128xf32>
    %mul3A_2025 = arith.mulf %select_n3A_2019, %mul3A_2024 : vector<136x128xf32>
    %add3A_2026 = arith.addf %mul3A_1987, %mul3A_2025 : vector<136x128xf32>
    %get3A_2027 = arith.constant 0 : index
    %get3A_2028 = arith.constant 0 : index
    %get3A_2029 = arith.constant 20 : index
    %get3A_2030 = memref.load %arg3[%get3A_2027, %get3A_2028, %get3A_2029] : memref<1x1x240xf32, #tpu.memory_space<smem>>
    %mul3A_2031 = vector.broadcast %get3A_2030 : f32 to vector<136x128xf32>
    %mul3A_2032 = arith.mulf %select_n3A_2019, %mul3A_2031 : vector<136x128xf32>
    %add3A_2033 = arith.addf %mul3A_1993, %mul3A_2032 : vector<136x128xf32>
    %get3A_2034 = arith.constant 0 : index
    %get3A_2035 = arith.constant 0 : index
    %get3A_2036 = arith.constant 21 : index
    %get3A_2037 = memref.load %arg3[%get3A_2034, %get3A_2035, %get3A_2036] : memref<1x1x240xf32, #tpu.memory_space<smem>>
    %mul3A_2038 = vector.broadcast %get3A_2037 : f32 to vector<136x128xf32>
    %mul3A_2039 = arith.mulf %select_n3A_2019, %mul3A_2038 : vector<136x128xf32>
    %add3A_2040 = arith.addf %mul3A_1999, %mul3A_2039 : vector<136x128xf32>
    %get3A_2041 = arith.constant 0 : index
    %get3A_2042 = arith.constant 0 : index
    %get3A_2043 = arith.constant 22 : index
    %get3A_2044 = memref.load %arg3[%get3A_2041, %get3A_2042, %get3A_2043] : memref<1x1x240xf32, #tpu.memory_space<smem>>
    %mul3A_2045 = vector.broadcast %get3A_2044 : f32 to vector<136x128xf32>
    %mul3A_2046 = arith.mulf %select_n3A_2019, %mul3A_2045 : vector<136x128xf32>
    %add3A_2047 = arith.addf %mul3A_2005, %mul3A_2046 : vector<136x128xf32>
    %get3A_2048 = arith.constant 0 : index
    %get3A_2049 = arith.constant 0 : index
    %get3A_2050 = arith.constant 23 : index
    %get3A_2051 = memref.load %arg3[%get3A_2048, %get3A_2049, %get3A_2050] : memref<1x1x240xf32, #tpu.memory_space<smem>>
    %mul3A_2052 = vector.broadcast %get3A_2051 : f32 to vector<136x128xf32>
    %mul3A_2053 = arith.mulf %select_n3A_2019, %mul3A_2052 : vector<136x128xf32>
    %add3A_2054 = arith.addf %mul3A_2011, %mul3A_2053 : vector<136x128xf32>
    %eq3A_2055 = arith.constant 2 : i32
    %eq3A_2056 = vector.broadcast %eq3A_2055 : i32 to vector<136x128xi32>
    %eq3A_2057 = arith.cmpi eq, %select_n3A_1249, %eq3A_2056 : vector<136x128xi32>
    %jit3A_2058 = arith.constant 1.000000e+00 : f32
    %jit3A_2059 = arith.constant 0.000000e+00 : f32
    %broadcast_in_dim3A_2060 = vector.broadcast %jit3A_2058 : f32 to vector<136x128xf32>
    %broadcast_in_dim3A_2061 = vector.broadcast %jit3A_2059 : f32 to vector<136x128xf32>
    %select_n3A_2062 = arith.select %eq3A_2057, %broadcast_in_dim3A_2060, %broadcast_in_dim3A_2061 : vector<136x128xi1>, vector<136x128xf32>
    %get3A_2063 = arith.constant 0 : index
    %get3A_2064 = arith.constant 0 : index
    %get3A_2065 = arith.constant 34 : index
    %get3A_2066 = memref.load %arg3[%get3A_2063, %get3A_2064, %get3A_2065] : memref<1x1x240xf32, #tpu.memory_space<smem>>
    %mul3A_2067 = vector.broadcast %get3A_2066 : f32 to vector<136x128xf32>
    %mul3A_2068 = arith.mulf %select_n3A_2062, %mul3A_2067 : vector<136x128xf32>
    %add3A_2069 = arith.addf %add3A_2026, %mul3A_2068 : vector<136x128xf32>
    %get3A_2070 = arith.constant 0 : index
    %get3A_2071 = arith.constant 0 : index
    %get3A_2072 = arith.constant 35 : index
    %get3A_2073 = memref.load %arg3[%get3A_2070, %get3A_2071, %get3A_2072] : memref<1x1x240xf32, #tpu.memory_space<smem>>
    %mul3A_2074 = vector.broadcast %get3A_2073 : f32 to vector<136x128xf32>
    %mul3A_2075 = arith.mulf %select_n3A_2062, %mul3A_2074 : vector<136x128xf32>
    %add3A_2076 = arith.addf %add3A_2033, %mul3A_2075 : vector<136x128xf32>
    %get3A_2077 = arith.constant 0 : index
    %get3A_2078 = arith.constant 0 : index
    %get3A_2079 = arith.constant 36 : index
    %get3A_2080 = memref.load %arg3[%get3A_2077, %get3A_2078, %get3A_2079] : memref<1x1x240xf32, #tpu.memory_space<smem>>
    %mul3A_2081 = vector.broadcast %get3A_2080 : f32 to vector<136x128xf32>
    %mul3A_2082 = arith.mulf %select_n3A_2062, %mul3A_2081 : vector<136x128xf32>
    %add3A_2083 = arith.addf %add3A_2040, %mul3A_2082 : vector<136x128xf32>
    %get3A_2084 = arith.constant 0 : index
    %get3A_2085 = arith.constant 0 : index
    %get3A_2086 = arith.constant 37 : index
    %get3A_2087 = memref.load %arg3[%get3A_2084, %get3A_2085, %get3A_2086] : memref<1x1x240xf32, #tpu.memory_space<smem>>
    %mul3A_2088 = vector.broadcast %get3A_2087 : f32 to vector<136x128xf32>
    %mul3A_2089 = arith.mulf %select_n3A_2062, %mul3A_2088 : vector<136x128xf32>
    %add3A_2090 = arith.addf %add3A_2047, %mul3A_2089 : vector<136x128xf32>
    %get3A_2091 = arith.constant 0 : index
    %get3A_2092 = arith.constant 0 : index
    %get3A_2093 = arith.constant 38 : index
    %get3A_2094 = memref.load %arg3[%get3A_2091, %get3A_2092, %get3A_2093] : memref<1x1x240xf32, #tpu.memory_space<smem>>
    %mul3A_2095 = vector.broadcast %get3A_2094 : f32 to vector<136x128xf32>
    %mul3A_2096 = arith.mulf %select_n3A_2062, %mul3A_2095 : vector<136x128xf32>
    %add3A_2097 = arith.addf %add3A_2054, %mul3A_2096 : vector<136x128xf32>
    %eq3A_2098 = arith.constant 3 : i32
    %eq3A_2099 = vector.broadcast %eq3A_2098 : i32 to vector<136x128xi32>
    %eq3A_2100 = arith.cmpi eq, %select_n3A_1249, %eq3A_2099 : vector<136x128xi32>
    %jit3A_2101 = arith.constant 1.000000e+00 : f32
    %jit3A_2102 = arith.constant 0.000000e+00 : f32
    %broadcast_in_dim3A_2103 = vector.broadcast %jit3A_2101 : f32 to vector<136x128xf32>
    %broadcast_in_dim3A_2104 = vector.broadcast %jit3A_2102 : f32 to vector<136x128xf32>
    %select_n3A_2105 = arith.select %eq3A_2100, %broadcast_in_dim3A_2103, %broadcast_in_dim3A_2104 : vector<136x128xi1>, vector<136x128xf32>
    %get3A_2106 = arith.constant 0 : index
    %get3A_2107 = arith.constant 0 : index
    %get3A_2108 = arith.constant 49 : index
    %get3A_2109 = memref.load %arg3[%get3A_2106, %get3A_2107, %get3A_2108] : memref<1x1x240xf32, #tpu.memory_space<smem>>
    %mul3A_2110 = vector.broadcast %get3A_2109 : f32 to vector<136x128xf32>
    %mul3A_2111 = arith.mulf %select_n3A_2105, %mul3A_2110 : vector<136x128xf32>
    %add3A_2112 = arith.addf %add3A_2069, %mul3A_2111 : vector<136x128xf32>
    %get3A_2113 = arith.constant 0 : index
    %get3A_2114 = arith.constant 0 : index
    %get3A_2115 = arith.constant 50 : index
    %get3A_2116 = memref.load %arg3[%get3A_2113, %get3A_2114, %get3A_2115] : memref<1x1x240xf32, #tpu.memory_space<smem>>
    %mul3A_2117 = vector.broadcast %get3A_2116 : f32 to vector<136x128xf32>
    %mul3A_2118 = arith.mulf %select_n3A_2105, %mul3A_2117 : vector<136x128xf32>
    %add3A_2119 = arith.addf %add3A_2076, %mul3A_2118 : vector<136x128xf32>
    %get3A_2120 = arith.constant 0 : index
    %get3A_2121 = arith.constant 0 : index
    %get3A_2122 = arith.constant 51 : index
    %get3A_2123 = memref.load %arg3[%get3A_2120, %get3A_2121, %get3A_2122] : memref<1x1x240xf32, #tpu.memory_space<smem>>
    %mul3A_2124 = vector.broadcast %get3A_2123 : f32 to vector<136x128xf32>
    %mul3A_2125 = arith.mulf %select_n3A_2105, %mul3A_2124 : vector<136x128xf32>
    %add3A_2126 = arith.addf %add3A_2083, %mul3A_2125 : vector<136x128xf32>
    %get3A_2127 = arith.constant 0 : index
    %get3A_2128 = arith.constant 0 : index
    %get3A_2129 = arith.constant 52 : index
    %get3A_2130 = memref.load %arg3[%get3A_2127, %get3A_2128, %get3A_2129] : memref<1x1x240xf32, #tpu.memory_space<smem>>
    %mul3A_2131 = vector.broadcast %get3A_2130 : f32 to vector<136x128xf32>
    %mul3A_2132 = arith.mulf %select_n3A_2105, %mul3A_2131 : vector<136x128xf32>
    %add3A_2133 = arith.addf %add3A_2090, %mul3A_2132 : vector<136x128xf32>
    %get3A_2134 = arith.constant 0 : index
    %get3A_2135 = arith.constant 0 : index
    %get3A_2136 = arith.constant 53 : index
    %get3A_2137 = memref.load %arg3[%get3A_2134, %get3A_2135, %get3A_2136] : memref<1x1x240xf32, #tpu.memory_space<smem>>
    %mul3A_2138 = vector.broadcast %get3A_2137 : f32 to vector<136x128xf32>
    %mul3A_2139 = arith.mulf %select_n3A_2105, %mul3A_2138 : vector<136x128xf32>
    %add3A_2140 = arith.addf %add3A_2097, %mul3A_2139 : vector<136x128xf32>
    %eq3A_2141 = arith.constant 4 : i32
    %eq3A_2142 = vector.broadcast %eq3A_2141 : i32 to vector<136x128xi32>
    %eq3A_2143 = arith.cmpi eq, %select_n3A_1249, %eq3A_2142 : vector<136x128xi32>
    %jit3A_2144 = arith.constant 1.000000e+00 : f32
    %jit3A_2145 = arith.constant 0.000000e+00 : f32
    %broadcast_in_dim3A_2146 = vector.broadcast %jit3A_2144 : f32 to vector<136x128xf32>
    %broadcast_in_dim3A_2147 = vector.broadcast %jit3A_2145 : f32 to vector<136x128xf32>
    %select_n3A_2148 = arith.select %eq3A_2143, %broadcast_in_dim3A_2146, %broadcast_in_dim3A_2147 : vector<136x128xi1>, vector<136x128xf32>
    %get3A_2149 = arith.constant 0 : index
    %get3A_2150 = arith.constant 0 : index
    %get3A_2151 = arith.constant 64 : index
    %get3A_2152 = memref.load %arg3[%get3A_2149, %get3A_2150, %get3A_2151] : memref<1x1x240xf32, #tpu.memory_space<smem>>
    %mul3A_2153 = vector.broadcast %get3A_2152 : f32 to vector<136x128xf32>
    %mul3A_2154 = arith.mulf %select_n3A_2148, %mul3A_2153 : vector<136x128xf32>
    %add3A_2155 = arith.addf %add3A_2112, %mul3A_2154 : vector<136x128xf32>
    %get3A_2156 = arith.constant 0 : index
    %get3A_2157 = arith.constant 0 : index
    %get3A_2158 = arith.constant 65 : index
    %get3A_2159 = memref.load %arg3[%get3A_2156, %get3A_2157, %get3A_2158] : memref<1x1x240xf32, #tpu.memory_space<smem>>
    %mul3A_2160 = vector.broadcast %get3A_2159 : f32 to vector<136x128xf32>
    %mul3A_2161 = arith.mulf %select_n3A_2148, %mul3A_2160 : vector<136x128xf32>
    %add3A_2162 = arith.addf %add3A_2119, %mul3A_2161 : vector<136x128xf32>
    %get3A_2163 = arith.constant 0 : index
    %get3A_2164 = arith.constant 0 : index
    %get3A_2165 = arith.constant 66 : index
    %get3A_2166 = memref.load %arg3[%get3A_2163, %get3A_2164, %get3A_2165] : memref<1x1x240xf32, #tpu.memory_space<smem>>
    %mul3A_2167 = vector.broadcast %get3A_2166 : f32 to vector<136x128xf32>
    %mul3A_2168 = arith.mulf %select_n3A_2148, %mul3A_2167 : vector<136x128xf32>
    %add3A_2169 = arith.addf %add3A_2126, %mul3A_2168 : vector<136x128xf32>
    %get3A_2170 = arith.constant 0 : index
    %get3A_2171 = arith.constant 0 : index
    %get3A_2172 = arith.constant 67 : index
    %get3A_2173 = memref.load %arg3[%get3A_2170, %get3A_2171, %get3A_2172] : memref<1x1x240xf32, #tpu.memory_space<smem>>
    %mul3A_2174 = vector.broadcast %get3A_2173 : f32 to vector<136x128xf32>
    %mul3A_2175 = arith.mulf %select_n3A_2148, %mul3A_2174 : vector<136x128xf32>
    %add3A_2176 = arith.addf %add3A_2133, %mul3A_2175 : vector<136x128xf32>
    %get3A_2177 = arith.constant 0 : index
    %get3A_2178 = arith.constant 0 : index
    %get3A_2179 = arith.constant 68 : index
    %get3A_2180 = memref.load %arg3[%get3A_2177, %get3A_2178, %get3A_2179] : memref<1x1x240xf32, #tpu.memory_space<smem>>
    %mul3A_2181 = vector.broadcast %get3A_2180 : f32 to vector<136x128xf32>
    %mul3A_2182 = arith.mulf %select_n3A_2148, %mul3A_2181 : vector<136x128xf32>
    %add3A_2183 = arith.addf %add3A_2140, %mul3A_2182 : vector<136x128xf32>
    %eq3A_2184 = arith.constant 5 : i32
    %eq3A_2185 = vector.broadcast %eq3A_2184 : i32 to vector<136x128xi32>
    %eq3A_2186 = arith.cmpi eq, %select_n3A_1249, %eq3A_2185 : vector<136x128xi32>
    %jit3A_2187 = arith.constant 1.000000e+00 : f32
    %jit3A_2188 = arith.constant 0.000000e+00 : f32
    %broadcast_in_dim3A_2189 = vector.broadcast %jit3A_2187 : f32 to vector<136x128xf32>
    %broadcast_in_dim3A_2190 = vector.broadcast %jit3A_2188 : f32 to vector<136x128xf32>
    %select_n3A_2191 = arith.select %eq3A_2186, %broadcast_in_dim3A_2189, %broadcast_in_dim3A_2190 : vector<136x128xi1>, vector<136x128xf32>
    %get3A_2192 = arith.constant 0 : index
    %get3A_2193 = arith.constant 0 : index
    %get3A_2194 = arith.constant 79 : index
    %get3A_2195 = memref.load %arg3[%get3A_2192, %get3A_2193, %get3A_2194] : memref<1x1x240xf32, #tpu.memory_space<smem>>
    %mul3A_2196 = vector.broadcast %get3A_2195 : f32 to vector<136x128xf32>
    %mul3A_2197 = arith.mulf %select_n3A_2191, %mul3A_2196 : vector<136x128xf32>
    %add3A_2198 = arith.addf %add3A_2155, %mul3A_2197 : vector<136x128xf32>
    %get3A_2199 = arith.constant 0 : index
    %get3A_2200 = arith.constant 0 : index
    %get3A_2201 = arith.constant 80 : index
    %get3A_2202 = memref.load %arg3[%get3A_2199, %get3A_2200, %get3A_2201] : memref<1x1x240xf32, #tpu.memory_space<smem>>
    %mul3A_2203 = vector.broadcast %get3A_2202 : f32 to vector<136x128xf32>
    %mul3A_2204 = arith.mulf %select_n3A_2191, %mul3A_2203 : vector<136x128xf32>
    %add3A_2205 = arith.addf %add3A_2162, %mul3A_2204 : vector<136x128xf32>
    %get3A_2206 = arith.constant 0 : index
    %get3A_2207 = arith.constant 0 : index
    %get3A_2208 = arith.constant 81 : index
    %get3A_2209 = memref.load %arg3[%get3A_2206, %get3A_2207, %get3A_2208] : memref<1x1x240xf32, #tpu.memory_space<smem>>
    %mul3A_2210 = vector.broadcast %get3A_2209 : f32 to vector<136x128xf32>
    %mul3A_2211 = arith.mulf %select_n3A_2191, %mul3A_2210 : vector<136x128xf32>
    %add3A_2212 = arith.addf %add3A_2169, %mul3A_2211 : vector<136x128xf32>
    %get3A_2213 = arith.constant 0 : index
    %get3A_2214 = arith.constant 0 : index
    %get3A_2215 = arith.constant 82 : index
    %get3A_2216 = memref.load %arg3[%get3A_2213, %get3A_2214, %get3A_2215] : memref<1x1x240xf32, #tpu.memory_space<smem>>
    %mul3A_2217 = vector.broadcast %get3A_2216 : f32 to vector<136x128xf32>
    %mul3A_2218 = arith.mulf %select_n3A_2191, %mul3A_2217 : vector<136x128xf32>
    %add3A_2219 = arith.addf %add3A_2176, %mul3A_2218 : vector<136x128xf32>
    %get3A_2220 = arith.constant 0 : index
    %get3A_2221 = arith.constant 0 : index
    %get3A_2222 = arith.constant 83 : index
    %get3A_2223 = memref.load %arg3[%get3A_2220, %get3A_2221, %get3A_2222] : memref<1x1x240xf32, #tpu.memory_space<smem>>
    %mul3A_2224 = vector.broadcast %get3A_2223 : f32 to vector<136x128xf32>
    %mul3A_2225 = arith.mulf %select_n3A_2191, %mul3A_2224 : vector<136x128xf32>
    %add3A_2226 = arith.addf %add3A_2183, %mul3A_2225 : vector<136x128xf32>
    %eq3A_2227 = arith.constant 6 : i32
    %eq3A_2228 = vector.broadcast %eq3A_2227 : i32 to vector<136x128xi32>
    %eq3A_2229 = arith.cmpi eq, %select_n3A_1249, %eq3A_2228 : vector<136x128xi32>
    %jit3A_2230 = arith.constant 1.000000e+00 : f32
    %jit3A_2231 = arith.constant 0.000000e+00 : f32
    %broadcast_in_dim3A_2232 = vector.broadcast %jit3A_2230 : f32 to vector<136x128xf32>
    %broadcast_in_dim3A_2233 = vector.broadcast %jit3A_2231 : f32 to vector<136x128xf32>
    %select_n3A_2234 = arith.select %eq3A_2229, %broadcast_in_dim3A_2232, %broadcast_in_dim3A_2233 : vector<136x128xi1>, vector<136x128xf32>
    %get3A_2235 = arith.constant 0 : index
    %get3A_2236 = arith.constant 0 : index
    %get3A_2237 = arith.constant 94 : index
    %get3A_2238 = memref.load %arg3[%get3A_2235, %get3A_2236, %get3A_2237] : memref<1x1x240xf32, #tpu.memory_space<smem>>
    %mul3A_2239 = vector.broadcast %get3A_2238 : f32 to vector<136x128xf32>
    %mul3A_2240 = arith.mulf %select_n3A_2234, %mul3A_2239 : vector<136x128xf32>
    %add3A_2241 = arith.addf %add3A_2198, %mul3A_2240 : vector<136x128xf32>
    %get3A_2242 = arith.constant 0 : index
    %get3A_2243 = arith.constant 0 : index
    %get3A_2244 = arith.constant 95 : index
    %get3A_2245 = memref.load %arg3[%get3A_2242, %get3A_2243, %get3A_2244] : memref<1x1x240xf32, #tpu.memory_space<smem>>
    %mul3A_2246 = vector.broadcast %get3A_2245 : f32 to vector<136x128xf32>
    %mul3A_2247 = arith.mulf %select_n3A_2234, %mul3A_2246 : vector<136x128xf32>
    %add3A_2248 = arith.addf %add3A_2205, %mul3A_2247 : vector<136x128xf32>
    %get3A_2249 = arith.constant 0 : index
    %get3A_2250 = arith.constant 0 : index
    %get3A_2251 = arith.constant 96 : index
    %get3A_2252 = memref.load %arg3[%get3A_2249, %get3A_2250, %get3A_2251] : memref<1x1x240xf32, #tpu.memory_space<smem>>
    %mul3A_2253 = vector.broadcast %get3A_2252 : f32 to vector<136x128xf32>
    %mul3A_2254 = arith.mulf %select_n3A_2234, %mul3A_2253 : vector<136x128xf32>
    %add3A_2255 = arith.addf %add3A_2212, %mul3A_2254 : vector<136x128xf32>
    %get3A_2256 = arith.constant 0 : index
    %get3A_2257 = arith.constant 0 : index
    %get3A_2258 = arith.constant 97 : index
    %get3A_2259 = memref.load %arg3[%get3A_2256, %get3A_2257, %get3A_2258] : memref<1x1x240xf32, #tpu.memory_space<smem>>
    %mul3A_2260 = vector.broadcast %get3A_2259 : f32 to vector<136x128xf32>
    %mul3A_2261 = arith.mulf %select_n3A_2234, %mul3A_2260 : vector<136x128xf32>
    %add3A_2262 = arith.addf %add3A_2219, %mul3A_2261 : vector<136x128xf32>
    %get3A_2263 = arith.constant 0 : index
    %get3A_2264 = arith.constant 0 : index
    %get3A_2265 = arith.constant 98 : index
    %get3A_2266 = memref.load %arg3[%get3A_2263, %get3A_2264, %get3A_2265] : memref<1x1x240xf32, #tpu.memory_space<smem>>
    %mul3A_2267 = vector.broadcast %get3A_2266 : f32 to vector<136x128xf32>
    %mul3A_2268 = arith.mulf %select_n3A_2234, %mul3A_2267 : vector<136x128xf32>
    %add3A_2269 = arith.addf %add3A_2226, %mul3A_2268 : vector<136x128xf32>
    %eq3A_2270 = arith.constant 7 : i32
    %eq3A_2271 = vector.broadcast %eq3A_2270 : i32 to vector<136x128xi32>
    %eq3A_2272 = arith.cmpi eq, %select_n3A_1249, %eq3A_2271 : vector<136x128xi32>
    %jit3A_2273 = arith.constant 1.000000e+00 : f32
    %jit3A_2274 = arith.constant 0.000000e+00 : f32
    %broadcast_in_dim3A_2275 = vector.broadcast %jit3A_2273 : f32 to vector<136x128xf32>
    %broadcast_in_dim3A_2276 = vector.broadcast %jit3A_2274 : f32 to vector<136x128xf32>
    %select_n3A_2277 = arith.select %eq3A_2272, %broadcast_in_dim3A_2275, %broadcast_in_dim3A_2276 : vector<136x128xi1>, vector<136x128xf32>
    %get3A_2278 = arith.constant 0 : index
    %get3A_2279 = arith.constant 0 : index
    %get3A_2280 = arith.constant 109 : index
    %get3A_2281 = memref.load %arg3[%get3A_2278, %get3A_2279, %get3A_2280] : memref<1x1x240xf32, #tpu.memory_space<smem>>
    %mul3A_2282 = vector.broadcast %get3A_2281 : f32 to vector<136x128xf32>
    %mul3A_2283 = arith.mulf %select_n3A_2277, %mul3A_2282 : vector<136x128xf32>
    %add3A_2284 = arith.addf %add3A_2241, %mul3A_2283 : vector<136x128xf32>
    %get3A_2285 = arith.constant 0 : index
    %get3A_2286 = arith.constant 0 : index
    %get3A_2287 = arith.constant 110 : index
    %get3A_2288 = memref.load %arg3[%get3A_2285, %get3A_2286, %get3A_2287] : memref<1x1x240xf32, #tpu.memory_space<smem>>
    %mul3A_2289 = vector.broadcast %get3A_2288 : f32 to vector<136x128xf32>
    %mul3A_2290 = arith.mulf %select_n3A_2277, %mul3A_2289 : vector<136x128xf32>
    %add3A_2291 = arith.addf %add3A_2248, %mul3A_2290 : vector<136x128xf32>
    %get3A_2292 = arith.constant 0 : index
    %get3A_2293 = arith.constant 0 : index
    %get3A_2294 = arith.constant 111 : index
    %get3A_2295 = memref.load %arg3[%get3A_2292, %get3A_2293, %get3A_2294] : memref<1x1x240xf32, #tpu.memory_space<smem>>
    %mul3A_2296 = vector.broadcast %get3A_2295 : f32 to vector<136x128xf32>
    %mul3A_2297 = arith.mulf %select_n3A_2277, %mul3A_2296 : vector<136x128xf32>
    %add3A_2298 = arith.addf %add3A_2255, %mul3A_2297 : vector<136x128xf32>
    %get3A_2299 = arith.constant 0 : index
    %get3A_2300 = arith.constant 0 : index
    %get3A_2301 = arith.constant 112 : index
    %get3A_2302 = memref.load %arg3[%get3A_2299, %get3A_2300, %get3A_2301] : memref<1x1x240xf32, #tpu.memory_space<smem>>
    %mul3A_2303 = vector.broadcast %get3A_2302 : f32 to vector<136x128xf32>
    %mul3A_2304 = arith.mulf %select_n3A_2277, %mul3A_2303 : vector<136x128xf32>
    %add3A_2305 = arith.addf %add3A_2262, %mul3A_2304 : vector<136x128xf32>
    %get3A_2306 = arith.constant 0 : index
    %get3A_2307 = arith.constant 0 : index
    %get3A_2308 = arith.constant 113 : index
    %get3A_2309 = memref.load %arg3[%get3A_2306, %get3A_2307, %get3A_2308] : memref<1x1x240xf32, #tpu.memory_space<smem>>
    %mul3A_2310 = vector.broadcast %get3A_2309 : f32 to vector<136x128xf32>
    %mul3A_2311 = arith.mulf %select_n3A_2277, %mul3A_2310 : vector<136x128xf32>
    %add3A_2312 = arith.addf %add3A_2269, %mul3A_2311 : vector<136x128xf32>
    %eq3A_2313 = arith.constant 8 : i32
    %eq3A_2314 = vector.broadcast %eq3A_2313 : i32 to vector<136x128xi32>
    %eq3A_2315 = arith.cmpi eq, %select_n3A_1249, %eq3A_2314 : vector<136x128xi32>
    %jit3A_2316 = arith.constant 1.000000e+00 : f32
    %jit3A_2317 = arith.constant 0.000000e+00 : f32
    %broadcast_in_dim3A_2318 = vector.broadcast %jit3A_2316 : f32 to vector<136x128xf32>
    %broadcast_in_dim3A_2319 = vector.broadcast %jit3A_2317 : f32 to vector<136x128xf32>
    %select_n3A_2320 = arith.select %eq3A_2315, %broadcast_in_dim3A_2318, %broadcast_in_dim3A_2319 : vector<136x128xi1>, vector<136x128xf32>
    %get3A_2321 = arith.constant 0 : index
    %get3A_2322 = arith.constant 0 : index
    %get3A_2323 = arith.constant 124 : index
    %get3A_2324 = memref.load %arg3[%get3A_2321, %get3A_2322, %get3A_2323] : memref<1x1x240xf32, #tpu.memory_space<smem>>
    %mul3A_2325 = vector.broadcast %get3A_2324 : f32 to vector<136x128xf32>
    %mul3A_2326 = arith.mulf %select_n3A_2320, %mul3A_2325 : vector<136x128xf32>
    %add3A_2327 = arith.addf %add3A_2284, %mul3A_2326 : vector<136x128xf32>
    %get3A_2328 = arith.constant 0 : index
    %get3A_2329 = arith.constant 0 : index
    %get3A_2330 = arith.constant 125 : index
    %get3A_2331 = memref.load %arg3[%get3A_2328, %get3A_2329, %get3A_2330] : memref<1x1x240xf32, #tpu.memory_space<smem>>
    %mul3A_2332 = vector.broadcast %get3A_2331 : f32 to vector<136x128xf32>
    %mul3A_2333 = arith.mulf %select_n3A_2320, %mul3A_2332 : vector<136x128xf32>
    %add3A_2334 = arith.addf %add3A_2291, %mul3A_2333 : vector<136x128xf32>
    %get3A_2335 = arith.constant 0 : index
    %get3A_2336 = arith.constant 0 : index
    %get3A_2337 = arith.constant 126 : index
    %get3A_2338 = memref.load %arg3[%get3A_2335, %get3A_2336, %get3A_2337] : memref<1x1x240xf32, #tpu.memory_space<smem>>
    %mul3A_2339 = vector.broadcast %get3A_2338 : f32 to vector<136x128xf32>
    %mul3A_2340 = arith.mulf %select_n3A_2320, %mul3A_2339 : vector<136x128xf32>
    %add3A_2341 = arith.addf %add3A_2298, %mul3A_2340 : vector<136x128xf32>
    %get3A_2342 = arith.constant 0 : index
    %get3A_2343 = arith.constant 0 : index
    %get3A_2344 = arith.constant 127 : index
    %get3A_2345 = memref.load %arg3[%get3A_2342, %get3A_2343, %get3A_2344] : memref<1x1x240xf32, #tpu.memory_space<smem>>
    %mul3A_2346 = vector.broadcast %get3A_2345 : f32 to vector<136x128xf32>
    %mul3A_2347 = arith.mulf %select_n3A_2320, %mul3A_2346 : vector<136x128xf32>
    %add3A_2348 = arith.addf %add3A_2305, %mul3A_2347 : vector<136x128xf32>
    %get3A_2349 = arith.constant 0 : index
    %get3A_2350 = arith.constant 0 : index
    %get3A_2351 = arith.constant 128 : index
    %get3A_2352 = memref.load %arg3[%get3A_2349, %get3A_2350, %get3A_2351] : memref<1x1x240xf32, #tpu.memory_space<smem>>
    %mul3A_2353 = vector.broadcast %get3A_2352 : f32 to vector<136x128xf32>
    %mul3A_2354 = arith.mulf %select_n3A_2320, %mul3A_2353 : vector<136x128xf32>
    %add3A_2355 = arith.addf %add3A_2312, %mul3A_2354 : vector<136x128xf32>
    %eq3A_2356 = arith.constant 9 : i32
    %eq3A_2357 = vector.broadcast %eq3A_2356 : i32 to vector<136x128xi32>
    %eq3A_2358 = arith.cmpi eq, %select_n3A_1249, %eq3A_2357 : vector<136x128xi32>
    %jit3A_2359 = arith.constant 1.000000e+00 : f32
    %jit3A_2360 = arith.constant 0.000000e+00 : f32
    %broadcast_in_dim3A_2361 = vector.broadcast %jit3A_2359 : f32 to vector<136x128xf32>
    %broadcast_in_dim3A_2362 = vector.broadcast %jit3A_2360 : f32 to vector<136x128xf32>
    %select_n3A_2363 = arith.select %eq3A_2358, %broadcast_in_dim3A_2361, %broadcast_in_dim3A_2362 : vector<136x128xi1>, vector<136x128xf32>
    %get3A_2364 = arith.constant 0 : index
    %get3A_2365 = arith.constant 0 : index
    %get3A_2366 = arith.constant 139 : index
    %get3A_2367 = memref.load %arg3[%get3A_2364, %get3A_2365, %get3A_2366] : memref<1x1x240xf32, #tpu.memory_space<smem>>
    %mul3A_2368 = vector.broadcast %get3A_2367 : f32 to vector<136x128xf32>
    %mul3A_2369 = arith.mulf %select_n3A_2363, %mul3A_2368 : vector<136x128xf32>
    %add3A_2370 = arith.addf %add3A_2327, %mul3A_2369 : vector<136x128xf32>
    %get3A_2371 = arith.constant 0 : index
    %get3A_2372 = arith.constant 0 : index
    %get3A_2373 = arith.constant 140 : index
    %get3A_2374 = memref.load %arg3[%get3A_2371, %get3A_2372, %get3A_2373] : memref<1x1x240xf32, #tpu.memory_space<smem>>
    %mul3A_2375 = vector.broadcast %get3A_2374 : f32 to vector<136x128xf32>
    %mul3A_2376 = arith.mulf %select_n3A_2363, %mul3A_2375 : vector<136x128xf32>
    %add3A_2377 = arith.addf %add3A_2334, %mul3A_2376 : vector<136x128xf32>
    %get3A_2378 = arith.constant 0 : index
    %get3A_2379 = arith.constant 0 : index
    %get3A_2380 = arith.constant 141 : index
    %get3A_2381 = memref.load %arg3[%get3A_2378, %get3A_2379, %get3A_2380] : memref<1x1x240xf32, #tpu.memory_space<smem>>
    %mul3A_2382 = vector.broadcast %get3A_2381 : f32 to vector<136x128xf32>
    %mul3A_2383 = arith.mulf %select_n3A_2363, %mul3A_2382 : vector<136x128xf32>
    %add3A_2384 = arith.addf %add3A_2341, %mul3A_2383 : vector<136x128xf32>
    %get3A_2385 = arith.constant 0 : index
    %get3A_2386 = arith.constant 0 : index
    %get3A_2387 = arith.constant 142 : index
    %get3A_2388 = memref.load %arg3[%get3A_2385, %get3A_2386, %get3A_2387] : memref<1x1x240xf32, #tpu.memory_space<smem>>
    %mul3A_2389 = vector.broadcast %get3A_2388 : f32 to vector<136x128xf32>
    %mul3A_2390 = arith.mulf %select_n3A_2363, %mul3A_2389 : vector<136x128xf32>
    %add3A_2391 = arith.addf %add3A_2348, %mul3A_2390 : vector<136x128xf32>
    %get3A_2392 = arith.constant 0 : index
    %get3A_2393 = arith.constant 0 : index
    %get3A_2394 = arith.constant 143 : index
    %get3A_2395 = memref.load %arg3[%get3A_2392, %get3A_2393, %get3A_2394] : memref<1x1x240xf32, #tpu.memory_space<smem>>
    %mul3A_2396 = vector.broadcast %get3A_2395 : f32 to vector<136x128xf32>
    %mul3A_2397 = arith.mulf %select_n3A_2363, %mul3A_2396 : vector<136x128xf32>
    %add3A_2398 = arith.addf %add3A_2355, %mul3A_2397 : vector<136x128xf32>
    %eq3A_2399 = arith.constant 10 : i32
    %eq3A_2400 = vector.broadcast %eq3A_2399 : i32 to vector<136x128xi32>
    %eq3A_2401 = arith.cmpi eq, %select_n3A_1249, %eq3A_2400 : vector<136x128xi32>
    %jit3A_2402 = arith.constant 1.000000e+00 : f32
    %jit3A_2403 = arith.constant 0.000000e+00 : f32
    %broadcast_in_dim3A_2404 = vector.broadcast %jit3A_2402 : f32 to vector<136x128xf32>
    %broadcast_in_dim3A_2405 = vector.broadcast %jit3A_2403 : f32 to vector<136x128xf32>
    %select_n3A_2406 = arith.select %eq3A_2401, %broadcast_in_dim3A_2404, %broadcast_in_dim3A_2405 : vector<136x128xi1>, vector<136x128xf32>
    %get3A_2407 = arith.constant 0 : index
    %get3A_2408 = arith.constant 0 : index
    %get3A_2409 = arith.constant 154 : index
    %get3A_2410 = memref.load %arg3[%get3A_2407, %get3A_2408, %get3A_2409] : memref<1x1x240xf32, #tpu.memory_space<smem>>
    %mul3A_2411 = vector.broadcast %get3A_2410 : f32 to vector<136x128xf32>
    %mul3A_2412 = arith.mulf %select_n3A_2406, %mul3A_2411 : vector<136x128xf32>
    %add3A_2413 = arith.addf %add3A_2370, %mul3A_2412 : vector<136x128xf32>
    %get3A_2414 = arith.constant 0 : index
    %get3A_2415 = arith.constant 0 : index
    %get3A_2416 = arith.constant 155 : index
    %get3A_2417 = memref.load %arg3[%get3A_2414, %get3A_2415, %get3A_2416] : memref<1x1x240xf32, #tpu.memory_space<smem>>
    %mul3A_2418 = vector.broadcast %get3A_2417 : f32 to vector<136x128xf32>
    %mul3A_2419 = arith.mulf %select_n3A_2406, %mul3A_2418 : vector<136x128xf32>
    %add3A_2420 = arith.addf %add3A_2377, %mul3A_2419 : vector<136x128xf32>
    %get3A_2421 = arith.constant 0 : index
    %get3A_2422 = arith.constant 0 : index
    %get3A_2423 = arith.constant 156 : index
    %get3A_2424 = memref.load %arg3[%get3A_2421, %get3A_2422, %get3A_2423] : memref<1x1x240xf32, #tpu.memory_space<smem>>
    %mul3A_2425 = vector.broadcast %get3A_2424 : f32 to vector<136x128xf32>
    %mul3A_2426 = arith.mulf %select_n3A_2406, %mul3A_2425 : vector<136x128xf32>
    %add3A_2427 = arith.addf %add3A_2384, %mul3A_2426 : vector<136x128xf32>
    %get3A_2428 = arith.constant 0 : index
    %get3A_2429 = arith.constant 0 : index
    %get3A_2430 = arith.constant 157 : index
    %get3A_2431 = memref.load %arg3[%get3A_2428, %get3A_2429, %get3A_2430] : memref<1x1x240xf32, #tpu.memory_space<smem>>
    %mul3A_2432 = vector.broadcast %get3A_2431 : f32 to vector<136x128xf32>
    %mul3A_2433 = arith.mulf %select_n3A_2406, %mul3A_2432 : vector<136x128xf32>
    %add3A_2434 = arith.addf %add3A_2391, %mul3A_2433 : vector<136x128xf32>
    %get3A_2435 = arith.constant 0 : index
    %get3A_2436 = arith.constant 0 : index
    %get3A_2437 = arith.constant 158 : index
    %get3A_2438 = memref.load %arg3[%get3A_2435, %get3A_2436, %get3A_2437] : memref<1x1x240xf32, #tpu.memory_space<smem>>
    %mul3A_2439 = vector.broadcast %get3A_2438 : f32 to vector<136x128xf32>
    %mul3A_2440 = arith.mulf %select_n3A_2406, %mul3A_2439 : vector<136x128xf32>
    %add3A_2441 = arith.addf %add3A_2398, %mul3A_2440 : vector<136x128xf32>
    %eq3A_2442 = arith.constant 11 : i32
    %eq3A_2443 = vector.broadcast %eq3A_2442 : i32 to vector<136x128xi32>
    %eq3A_2444 = arith.cmpi eq, %select_n3A_1249, %eq3A_2443 : vector<136x128xi32>
    %jit3A_2445 = arith.constant 1.000000e+00 : f32
    %jit3A_2446 = arith.constant 0.000000e+00 : f32
    %broadcast_in_dim3A_2447 = vector.broadcast %jit3A_2445 : f32 to vector<136x128xf32>
    %broadcast_in_dim3A_2448 = vector.broadcast %jit3A_2446 : f32 to vector<136x128xf32>
    %select_n3A_2449 = arith.select %eq3A_2444, %broadcast_in_dim3A_2447, %broadcast_in_dim3A_2448 : vector<136x128xi1>, vector<136x128xf32>
    %get3A_2450 = arith.constant 0 : index
    %get3A_2451 = arith.constant 0 : index
    %get3A_2452 = arith.constant 169 : index
    %get3A_2453 = memref.load %arg3[%get3A_2450, %get3A_2451, %get3A_2452] : memref<1x1x240xf32, #tpu.memory_space<smem>>
    %mul3A_2454 = vector.broadcast %get3A_2453 : f32 to vector<136x128xf32>
    %mul3A_2455 = arith.mulf %select_n3A_2449, %mul3A_2454 : vector<136x128xf32>
    %add3A_2456 = arith.addf %add3A_2413, %mul3A_2455 : vector<136x128xf32>
    %get3A_2457 = arith.constant 0 : index
    %get3A_2458 = arith.constant 0 : index
    %get3A_2459 = arith.constant 170 : index
    %get3A_2460 = memref.load %arg3[%get3A_2457, %get3A_2458, %get3A_2459] : memref<1x1x240xf32, #tpu.memory_space<smem>>
    %mul3A_2461 = vector.broadcast %get3A_2460 : f32 to vector<136x128xf32>
    %mul3A_2462 = arith.mulf %select_n3A_2449, %mul3A_2461 : vector<136x128xf32>
    %add3A_2463 = arith.addf %add3A_2420, %mul3A_2462 : vector<136x128xf32>
    %get3A_2464 = arith.constant 0 : index
    %get3A_2465 = arith.constant 0 : index
    %get3A_2466 = arith.constant 171 : index
    %get3A_2467 = memref.load %arg3[%get3A_2464, %get3A_2465, %get3A_2466] : memref<1x1x240xf32, #tpu.memory_space<smem>>
    %mul3A_2468 = vector.broadcast %get3A_2467 : f32 to vector<136x128xf32>
    %mul3A_2469 = arith.mulf %select_n3A_2449, %mul3A_2468 : vector<136x128xf32>
    %add3A_2470 = arith.addf %add3A_2427, %mul3A_2469 : vector<136x128xf32>
    %get3A_2471 = arith.constant 0 : index
    %get3A_2472 = arith.constant 0 : index
    %get3A_2473 = arith.constant 172 : index
    %get3A_2474 = memref.load %arg3[%get3A_2471, %get3A_2472, %get3A_2473] : memref<1x1x240xf32, #tpu.memory_space<smem>>
    %mul3A_2475 = vector.broadcast %get3A_2474 : f32 to vector<136x128xf32>
    %mul3A_2476 = arith.mulf %select_n3A_2449, %mul3A_2475 : vector<136x128xf32>
    %add3A_2477 = arith.addf %add3A_2434, %mul3A_2476 : vector<136x128xf32>
    %get3A_2478 = arith.constant 0 : index
    %get3A_2479 = arith.constant 0 : index
    %get3A_2480 = arith.constant 173 : index
    %get3A_2481 = memref.load %arg3[%get3A_2478, %get3A_2479, %get3A_2480] : memref<1x1x240xf32, #tpu.memory_space<smem>>
    %mul3A_2482 = vector.broadcast %get3A_2481 : f32 to vector<136x128xf32>
    %mul3A_2483 = arith.mulf %select_n3A_2449, %mul3A_2482 : vector<136x128xf32>
    %add3A_2484 = arith.addf %add3A_2441, %mul3A_2483 : vector<136x128xf32>
    %eq3A_2485 = arith.constant 12 : i32
    %eq3A_2486 = vector.broadcast %eq3A_2485 : i32 to vector<136x128xi32>
    %eq3A_2487 = arith.cmpi eq, %select_n3A_1249, %eq3A_2486 : vector<136x128xi32>
    %jit3A_2488 = arith.constant 1.000000e+00 : f32
    %jit3A_2489 = arith.constant 0.000000e+00 : f32
    %broadcast_in_dim3A_2490 = vector.broadcast %jit3A_2488 : f32 to vector<136x128xf32>
    %broadcast_in_dim3A_2491 = vector.broadcast %jit3A_2489 : f32 to vector<136x128xf32>
    %select_n3A_2492 = arith.select %eq3A_2487, %broadcast_in_dim3A_2490, %broadcast_in_dim3A_2491 : vector<136x128xi1>, vector<136x128xf32>
    %get3A_2493 = arith.constant 0 : index
    %get3A_2494 = arith.constant 0 : index
    %get3A_2495 = arith.constant 184 : index
    %get3A_2496 = memref.load %arg3[%get3A_2493, %get3A_2494, %get3A_2495] : memref<1x1x240xf32, #tpu.memory_space<smem>>
    %mul3A_2497 = vector.broadcast %get3A_2496 : f32 to vector<136x128xf32>
    %mul3A_2498 = arith.mulf %select_n3A_2492, %mul3A_2497 : vector<136x128xf32>
    %add3A_2499 = arith.addf %add3A_2456, %mul3A_2498 : vector<136x128xf32>
    %get3A_2500 = arith.constant 0 : index
    %get3A_2501 = arith.constant 0 : index
    %get3A_2502 = arith.constant 185 : index
    %get3A_2503 = memref.load %arg3[%get3A_2500, %get3A_2501, %get3A_2502] : memref<1x1x240xf32, #tpu.memory_space<smem>>
    %mul3A_2504 = vector.broadcast %get3A_2503 : f32 to vector<136x128xf32>
    %mul3A_2505 = arith.mulf %select_n3A_2492, %mul3A_2504 : vector<136x128xf32>
    %add3A_2506 = arith.addf %add3A_2463, %mul3A_2505 : vector<136x128xf32>
    %get3A_2507 = arith.constant 0 : index
    %get3A_2508 = arith.constant 0 : index
    %get3A_2509 = arith.constant 186 : index
    %get3A_2510 = memref.load %arg3[%get3A_2507, %get3A_2508, %get3A_2509] : memref<1x1x240xf32, #tpu.memory_space<smem>>
    %mul3A_2511 = vector.broadcast %get3A_2510 : f32 to vector<136x128xf32>
    %mul3A_2512 = arith.mulf %select_n3A_2492, %mul3A_2511 : vector<136x128xf32>
    %add3A_2513 = arith.addf %add3A_2470, %mul3A_2512 : vector<136x128xf32>
    %get3A_2514 = arith.constant 0 : index
    %get3A_2515 = arith.constant 0 : index
    %get3A_2516 = arith.constant 187 : index
    %get3A_2517 = memref.load %arg3[%get3A_2514, %get3A_2515, %get3A_2516] : memref<1x1x240xf32, #tpu.memory_space<smem>>
    %mul3A_2518 = vector.broadcast %get3A_2517 : f32 to vector<136x128xf32>
    %mul3A_2519 = arith.mulf %select_n3A_2492, %mul3A_2518 : vector<136x128xf32>
    %add3A_2520 = arith.addf %add3A_2477, %mul3A_2519 : vector<136x128xf32>
    %get3A_2521 = arith.constant 0 : index
    %get3A_2522 = arith.constant 0 : index
    %get3A_2523 = arith.constant 188 : index
    %get3A_2524 = memref.load %arg3[%get3A_2521, %get3A_2522, %get3A_2523] : memref<1x1x240xf32, #tpu.memory_space<smem>>
    %mul3A_2525 = vector.broadcast %get3A_2524 : f32 to vector<136x128xf32>
    %mul3A_2526 = arith.mulf %select_n3A_2492, %mul3A_2525 : vector<136x128xf32>
    %add3A_2527 = arith.addf %add3A_2484, %mul3A_2526 : vector<136x128xf32>
    %eq3A_2528 = arith.constant 13 : i32
    %eq3A_2529 = vector.broadcast %eq3A_2528 : i32 to vector<136x128xi32>
    %eq3A_2530 = arith.cmpi eq, %select_n3A_1249, %eq3A_2529 : vector<136x128xi32>
    %jit3A_2531 = arith.constant 1.000000e+00 : f32
    %jit3A_2532 = arith.constant 0.000000e+00 : f32
    %broadcast_in_dim3A_2533 = vector.broadcast %jit3A_2531 : f32 to vector<136x128xf32>
    %broadcast_in_dim3A_2534 = vector.broadcast %jit3A_2532 : f32 to vector<136x128xf32>
    %select_n3A_2535 = arith.select %eq3A_2530, %broadcast_in_dim3A_2533, %broadcast_in_dim3A_2534 : vector<136x128xi1>, vector<136x128xf32>
    %get3A_2536 = arith.constant 0 : index
    %get3A_2537 = arith.constant 0 : index
    %get3A_2538 = arith.constant 199 : index
    %get3A_2539 = memref.load %arg3[%get3A_2536, %get3A_2537, %get3A_2538] : memref<1x1x240xf32, #tpu.memory_space<smem>>
    %mul3A_2540 = vector.broadcast %get3A_2539 : f32 to vector<136x128xf32>
    %mul3A_2541 = arith.mulf %select_n3A_2535, %mul3A_2540 : vector<136x128xf32>
    %add3A_2542 = arith.addf %add3A_2499, %mul3A_2541 : vector<136x128xf32>
    %get3A_2543 = arith.constant 0 : index
    %get3A_2544 = arith.constant 0 : index
    %get3A_2545 = arith.constant 200 : index
    %get3A_2546 = memref.load %arg3[%get3A_2543, %get3A_2544, %get3A_2545] : memref<1x1x240xf32, #tpu.memory_space<smem>>
    %mul3A_2547 = vector.broadcast %get3A_2546 : f32 to vector<136x128xf32>
    %mul3A_2548 = arith.mulf %select_n3A_2535, %mul3A_2547 : vector<136x128xf32>
    %add3A_2549 = arith.addf %add3A_2506, %mul3A_2548 : vector<136x128xf32>
    %get3A_2550 = arith.constant 0 : index
    %get3A_2551 = arith.constant 0 : index
    %get3A_2552 = arith.constant 201 : index
    %get3A_2553 = memref.load %arg3[%get3A_2550, %get3A_2551, %get3A_2552] : memref<1x1x240xf32, #tpu.memory_space<smem>>
    %mul3A_2554 = vector.broadcast %get3A_2553 : f32 to vector<136x128xf32>
    %mul3A_2555 = arith.mulf %select_n3A_2535, %mul3A_2554 : vector<136x128xf32>
    %add3A_2556 = arith.addf %add3A_2513, %mul3A_2555 : vector<136x128xf32>
    %get3A_2557 = arith.constant 0 : index
    %get3A_2558 = arith.constant 0 : index
    %get3A_2559 = arith.constant 202 : index
    %get3A_2560 = memref.load %arg3[%get3A_2557, %get3A_2558, %get3A_2559] : memref<1x1x240xf32, #tpu.memory_space<smem>>
    %mul3A_2561 = vector.broadcast %get3A_2560 : f32 to vector<136x128xf32>
    %mul3A_2562 = arith.mulf %select_n3A_2535, %mul3A_2561 : vector<136x128xf32>
    %add3A_2563 = arith.addf %add3A_2520, %mul3A_2562 : vector<136x128xf32>
    %get3A_2564 = arith.constant 0 : index
    %get3A_2565 = arith.constant 0 : index
    %get3A_2566 = arith.constant 203 : index
    %get3A_2567 = memref.load %arg3[%get3A_2564, %get3A_2565, %get3A_2566] : memref<1x1x240xf32, #tpu.memory_space<smem>>
    %mul3A_2568 = vector.broadcast %get3A_2567 : f32 to vector<136x128xf32>
    %mul3A_2569 = arith.mulf %select_n3A_2535, %mul3A_2568 : vector<136x128xf32>
    %add3A_2570 = arith.addf %add3A_2527, %mul3A_2569 : vector<136x128xf32>
    %eq3A_2571 = arith.constant 14 : i32
    %eq3A_2572 = vector.broadcast %eq3A_2571 : i32 to vector<136x128xi32>
    %eq3A_2573 = arith.cmpi eq, %select_n3A_1249, %eq3A_2572 : vector<136x128xi32>
    %jit3A_2574 = arith.constant 1.000000e+00 : f32
    %jit3A_2575 = arith.constant 0.000000e+00 : f32
    %broadcast_in_dim3A_2576 = vector.broadcast %jit3A_2574 : f32 to vector<136x128xf32>
    %broadcast_in_dim3A_2577 = vector.broadcast %jit3A_2575 : f32 to vector<136x128xf32>
    %select_n3A_2578 = arith.select %eq3A_2573, %broadcast_in_dim3A_2576, %broadcast_in_dim3A_2577 : vector<136x128xi1>, vector<136x128xf32>
    %get3A_2579 = arith.constant 0 : index
    %get3A_2580 = arith.constant 0 : index
    %get3A_2581 = arith.constant 214 : index
    %get3A_2582 = memref.load %arg3[%get3A_2579, %get3A_2580, %get3A_2581] : memref<1x1x240xf32, #tpu.memory_space<smem>>
    %mul3A_2583 = vector.broadcast %get3A_2582 : f32 to vector<136x128xf32>
    %mul3A_2584 = arith.mulf %select_n3A_2578, %mul3A_2583 : vector<136x128xf32>
    %add3A_2585 = arith.addf %add3A_2542, %mul3A_2584 : vector<136x128xf32>
    %get3A_2586 = arith.constant 0 : index
    %get3A_2587 = arith.constant 0 : index
    %get3A_2588 = arith.constant 215 : index
    %get3A_2589 = memref.load %arg3[%get3A_2586, %get3A_2587, %get3A_2588] : memref<1x1x240xf32, #tpu.memory_space<smem>>
    %mul3A_2590 = vector.broadcast %get3A_2589 : f32 to vector<136x128xf32>
    %mul3A_2591 = arith.mulf %select_n3A_2578, %mul3A_2590 : vector<136x128xf32>
    %add3A_2592 = arith.addf %add3A_2549, %mul3A_2591 : vector<136x128xf32>
    %get3A_2593 = arith.constant 0 : index
    %get3A_2594 = arith.constant 0 : index
    %get3A_2595 = arith.constant 216 : index
    %get3A_2596 = memref.load %arg3[%get3A_2593, %get3A_2594, %get3A_2595] : memref<1x1x240xf32, #tpu.memory_space<smem>>
    %mul3A_2597 = vector.broadcast %get3A_2596 : f32 to vector<136x128xf32>
    %mul3A_2598 = arith.mulf %select_n3A_2578, %mul3A_2597 : vector<136x128xf32>
    %add3A_2599 = arith.addf %add3A_2556, %mul3A_2598 : vector<136x128xf32>
    %get3A_2600 = arith.constant 0 : index
    %get3A_2601 = arith.constant 0 : index
    %get3A_2602 = arith.constant 217 : index
    %get3A_2603 = memref.load %arg3[%get3A_2600, %get3A_2601, %get3A_2602] : memref<1x1x240xf32, #tpu.memory_space<smem>>
    %mul3A_2604 = vector.broadcast %get3A_2603 : f32 to vector<136x128xf32>
    %mul3A_2605 = arith.mulf %select_n3A_2578, %mul3A_2604 : vector<136x128xf32>
    %add3A_2606 = arith.addf %add3A_2563, %mul3A_2605 : vector<136x128xf32>
    %get3A_2607 = arith.constant 0 : index
    %get3A_2608 = arith.constant 0 : index
    %get3A_2609 = arith.constant 218 : index
    %get3A_2610 = memref.load %arg3[%get3A_2607, %get3A_2608, %get3A_2609] : memref<1x1x240xf32, #tpu.memory_space<smem>>
    %mul3A_2611 = vector.broadcast %get3A_2610 : f32 to vector<136x128xf32>
    %mul3A_2612 = arith.mulf %select_n3A_2578, %mul3A_2611 : vector<136x128xf32>
    %add3A_2613 = arith.addf %add3A_2570, %mul3A_2612 : vector<136x128xf32>
    %eq3A_2614 = arith.constant 15 : i32
    %eq3A_2615 = vector.broadcast %eq3A_2614 : i32 to vector<136x128xi32>
    %eq3A_2616 = arith.cmpi eq, %select_n3A_1249, %eq3A_2615 : vector<136x128xi32>
    %jit3A_2617 = arith.constant 1.000000e+00 : f32
    %jit3A_2618 = arith.constant 0.000000e+00 : f32
    %broadcast_in_dim3A_2619 = vector.broadcast %jit3A_2617 : f32 to vector<136x128xf32>
    %broadcast_in_dim3A_2620 = vector.broadcast %jit3A_2618 : f32 to vector<136x128xf32>
    %select_n3A_2621 = arith.select %eq3A_2616, %broadcast_in_dim3A_2619, %broadcast_in_dim3A_2620 : vector<136x128xi1>, vector<136x128xf32>
    %get3A_2622 = arith.constant 0 : index
    %get3A_2623 = arith.constant 0 : index
    %get3A_2624 = arith.constant 229 : index
    %get3A_2625 = memref.load %arg3[%get3A_2622, %get3A_2623, %get3A_2624] : memref<1x1x240xf32, #tpu.memory_space<smem>>
    %mul3A_2626 = vector.broadcast %get3A_2625 : f32 to vector<136x128xf32>
    %mul3A_2627 = arith.mulf %select_n3A_2621, %mul3A_2626 : vector<136x128xf32>
    %add3A_2628 = arith.addf %add3A_2585, %mul3A_2627 : vector<136x128xf32>
    %get3A_2629 = arith.constant 0 : index
    %get3A_2630 = arith.constant 0 : index
    %get3A_2631 = arith.constant 230 : index
    %get3A_2632 = memref.load %arg3[%get3A_2629, %get3A_2630, %get3A_2631] : memref<1x1x240xf32, #tpu.memory_space<smem>>
    %mul3A_2633 = vector.broadcast %get3A_2632 : f32 to vector<136x128xf32>
    %mul3A_2634 = arith.mulf %select_n3A_2621, %mul3A_2633 : vector<136x128xf32>
    %add3A_2635 = arith.addf %add3A_2592, %mul3A_2634 : vector<136x128xf32>
    %get3A_2636 = arith.constant 0 : index
    %get3A_2637 = arith.constant 0 : index
    %get3A_2638 = arith.constant 231 : index
    %get3A_2639 = memref.load %arg3[%get3A_2636, %get3A_2637, %get3A_2638] : memref<1x1x240xf32, #tpu.memory_space<smem>>
    %mul3A_2640 = vector.broadcast %get3A_2639 : f32 to vector<136x128xf32>
    %mul3A_2641 = arith.mulf %select_n3A_2621, %mul3A_2640 : vector<136x128xf32>
    %add3A_2642 = arith.addf %add3A_2599, %mul3A_2641 : vector<136x128xf32>
    %get3A_2643 = arith.constant 0 : index
    %get3A_2644 = arith.constant 0 : index
    %get3A_2645 = arith.constant 232 : index
    %get3A_2646 = memref.load %arg3[%get3A_2643, %get3A_2644, %get3A_2645] : memref<1x1x240xf32, #tpu.memory_space<smem>>
    %mul3A_2647 = vector.broadcast %get3A_2646 : f32 to vector<136x128xf32>
    %mul3A_2648 = arith.mulf %select_n3A_2621, %mul3A_2647 : vector<136x128xf32>
    %add3A_2649 = arith.addf %add3A_2606, %mul3A_2648 : vector<136x128xf32>
    %get3A_2650 = arith.constant 0 : index
    %get3A_2651 = arith.constant 0 : index
    %get3A_2652 = arith.constant 233 : index
    %get3A_2653 = memref.load %arg3[%get3A_2650, %get3A_2651, %get3A_2652] : memref<1x1x240xf32, #tpu.memory_space<smem>>
    %mul3A_2654 = vector.broadcast %get3A_2653 : f32 to vector<136x128xf32>
    %mul3A_2655 = arith.mulf %select_n3A_2621, %mul3A_2654 : vector<136x128xf32>
    %add3A_2656 = arith.addf %add3A_2613, %mul3A_2655 : vector<136x128xf32>
    %sub3A_2657 = arith.subf %add3A_2628, %get3A_1263 : vector<136x128xf32>
    %mul3A_2658 = arith.mulf %sub3A_2657, %get3A_1273 : vector<136x128xf32>
    %get3A_2659 = arith.constant 0 : index
    %get3A_2660 = arith.constant 6 : index
    %get3A_2661 = arith.constant 0 : index
    %get3A_2662 = arith.constant 0 : index
    %get3A_2663 = vector.load %arg1[%get3A_2659, %get3A_2660, %get3A_2661, %get3A_2662] : memref<1x16x136x128xf32, #tpu.memory_space<vmem>>, vector<1x1x136x128xf32>
    %get3A_2664 = vector.shape_cast %get3A_2663 : vector<1x1x136x128xf32> to vector<136x128xf32>
    %sub3A_2665 = arith.subf %get3A_2664, %mul3A_2658 : vector<136x128xf32>
    %abs3A_2666 = math.absf %sub3A_2665 : vector<136x128xf32>
    %lt3A_2667 = arith.constant 1.000000e+00 : f32
    %lt3A_2668 = vector.broadcast %lt3A_2667 : f32 to vector<136x128xf32>
    %lt3A_2669 = arith.cmpf olt, %abs3A_2666, %lt3A_2668 : vector<136x128xf32>
    %mul3A_2670 = arith.constant 5.000000e-01 : f32
    %mul3A_2671 = vector.broadcast %mul3A_2670 : f32 to vector<136x128xf32>
    %mul3A_2672 = arith.mulf %mul3A_2671, %sub3A_2665 : vector<136x128xf32>
    %mul3A_2673 = arith.mulf %mul3A_2672, %sub3A_2665 : vector<136x128xf32>
    %sub3A_2674 = arith.constant 5.000000e-01 : f32
    %sub3A_2675 = vector.broadcast %sub3A_2674 : f32 to vector<136x128xf32>
    %sub3A_2676 = arith.subf %abs3A_2666, %sub3A_2675 : vector<136x128xf32>
    %select_n3A_2677 = arith.select %lt3A_2669, %mul3A_2673, %sub3A_2676 : vector<136x128xi1>, vector<136x128xf32>
    %sub3A_2678 = arith.subf %add3A_2635, %get3A_1268 : vector<136x128xf32>
    %mul3A_2679 = arith.mulf %sub3A_2678, %get3A_1278 : vector<136x128xf32>
    %get3A_2680 = arith.constant 0 : index
    %get3A_2681 = arith.constant 7 : index
    %get3A_2682 = arith.constant 0 : index
    %get3A_2683 = arith.constant 0 : index
    %get3A_2684 = vector.load %arg1[%get3A_2680, %get3A_2681, %get3A_2682, %get3A_2683] : memref<1x16x136x128xf32, #tpu.memory_space<vmem>>, vector<1x1x136x128xf32>
    %get3A_2685 = vector.shape_cast %get3A_2684 : vector<1x1x136x128xf32> to vector<136x128xf32>
    %sub3A_2686 = arith.subf %get3A_2685, %mul3A_2679 : vector<136x128xf32>
    %abs3A_2687 = math.absf %sub3A_2686 : vector<136x128xf32>
    %lt3A_2688 = arith.constant 1.000000e+00 : f32
    %lt3A_2689 = vector.broadcast %lt3A_2688 : f32 to vector<136x128xf32>
    %lt3A_2690 = arith.cmpf olt, %abs3A_2687, %lt3A_2689 : vector<136x128xf32>
    %mul3A_2691 = arith.constant 5.000000e-01 : f32
    %mul3A_2692 = vector.broadcast %mul3A_2691 : f32 to vector<136x128xf32>
    %mul3A_2693 = arith.mulf %mul3A_2692, %sub3A_2686 : vector<136x128xf32>
    %mul3A_2694 = arith.mulf %mul3A_2693, %sub3A_2686 : vector<136x128xf32>
    %sub3A_2695 = arith.constant 5.000000e-01 : f32
    %sub3A_2696 = vector.broadcast %sub3A_2695 : f32 to vector<136x128xf32>
    %sub3A_2697 = arith.subf %abs3A_2687, %sub3A_2696 : vector<136x128xf32>
    %select_n3A_2698 = arith.select %lt3A_2690, %mul3A_2694, %sub3A_2697 : vector<136x128xi1>, vector<136x128xf32>
    %add3A_2699 = arith.addf %select_n3A_2677, %select_n3A_2698 : vector<136x128xf32>
    %sub3A_2700 = arith.subf %add3A_2642, %get3A_1263 : vector<136x128xf32>
    %mul3A_2701 = arith.mulf %sub3A_2700, %get3A_1273 : vector<136x128xf32>
    %get3A_2702 = arith.constant 0 : index
    %get3A_2703 = arith.constant 8 : index
    %get3A_2704 = arith.constant 0 : index
    %get3A_2705 = arith.constant 0 : index
    %get3A_2706 = vector.load %arg1[%get3A_2702, %get3A_2703, %get3A_2704, %get3A_2705] : memref<1x16x136x128xf32, #tpu.memory_space<vmem>>, vector<1x1x136x128xf32>
    %get3A_2707 = vector.shape_cast %get3A_2706 : vector<1x1x136x128xf32> to vector<136x128xf32>
    %sub3A_2708 = arith.subf %get3A_2707, %mul3A_2701 : vector<136x128xf32>
    %abs3A_2709 = math.absf %sub3A_2708 : vector<136x128xf32>
    %lt3A_2710 = arith.constant 1.000000e+00 : f32
    %lt3A_2711 = vector.broadcast %lt3A_2710 : f32 to vector<136x128xf32>
    %lt3A_2712 = arith.cmpf olt, %abs3A_2709, %lt3A_2711 : vector<136x128xf32>
    %mul3A_2713 = arith.constant 5.000000e-01 : f32
    %mul3A_2714 = vector.broadcast %mul3A_2713 : f32 to vector<136x128xf32>
    %mul3A_2715 = arith.mulf %mul3A_2714, %sub3A_2708 : vector<136x128xf32>
    %mul3A_2716 = arith.mulf %mul3A_2715, %sub3A_2708 : vector<136x128xf32>
    %sub3A_2717 = arith.constant 5.000000e-01 : f32
    %sub3A_2718 = vector.broadcast %sub3A_2717 : f32 to vector<136x128xf32>
    %sub3A_2719 = arith.subf %abs3A_2709, %sub3A_2718 : vector<136x128xf32>
    %select_n3A_2720 = arith.select %lt3A_2712, %mul3A_2716, %sub3A_2719 : vector<136x128xi1>, vector<136x128xf32>
    %add3A_2721 = arith.addf %add3A_2699, %select_n3A_2720 : vector<136x128xf32>
    %sub3A_2722 = arith.subf %add3A_2649, %get3A_1268 : vector<136x128xf32>
    %mul3A_2723 = arith.mulf %sub3A_2722, %get3A_1278 : vector<136x128xf32>
    %get3A_2724 = arith.constant 0 : index
    %get3A_2725 = arith.constant 9 : index
    %get3A_2726 = arith.constant 0 : index
    %get3A_2727 = arith.constant 0 : index
    %get3A_2728 = vector.load %arg1[%get3A_2724, %get3A_2725, %get3A_2726, %get3A_2727] : memref<1x16x136x128xf32, #tpu.memory_space<vmem>>, vector<1x1x136x128xf32>
    %get3A_2729 = vector.shape_cast %get3A_2728 : vector<1x1x136x128xf32> to vector<136x128xf32>
    %sub3A_2730 = arith.subf %get3A_2729, %mul3A_2723 : vector<136x128xf32>
    %abs3A_2731 = math.absf %sub3A_2730 : vector<136x128xf32>
    %lt3A_2732 = arith.constant 1.000000e+00 : f32
    %lt3A_2733 = vector.broadcast %lt3A_2732 : f32 to vector<136x128xf32>
    %lt3A_2734 = arith.cmpf olt, %abs3A_2731, %lt3A_2733 : vector<136x128xf32>
    %mul3A_2735 = arith.constant 5.000000e-01 : f32
    %mul3A_2736 = vector.broadcast %mul3A_2735 : f32 to vector<136x128xf32>
    %mul3A_2737 = arith.mulf %mul3A_2736, %sub3A_2730 : vector<136x128xf32>
    %mul3A_2738 = arith.mulf %mul3A_2737, %sub3A_2730 : vector<136x128xf32>
    %sub3A_2739 = arith.constant 5.000000e-01 : f32
    %sub3A_2740 = vector.broadcast %sub3A_2739 : f32 to vector<136x128xf32>
    %sub3A_2741 = arith.subf %abs3A_2731, %sub3A_2740 : vector<136x128xf32>
    %select_n3A_2742 = arith.select %lt3A_2734, %mul3A_2738, %sub3A_2741 : vector<136x128xi1>, vector<136x128xf32>
    %add3A_2743 = arith.addf %add3A_2721, %select_n3A_2742 : vector<136x128xf32>
    %sub3A_2744 = arith.subf %add3A_2656, %get3A_1263 : vector<136x128xf32>
    %mul3A_2745 = arith.mulf %sub3A_2744, %get3A_1273 : vector<136x128xf32>
    %get3A_2746 = arith.constant 0 : index
    %get3A_2747 = arith.constant 10 : index
    %get3A_2748 = arith.constant 0 : index
    %get3A_2749 = arith.constant 0 : index
    %get3A_2750 = vector.load %arg1[%get3A_2746, %get3A_2747, %get3A_2748, %get3A_2749] : memref<1x16x136x128xf32, #tpu.memory_space<vmem>>, vector<1x1x136x128xf32>
    %get3A_2751 = vector.shape_cast %get3A_2750 : vector<1x1x136x128xf32> to vector<136x128xf32>
    %sub3A_2752 = arith.subf %get3A_2751, %mul3A_2745 : vector<136x128xf32>
    %abs3A_2753 = math.absf %sub3A_2752 : vector<136x128xf32>
    %lt3A_2754 = arith.constant 1.000000e+00 : f32
    %lt3A_2755 = vector.broadcast %lt3A_2754 : f32 to vector<136x128xf32>
    %lt3A_2756 = arith.cmpf olt, %abs3A_2753, %lt3A_2755 : vector<136x128xf32>
    %mul3A_2757 = arith.constant 5.000000e-01 : f32
    %mul3A_2758 = vector.broadcast %mul3A_2757 : f32 to vector<136x128xf32>
    %mul3A_2759 = arith.mulf %mul3A_2758, %sub3A_2752 : vector<136x128xf32>
    %mul3A_2760 = arith.mulf %mul3A_2759, %sub3A_2752 : vector<136x128xf32>
    %sub3A_2761 = arith.constant 5.000000e-01 : f32
    %sub3A_2762 = vector.broadcast %sub3A_2761 : f32 to vector<136x128xf32>
    %sub3A_2763 = arith.subf %abs3A_2753, %sub3A_2762 : vector<136x128xf32>
    %select_n3A_2764 = arith.select %lt3A_2756, %mul3A_2760, %sub3A_2763 : vector<136x128xi1>, vector<136x128xf32>
    %add3A_2765 = arith.addf %add3A_2743, %select_n3A_2764 : vector<136x128xf32>
    %eq3A_2766 = arith.constant 0 : i32
    %eq3A_2767 = vector.broadcast %eq3A_2766 : i32 to vector<136x128xi32>
    %eq3A_2768 = arith.cmpi eq, %select_n3A_1249, %eq3A_2767 : vector<136x128xi32>
    %jit3A_2769 = arith.constant 1.000000e+00 : f32
    %jit3A_2770 = arith.constant 0.000000e+00 : f32
    %broadcast_in_dim3A_2771 = vector.broadcast %jit3A_2769 : f32 to vector<136x128xf32>
    %broadcast_in_dim3A_2772 = vector.broadcast %jit3A_2770 : f32 to vector<136x128xf32>
    %select_n3A_2773 = arith.select %eq3A_2768, %broadcast_in_dim3A_2771, %broadcast_in_dim3A_2772 : vector<136x128xi1>, vector<136x128xf32>
    %get3A_2774 = arith.constant 0 : index
    %get3A_2775 = arith.constant 0 : index
    %get3A_2776 = arith.constant 9 : index
    %get3A_2777 = memref.load %arg3[%get3A_2774, %get3A_2775, %get3A_2776] : memref<1x1x240xf32, #tpu.memory_space<smem>>
    %mul3A_2778 = vector.broadcast %get3A_2777 : f32 to vector<136x128xf32>
    %mul3A_2779 = arith.mulf %select_n3A_2773, %mul3A_2778 : vector<136x128xf32>
    %get3A_2780 = arith.constant 0 : index
    %get3A_2781 = arith.constant 0 : index
    %get3A_2782 = arith.constant 10 : index
    %get3A_2783 = memref.load %arg3[%get3A_2780, %get3A_2781, %get3A_2782] : memref<1x1x240xf32, #tpu.memory_space<smem>>
    %mul3A_2784 = vector.broadcast %get3A_2783 : f32 to vector<136x128xf32>
    %mul3A_2785 = arith.mulf %select_n3A_2773, %mul3A_2784 : vector<136x128xf32>
    %get3A_2786 = arith.constant 0 : index
    %get3A_2787 = arith.constant 0 : index
    %get3A_2788 = arith.constant 11 : index
    %get3A_2789 = memref.load %arg3[%get3A_2786, %get3A_2787, %get3A_2788] : memref<1x1x240xf32, #tpu.memory_space<smem>>
    %mul3A_2790 = vector.broadcast %get3A_2789 : f32 to vector<136x128xf32>
    %mul3A_2791 = arith.mulf %select_n3A_2773, %mul3A_2790 : vector<136x128xf32>
    %get3A_2792 = arith.constant 0 : index
    %get3A_2793 = arith.constant 0 : index
    %get3A_2794 = arith.constant 12 : index
    %get3A_2795 = memref.load %arg3[%get3A_2792, %get3A_2793, %get3A_2794] : memref<1x1x240xf32, #tpu.memory_space<smem>>
    %mul3A_2796 = vector.broadcast %get3A_2795 : f32 to vector<136x128xf32>
    %mul3A_2797 = arith.mulf %select_n3A_2773, %mul3A_2796 : vector<136x128xf32>
    %get3A_2798 = arith.constant 0 : index
    %get3A_2799 = arith.constant 0 : index
    %get3A_2800 = arith.constant 13 : index
    %get3A_2801 = memref.load %arg3[%get3A_2798, %get3A_2799, %get3A_2800] : memref<1x1x240xf32, #tpu.memory_space<smem>>
    %mul3A_2802 = vector.broadcast %get3A_2801 : f32 to vector<136x128xf32>
    %mul3A_2803 = arith.mulf %select_n3A_2773, %mul3A_2802 : vector<136x128xf32>
    %eq3A_2804 = arith.constant 1 : i32
    %eq3A_2805 = vector.broadcast %eq3A_2804 : i32 to vector<136x128xi32>
    %eq3A_2806 = arith.cmpi eq, %select_n3A_1249, %eq3A_2805 : vector<136x128xi32>
    %jit3A_2807 = arith.constant 1.000000e+00 : f32
    %jit3A_2808 = arith.constant 0.000000e+00 : f32
    %broadcast_in_dim3A_2809 = vector.broadcast %jit3A_2807 : f32 to vector<136x128xf32>
    %broadcast_in_dim3A_2810 = vector.broadcast %jit3A_2808 : f32 to vector<136x128xf32>
    %select_n3A_2811 = arith.select %eq3A_2806, %broadcast_in_dim3A_2809, %broadcast_in_dim3A_2810 : vector<136x128xi1>, vector<136x128xf32>
    %get3A_2812 = arith.constant 0 : index
    %get3A_2813 = arith.constant 0 : index
    %get3A_2814 = arith.constant 24 : index
    %get3A_2815 = memref.load %arg3[%get3A_2812, %get3A_2813, %get3A_2814] : memref<1x1x240xf32, #tpu.memory_space<smem>>
    %mul3A_2816 = vector.broadcast %get3A_2815 : f32 to vector<136x128xf32>
    %mul3A_2817 = arith.mulf %select_n3A_2811, %mul3A_2816 : vector<136x128xf32>
    %add3A_2818 = arith.addf %mul3A_2779, %mul3A_2817 : vector<136x128xf32>
    %get3A_2819 = arith.constant 0 : index
    %get3A_2820 = arith.constant 0 : index
    %get3A_2821 = arith.constant 25 : index
    %get3A_2822 = memref.load %arg3[%get3A_2819, %get3A_2820, %get3A_2821] : memref<1x1x240xf32, #tpu.memory_space<smem>>
    %mul3A_2823 = vector.broadcast %get3A_2822 : f32 to vector<136x128xf32>
    %mul3A_2824 = arith.mulf %select_n3A_2811, %mul3A_2823 : vector<136x128xf32>
    %add3A_2825 = arith.addf %mul3A_2785, %mul3A_2824 : vector<136x128xf32>
    %get3A_2826 = arith.constant 0 : index
    %get3A_2827 = arith.constant 0 : index
    %get3A_2828 = arith.constant 26 : index
    %get3A_2829 = memref.load %arg3[%get3A_2826, %get3A_2827, %get3A_2828] : memref<1x1x240xf32, #tpu.memory_space<smem>>
    %mul3A_2830 = vector.broadcast %get3A_2829 : f32 to vector<136x128xf32>
    %mul3A_2831 = arith.mulf %select_n3A_2811, %mul3A_2830 : vector<136x128xf32>
    %add3A_2832 = arith.addf %mul3A_2791, %mul3A_2831 : vector<136x128xf32>
    %get3A_2833 = arith.constant 0 : index
    %get3A_2834 = arith.constant 0 : index
    %get3A_2835 = arith.constant 27 : index
    %get3A_2836 = memref.load %arg3[%get3A_2833, %get3A_2834, %get3A_2835] : memref<1x1x240xf32, #tpu.memory_space<smem>>
    %mul3A_2837 = vector.broadcast %get3A_2836 : f32 to vector<136x128xf32>
    %mul3A_2838 = arith.mulf %select_n3A_2811, %mul3A_2837 : vector<136x128xf32>
    %add3A_2839 = arith.addf %mul3A_2797, %mul3A_2838 : vector<136x128xf32>
    %get3A_2840 = arith.constant 0 : index
    %get3A_2841 = arith.constant 0 : index
    %get3A_2842 = arith.constant 28 : index
    %get3A_2843 = memref.load %arg3[%get3A_2840, %get3A_2841, %get3A_2842] : memref<1x1x240xf32, #tpu.memory_space<smem>>
    %mul3A_2844 = vector.broadcast %get3A_2843 : f32 to vector<136x128xf32>
    %mul3A_2845 = arith.mulf %select_n3A_2811, %mul3A_2844 : vector<136x128xf32>
    %add3A_2846 = arith.addf %mul3A_2803, %mul3A_2845 : vector<136x128xf32>
    %eq3A_2847 = arith.constant 2 : i32
    %eq3A_2848 = vector.broadcast %eq3A_2847 : i32 to vector<136x128xi32>
    %eq3A_2849 = arith.cmpi eq, %select_n3A_1249, %eq3A_2848 : vector<136x128xi32>
    %jit3A_2850 = arith.constant 1.000000e+00 : f32
    %jit3A_2851 = arith.constant 0.000000e+00 : f32
    %broadcast_in_dim3A_2852 = vector.broadcast %jit3A_2850 : f32 to vector<136x128xf32>
    %broadcast_in_dim3A_2853 = vector.broadcast %jit3A_2851 : f32 to vector<136x128xf32>
    %select_n3A_2854 = arith.select %eq3A_2849, %broadcast_in_dim3A_2852, %broadcast_in_dim3A_2853 : vector<136x128xi1>, vector<136x128xf32>
    %get3A_2855 = arith.constant 0 : index
    %get3A_2856 = arith.constant 0 : index
    %get3A_2857 = arith.constant 39 : index
    %get3A_2858 = memref.load %arg3[%get3A_2855, %get3A_2856, %get3A_2857] : memref<1x1x240xf32, #tpu.memory_space<smem>>
    %mul3A_2859 = vector.broadcast %get3A_2858 : f32 to vector<136x128xf32>
    %mul3A_2860 = arith.mulf %select_n3A_2854, %mul3A_2859 : vector<136x128xf32>
    %add3A_2861 = arith.addf %add3A_2818, %mul3A_2860 : vector<136x128xf32>
    %get3A_2862 = arith.constant 0 : index
    %get3A_2863 = arith.constant 0 : index
    %get3A_2864 = arith.constant 40 : index
    %get3A_2865 = memref.load %arg3[%get3A_2862, %get3A_2863, %get3A_2864] : memref<1x1x240xf32, #tpu.memory_space<smem>>
    %mul3A_2866 = vector.broadcast %get3A_2865 : f32 to vector<136x128xf32>
    %mul3A_2867 = arith.mulf %select_n3A_2854, %mul3A_2866 : vector<136x128xf32>
    %add3A_2868 = arith.addf %add3A_2825, %mul3A_2867 : vector<136x128xf32>
    %get3A_2869 = arith.constant 0 : index
    %get3A_2870 = arith.constant 0 : index
    %get3A_2871 = arith.constant 41 : index
    %get3A_2872 = memref.load %arg3[%get3A_2869, %get3A_2870, %get3A_2871] : memref<1x1x240xf32, #tpu.memory_space<smem>>
    %mul3A_2873 = vector.broadcast %get3A_2872 : f32 to vector<136x128xf32>
    %mul3A_2874 = arith.mulf %select_n3A_2854, %mul3A_2873 : vector<136x128xf32>
    %add3A_2875 = arith.addf %add3A_2832, %mul3A_2874 : vector<136x128xf32>
    %get3A_2876 = arith.constant 0 : index
    %get3A_2877 = arith.constant 0 : index
    %get3A_2878 = arith.constant 42 : index
    %get3A_2879 = memref.load %arg3[%get3A_2876, %get3A_2877, %get3A_2878] : memref<1x1x240xf32, #tpu.memory_space<smem>>
    %mul3A_2880 = vector.broadcast %get3A_2879 : f32 to vector<136x128xf32>
    %mul3A_2881 = arith.mulf %select_n3A_2854, %mul3A_2880 : vector<136x128xf32>
    %add3A_2882 = arith.addf %add3A_2839, %mul3A_2881 : vector<136x128xf32>
    %get3A_2883 = arith.constant 0 : index
    %get3A_2884 = arith.constant 0 : index
    %get3A_2885 = arith.constant 43 : index
    %get3A_2886 = memref.load %arg3[%get3A_2883, %get3A_2884, %get3A_2885] : memref<1x1x240xf32, #tpu.memory_space<smem>>
    %mul3A_2887 = vector.broadcast %get3A_2886 : f32 to vector<136x128xf32>
    %mul3A_2888 = arith.mulf %select_n3A_2854, %mul3A_2887 : vector<136x128xf32>
    %add3A_2889 = arith.addf %add3A_2846, %mul3A_2888 : vector<136x128xf32>
    %eq3A_2890 = arith.constant 3 : i32
    %eq3A_2891 = vector.broadcast %eq3A_2890 : i32 to vector<136x128xi32>
    %eq3A_2892 = arith.cmpi eq, %select_n3A_1249, %eq3A_2891 : vector<136x128xi32>
    %jit3A_2893 = arith.constant 1.000000e+00 : f32
    %jit3A_2894 = arith.constant 0.000000e+00 : f32
    %broadcast_in_dim3A_2895 = vector.broadcast %jit3A_2893 : f32 to vector<136x128xf32>
    %broadcast_in_dim3A_2896 = vector.broadcast %jit3A_2894 : f32 to vector<136x128xf32>
    %select_n3A_2897 = arith.select %eq3A_2892, %broadcast_in_dim3A_2895, %broadcast_in_dim3A_2896 : vector<136x128xi1>, vector<136x128xf32>
    %get3A_2898 = arith.constant 0 : index
    %get3A_2899 = arith.constant 0 : index
    %get3A_2900 = arith.constant 54 : index
    %get3A_2901 = memref.load %arg3[%get3A_2898, %get3A_2899, %get3A_2900] : memref<1x1x240xf32, #tpu.memory_space<smem>>
    %mul3A_2902 = vector.broadcast %get3A_2901 : f32 to vector<136x128xf32>
    %mul3A_2903 = arith.mulf %select_n3A_2897, %mul3A_2902 : vector<136x128xf32>
    %add3A_2904 = arith.addf %add3A_2861, %mul3A_2903 : vector<136x128xf32>
    %get3A_2905 = arith.constant 0 : index
    %get3A_2906 = arith.constant 0 : index
    %get3A_2907 = arith.constant 55 : index
    %get3A_2908 = memref.load %arg3[%get3A_2905, %get3A_2906, %get3A_2907] : memref<1x1x240xf32, #tpu.memory_space<smem>>
    %mul3A_2909 = vector.broadcast %get3A_2908 : f32 to vector<136x128xf32>
    %mul3A_2910 = arith.mulf %select_n3A_2897, %mul3A_2909 : vector<136x128xf32>
    %add3A_2911 = arith.addf %add3A_2868, %mul3A_2910 : vector<136x128xf32>
    %get3A_2912 = arith.constant 0 : index
    %get3A_2913 = arith.constant 0 : index
    %get3A_2914 = arith.constant 56 : index
    %get3A_2915 = memref.load %arg3[%get3A_2912, %get3A_2913, %get3A_2914] : memref<1x1x240xf32, #tpu.memory_space<smem>>
    %mul3A_2916 = vector.broadcast %get3A_2915 : f32 to vector<136x128xf32>
    %mul3A_2917 = arith.mulf %select_n3A_2897, %mul3A_2916 : vector<136x128xf32>
    %add3A_2918 = arith.addf %add3A_2875, %mul3A_2917 : vector<136x128xf32>
    %get3A_2919 = arith.constant 0 : index
    %get3A_2920 = arith.constant 0 : index
    %get3A_2921 = arith.constant 57 : index
    %get3A_2922 = memref.load %arg3[%get3A_2919, %get3A_2920, %get3A_2921] : memref<1x1x240xf32, #tpu.memory_space<smem>>
    %mul3A_2923 = vector.broadcast %get3A_2922 : f32 to vector<136x128xf32>
    %mul3A_2924 = arith.mulf %select_n3A_2897, %mul3A_2923 : vector<136x128xf32>
    %add3A_2925 = arith.addf %add3A_2882, %mul3A_2924 : vector<136x128xf32>
    %get3A_2926 = arith.constant 0 : index
    %get3A_2927 = arith.constant 0 : index
    %get3A_2928 = arith.constant 58 : index
    %get3A_2929 = memref.load %arg3[%get3A_2926, %get3A_2927, %get3A_2928] : memref<1x1x240xf32, #tpu.memory_space<smem>>
    %mul3A_2930 = vector.broadcast %get3A_2929 : f32 to vector<136x128xf32>
    %mul3A_2931 = arith.mulf %select_n3A_2897, %mul3A_2930 : vector<136x128xf32>
    %add3A_2932 = arith.addf %add3A_2889, %mul3A_2931 : vector<136x128xf32>
    %eq3A_2933 = arith.constant 4 : i32
    %eq3A_2934 = vector.broadcast %eq3A_2933 : i32 to vector<136x128xi32>
    %eq3A_2935 = arith.cmpi eq, %select_n3A_1249, %eq3A_2934 : vector<136x128xi32>
    %jit3A_2936 = arith.constant 1.000000e+00 : f32
    %jit3A_2937 = arith.constant 0.000000e+00 : f32
    %broadcast_in_dim3A_2938 = vector.broadcast %jit3A_2936 : f32 to vector<136x128xf32>
    %broadcast_in_dim3A_2939 = vector.broadcast %jit3A_2937 : f32 to vector<136x128xf32>
    %select_n3A_2940 = arith.select %eq3A_2935, %broadcast_in_dim3A_2938, %broadcast_in_dim3A_2939 : vector<136x128xi1>, vector<136x128xf32>
    %get3A_2941 = arith.constant 0 : index
    %get3A_2942 = arith.constant 0 : index
    %get3A_2943 = arith.constant 69 : index
    %get3A_2944 = memref.load %arg3[%get3A_2941, %get3A_2942, %get3A_2943] : memref<1x1x240xf32, #tpu.memory_space<smem>>
    %mul3A_2945 = vector.broadcast %get3A_2944 : f32 to vector<136x128xf32>
    %mul3A_2946 = arith.mulf %select_n3A_2940, %mul3A_2945 : vector<136x128xf32>
    %add3A_2947 = arith.addf %add3A_2904, %mul3A_2946 : vector<136x128xf32>
    %get3A_2948 = arith.constant 0 : index
    %get3A_2949 = arith.constant 0 : index
    %get3A_2950 = arith.constant 70 : index
    %get3A_2951 = memref.load %arg3[%get3A_2948, %get3A_2949, %get3A_2950] : memref<1x1x240xf32, #tpu.memory_space<smem>>
    %mul3A_2952 = vector.broadcast %get3A_2951 : f32 to vector<136x128xf32>
    %mul3A_2953 = arith.mulf %select_n3A_2940, %mul3A_2952 : vector<136x128xf32>
    %add3A_2954 = arith.addf %add3A_2911, %mul3A_2953 : vector<136x128xf32>
    %get3A_2955 = arith.constant 0 : index
    %get3A_2956 = arith.constant 0 : index
    %get3A_2957 = arith.constant 71 : index
    %get3A_2958 = memref.load %arg3[%get3A_2955, %get3A_2956, %get3A_2957] : memref<1x1x240xf32, #tpu.memory_space<smem>>
    %mul3A_2959 = vector.broadcast %get3A_2958 : f32 to vector<136x128xf32>
    %mul3A_2960 = arith.mulf %select_n3A_2940, %mul3A_2959 : vector<136x128xf32>
    %add3A_2961 = arith.addf %add3A_2918, %mul3A_2960 : vector<136x128xf32>
    %get3A_2962 = arith.constant 0 : index
    %get3A_2963 = arith.constant 0 : index
    %get3A_2964 = arith.constant 72 : index
    %get3A_2965 = memref.load %arg3[%get3A_2962, %get3A_2963, %get3A_2964] : memref<1x1x240xf32, #tpu.memory_space<smem>>
    %mul3A_2966 = vector.broadcast %get3A_2965 : f32 to vector<136x128xf32>
    %mul3A_2967 = arith.mulf %select_n3A_2940, %mul3A_2966 : vector<136x128xf32>
    %add3A_2968 = arith.addf %add3A_2925, %mul3A_2967 : vector<136x128xf32>
    %get3A_2969 = arith.constant 0 : index
    %get3A_2970 = arith.constant 0 : index
    %get3A_2971 = arith.constant 73 : index
    %get3A_2972 = memref.load %arg3[%get3A_2969, %get3A_2970, %get3A_2971] : memref<1x1x240xf32, #tpu.memory_space<smem>>
    %mul3A_2973 = vector.broadcast %get3A_2972 : f32 to vector<136x128xf32>
    %mul3A_2974 = arith.mulf %select_n3A_2940, %mul3A_2973 : vector<136x128xf32>
    %add3A_2975 = arith.addf %add3A_2932, %mul3A_2974 : vector<136x128xf32>
    %eq3A_2976 = arith.constant 5 : i32
    %eq3A_2977 = vector.broadcast %eq3A_2976 : i32 to vector<136x128xi32>
    %eq3A_2978 = arith.cmpi eq, %select_n3A_1249, %eq3A_2977 : vector<136x128xi32>
    %jit3A_2979 = arith.constant 1.000000e+00 : f32
    %jit3A_2980 = arith.constant 0.000000e+00 : f32
    %broadcast_in_dim3A_2981 = vector.broadcast %jit3A_2979 : f32 to vector<136x128xf32>
    %broadcast_in_dim3A_2982 = vector.broadcast %jit3A_2980 : f32 to vector<136x128xf32>
    %select_n3A_2983 = arith.select %eq3A_2978, %broadcast_in_dim3A_2981, %broadcast_in_dim3A_2982 : vector<136x128xi1>, vector<136x128xf32>
    %get3A_2984 = arith.constant 0 : index
    %get3A_2985 = arith.constant 0 : index
    %get3A_2986 = arith.constant 84 : index
    %get3A_2987 = memref.load %arg3[%get3A_2984, %get3A_2985, %get3A_2986] : memref<1x1x240xf32, #tpu.memory_space<smem>>
    %mul3A_2988 = vector.broadcast %get3A_2987 : f32 to vector<136x128xf32>
    %mul3A_2989 = arith.mulf %select_n3A_2983, %mul3A_2988 : vector<136x128xf32>
    %add3A_2990 = arith.addf %add3A_2947, %mul3A_2989 : vector<136x128xf32>
    %get3A_2991 = arith.constant 0 : index
    %get3A_2992 = arith.constant 0 : index
    %get3A_2993 = arith.constant 85 : index
    %get3A_2994 = memref.load %arg3[%get3A_2991, %get3A_2992, %get3A_2993] : memref<1x1x240xf32, #tpu.memory_space<smem>>
    %mul3A_2995 = vector.broadcast %get3A_2994 : f32 to vector<136x128xf32>
    %mul3A_2996 = arith.mulf %select_n3A_2983, %mul3A_2995 : vector<136x128xf32>
    %add3A_2997 = arith.addf %add3A_2954, %mul3A_2996 : vector<136x128xf32>
    %get3A_2998 = arith.constant 0 : index
    %get3A_2999 = arith.constant 0 : index
    %get3A_3000 = arith.constant 86 : index
    %get3A_3001 = memref.load %arg3[%get3A_2998, %get3A_2999, %get3A_3000] : memref<1x1x240xf32, #tpu.memory_space<smem>>
    %mul3A_3002 = vector.broadcast %get3A_3001 : f32 to vector<136x128xf32>
    %mul3A_3003 = arith.mulf %select_n3A_2983, %mul3A_3002 : vector<136x128xf32>
    %add3A_3004 = arith.addf %add3A_2961, %mul3A_3003 : vector<136x128xf32>
    %get3A_3005 = arith.constant 0 : index
    %get3A_3006 = arith.constant 0 : index
    %get3A_3007 = arith.constant 87 : index
    %get3A_3008 = memref.load %arg3[%get3A_3005, %get3A_3006, %get3A_3007] : memref<1x1x240xf32, #tpu.memory_space<smem>>
    %mul3A_3009 = vector.broadcast %get3A_3008 : f32 to vector<136x128xf32>
    %mul3A_3010 = arith.mulf %select_n3A_2983, %mul3A_3009 : vector<136x128xf32>
    %add3A_3011 = arith.addf %add3A_2968, %mul3A_3010 : vector<136x128xf32>
    %get3A_3012 = arith.constant 0 : index
    %get3A_3013 = arith.constant 0 : index
    %get3A_3014 = arith.constant 88 : index
    %get3A_3015 = memref.load %arg3[%get3A_3012, %get3A_3013, %get3A_3014] : memref<1x1x240xf32, #tpu.memory_space<smem>>
    %mul3A_3016 = vector.broadcast %get3A_3015 : f32 to vector<136x128xf32>
    %mul3A_3017 = arith.mulf %select_n3A_2983, %mul3A_3016 : vector<136x128xf32>
    %add3A_3018 = arith.addf %add3A_2975, %mul3A_3017 : vector<136x128xf32>
    %eq3A_3019 = arith.constant 6 : i32
    %eq3A_3020 = vector.broadcast %eq3A_3019 : i32 to vector<136x128xi32>
    %eq3A_3021 = arith.cmpi eq, %select_n3A_1249, %eq3A_3020 : vector<136x128xi32>
    %jit3A_3022 = arith.constant 1.000000e+00 : f32
    %jit3A_3023 = arith.constant 0.000000e+00 : f32
    %broadcast_in_dim3A_3024 = vector.broadcast %jit3A_3022 : f32 to vector<136x128xf32>
    %broadcast_in_dim3A_3025 = vector.broadcast %jit3A_3023 : f32 to vector<136x128xf32>
    %select_n3A_3026 = arith.select %eq3A_3021, %broadcast_in_dim3A_3024, %broadcast_in_dim3A_3025 : vector<136x128xi1>, vector<136x128xf32>
    %get3A_3027 = arith.constant 0 : index
    %get3A_3028 = arith.constant 0 : index
    %get3A_3029 = arith.constant 99 : index
    %get3A_3030 = memref.load %arg3[%get3A_3027, %get3A_3028, %get3A_3029] : memref<1x1x240xf32, #tpu.memory_space<smem>>
    %mul3A_3031 = vector.broadcast %get3A_3030 : f32 to vector<136x128xf32>
    %mul3A_3032 = arith.mulf %select_n3A_3026, %mul3A_3031 : vector<136x128xf32>
    %add3A_3033 = arith.addf %add3A_2990, %mul3A_3032 : vector<136x128xf32>
    %get3A_3034 = arith.constant 0 : index
    %get3A_3035 = arith.constant 0 : index
    %get3A_3036 = arith.constant 100 : index
    %get3A_3037 = memref.load %arg3[%get3A_3034, %get3A_3035, %get3A_3036] : memref<1x1x240xf32, #tpu.memory_space<smem>>
    %mul3A_3038 = vector.broadcast %get3A_3037 : f32 to vector<136x128xf32>
    %mul3A_3039 = arith.mulf %select_n3A_3026, %mul3A_3038 : vector<136x128xf32>
    %add3A_3040 = arith.addf %add3A_2997, %mul3A_3039 : vector<136x128xf32>
    %get3A_3041 = arith.constant 0 : index
    %get3A_3042 = arith.constant 0 : index
    %get3A_3043 = arith.constant 101 : index
    %get3A_3044 = memref.load %arg3[%get3A_3041, %get3A_3042, %get3A_3043] : memref<1x1x240xf32, #tpu.memory_space<smem>>
    %mul3A_3045 = vector.broadcast %get3A_3044 : f32 to vector<136x128xf32>
    %mul3A_3046 = arith.mulf %select_n3A_3026, %mul3A_3045 : vector<136x128xf32>
    %add3A_3047 = arith.addf %add3A_3004, %mul3A_3046 : vector<136x128xf32>
    %get3A_3048 = arith.constant 0 : index
    %get3A_3049 = arith.constant 0 : index
    %get3A_3050 = arith.constant 102 : index
    %get3A_3051 = memref.load %arg3[%get3A_3048, %get3A_3049, %get3A_3050] : memref<1x1x240xf32, #tpu.memory_space<smem>>
    %mul3A_3052 = vector.broadcast %get3A_3051 : f32 to vector<136x128xf32>
    %mul3A_3053 = arith.mulf %select_n3A_3026, %mul3A_3052 : vector<136x128xf32>
    %add3A_3054 = arith.addf %add3A_3011, %mul3A_3053 : vector<136x128xf32>
    %get3A_3055 = arith.constant 0 : index
    %get3A_3056 = arith.constant 0 : index
    %get3A_3057 = arith.constant 103 : index
    %get3A_3058 = memref.load %arg3[%get3A_3055, %get3A_3056, %get3A_3057] : memref<1x1x240xf32, #tpu.memory_space<smem>>
    %mul3A_3059 = vector.broadcast %get3A_3058 : f32 to vector<136x128xf32>
    %mul3A_3060 = arith.mulf %select_n3A_3026, %mul3A_3059 : vector<136x128xf32>
    %add3A_3061 = arith.addf %add3A_3018, %mul3A_3060 : vector<136x128xf32>
    %eq3A_3062 = arith.constant 7 : i32
    %eq3A_3063 = vector.broadcast %eq3A_3062 : i32 to vector<136x128xi32>
    %eq3A_3064 = arith.cmpi eq, %select_n3A_1249, %eq3A_3063 : vector<136x128xi32>
    %jit3A_3065 = arith.constant 1.000000e+00 : f32
    %jit3A_3066 = arith.constant 0.000000e+00 : f32
    %broadcast_in_dim3A_3067 = vector.broadcast %jit3A_3065 : f32 to vector<136x128xf32>
    %broadcast_in_dim3A_3068 = vector.broadcast %jit3A_3066 : f32 to vector<136x128xf32>
    %select_n3A_3069 = arith.select %eq3A_3064, %broadcast_in_dim3A_3067, %broadcast_in_dim3A_3068 : vector<136x128xi1>, vector<136x128xf32>
    %get3A_3070 = arith.constant 0 : index
    %get3A_3071 = arith.constant 0 : index
    %get3A_3072 = arith.constant 114 : index
    %get3A_3073 = memref.load %arg3[%get3A_3070, %get3A_3071, %get3A_3072] : memref<1x1x240xf32, #tpu.memory_space<smem>>
    %mul3A_3074 = vector.broadcast %get3A_3073 : f32 to vector<136x128xf32>
    %mul3A_3075 = arith.mulf %select_n3A_3069, %mul3A_3074 : vector<136x128xf32>
    %add3A_3076 = arith.addf %add3A_3033, %mul3A_3075 : vector<136x128xf32>
    %get3A_3077 = arith.constant 0 : index
    %get3A_3078 = arith.constant 0 : index
    %get3A_3079 = arith.constant 115 : index
    %get3A_3080 = memref.load %arg3[%get3A_3077, %get3A_3078, %get3A_3079] : memref<1x1x240xf32, #tpu.memory_space<smem>>
    %mul3A_3081 = vector.broadcast %get3A_3080 : f32 to vector<136x128xf32>
    %mul3A_3082 = arith.mulf %select_n3A_3069, %mul3A_3081 : vector<136x128xf32>
    %add3A_3083 = arith.addf %add3A_3040, %mul3A_3082 : vector<136x128xf32>
    %get3A_3084 = arith.constant 0 : index
    %get3A_3085 = arith.constant 0 : index
    %get3A_3086 = arith.constant 116 : index
    %get3A_3087 = memref.load %arg3[%get3A_3084, %get3A_3085, %get3A_3086] : memref<1x1x240xf32, #tpu.memory_space<smem>>
    %mul3A_3088 = vector.broadcast %get3A_3087 : f32 to vector<136x128xf32>
    %mul3A_3089 = arith.mulf %select_n3A_3069, %mul3A_3088 : vector<136x128xf32>
    %add3A_3090 = arith.addf %add3A_3047, %mul3A_3089 : vector<136x128xf32>
    %get3A_3091 = arith.constant 0 : index
    %get3A_3092 = arith.constant 0 : index
    %get3A_3093 = arith.constant 117 : index
    %get3A_3094 = memref.load %arg3[%get3A_3091, %get3A_3092, %get3A_3093] : memref<1x1x240xf32, #tpu.memory_space<smem>>
    %mul3A_3095 = vector.broadcast %get3A_3094 : f32 to vector<136x128xf32>
    %mul3A_3096 = arith.mulf %select_n3A_3069, %mul3A_3095 : vector<136x128xf32>
    %add3A_3097 = arith.addf %add3A_3054, %mul3A_3096 : vector<136x128xf32>
    %get3A_3098 = arith.constant 0 : index
    %get3A_3099 = arith.constant 0 : index
    %get3A_3100 = arith.constant 118 : index
    %get3A_3101 = memref.load %arg3[%get3A_3098, %get3A_3099, %get3A_3100] : memref<1x1x240xf32, #tpu.memory_space<smem>>
    %mul3A_3102 = vector.broadcast %get3A_3101 : f32 to vector<136x128xf32>
    %mul3A_3103 = arith.mulf %select_n3A_3069, %mul3A_3102 : vector<136x128xf32>
    %add3A_3104 = arith.addf %add3A_3061, %mul3A_3103 : vector<136x128xf32>
    %eq3A_3105 = arith.constant 8 : i32
    %eq3A_3106 = vector.broadcast %eq3A_3105 : i32 to vector<136x128xi32>
    %eq3A_3107 = arith.cmpi eq, %select_n3A_1249, %eq3A_3106 : vector<136x128xi32>
    %jit3A_3108 = arith.constant 1.000000e+00 : f32
    %jit3A_3109 = arith.constant 0.000000e+00 : f32
    %broadcast_in_dim3A_3110 = vector.broadcast %jit3A_3108 : f32 to vector<136x128xf32>
    %broadcast_in_dim3A_3111 = vector.broadcast %jit3A_3109 : f32 to vector<136x128xf32>
    %select_n3A_3112 = arith.select %eq3A_3107, %broadcast_in_dim3A_3110, %broadcast_in_dim3A_3111 : vector<136x128xi1>, vector<136x128xf32>
    %get3A_3113 = arith.constant 0 : index
    %get3A_3114 = arith.constant 0 : index
    %get3A_3115 = arith.constant 129 : index
    %get3A_3116 = memref.load %arg3[%get3A_3113, %get3A_3114, %get3A_3115] : memref<1x1x240xf32, #tpu.memory_space<smem>>
    %mul3A_3117 = vector.broadcast %get3A_3116 : f32 to vector<136x128xf32>
    %mul3A_3118 = arith.mulf %select_n3A_3112, %mul3A_3117 : vector<136x128xf32>
    %add3A_3119 = arith.addf %add3A_3076, %mul3A_3118 : vector<136x128xf32>
    %get3A_3120 = arith.constant 0 : index
    %get3A_3121 = arith.constant 0 : index
    %get3A_3122 = arith.constant 130 : index
    %get3A_3123 = memref.load %arg3[%get3A_3120, %get3A_3121, %get3A_3122] : memref<1x1x240xf32, #tpu.memory_space<smem>>
    %mul3A_3124 = vector.broadcast %get3A_3123 : f32 to vector<136x128xf32>
    %mul3A_3125 = arith.mulf %select_n3A_3112, %mul3A_3124 : vector<136x128xf32>
    %add3A_3126 = arith.addf %add3A_3083, %mul3A_3125 : vector<136x128xf32>
    %get3A_3127 = arith.constant 0 : index
    %get3A_3128 = arith.constant 0 : index
    %get3A_3129 = arith.constant 131 : index
    %get3A_3130 = memref.load %arg3[%get3A_3127, %get3A_3128, %get3A_3129] : memref<1x1x240xf32, #tpu.memory_space<smem>>
    %mul3A_3131 = vector.broadcast %get3A_3130 : f32 to vector<136x128xf32>
    %mul3A_3132 = arith.mulf %select_n3A_3112, %mul3A_3131 : vector<136x128xf32>
    %add3A_3133 = arith.addf %add3A_3090, %mul3A_3132 : vector<136x128xf32>
    %get3A_3134 = arith.constant 0 : index
    %get3A_3135 = arith.constant 0 : index
    %get3A_3136 = arith.constant 132 : index
    %get3A_3137 = memref.load %arg3[%get3A_3134, %get3A_3135, %get3A_3136] : memref<1x1x240xf32, #tpu.memory_space<smem>>
    %mul3A_3138 = vector.broadcast %get3A_3137 : f32 to vector<136x128xf32>
    %mul3A_3139 = arith.mulf %select_n3A_3112, %mul3A_3138 : vector<136x128xf32>
    %add3A_3140 = arith.addf %add3A_3097, %mul3A_3139 : vector<136x128xf32>
    %get3A_3141 = arith.constant 0 : index
    %get3A_3142 = arith.constant 0 : index
    %get3A_3143 = arith.constant 133 : index
    %get3A_3144 = memref.load %arg3[%get3A_3141, %get3A_3142, %get3A_3143] : memref<1x1x240xf32, #tpu.memory_space<smem>>
    %mul3A_3145 = vector.broadcast %get3A_3144 : f32 to vector<136x128xf32>
    %mul3A_3146 = arith.mulf %select_n3A_3112, %mul3A_3145 : vector<136x128xf32>
    %add3A_3147 = arith.addf %add3A_3104, %mul3A_3146 : vector<136x128xf32>
    %eq3A_3148 = arith.constant 9 : i32
    %eq3A_3149 = vector.broadcast %eq3A_3148 : i32 to vector<136x128xi32>
    %eq3A_3150 = arith.cmpi eq, %select_n3A_1249, %eq3A_3149 : vector<136x128xi32>
    %jit3A_3151 = arith.constant 1.000000e+00 : f32
    %jit3A_3152 = arith.constant 0.000000e+00 : f32
    %broadcast_in_dim3A_3153 = vector.broadcast %jit3A_3151 : f32 to vector<136x128xf32>
    %broadcast_in_dim3A_3154 = vector.broadcast %jit3A_3152 : f32 to vector<136x128xf32>
    %select_n3A_3155 = arith.select %eq3A_3150, %broadcast_in_dim3A_3153, %broadcast_in_dim3A_3154 : vector<136x128xi1>, vector<136x128xf32>
    %get3A_3156 = arith.constant 0 : index
    %get3A_3157 = arith.constant 0 : index
    %get3A_3158 = arith.constant 144 : index
    %get3A_3159 = memref.load %arg3[%get3A_3156, %get3A_3157, %get3A_3158] : memref<1x1x240xf32, #tpu.memory_space<smem>>
    %mul3A_3160 = vector.broadcast %get3A_3159 : f32 to vector<136x128xf32>
    %mul3A_3161 = arith.mulf %select_n3A_3155, %mul3A_3160 : vector<136x128xf32>
    %add3A_3162 = arith.addf %add3A_3119, %mul3A_3161 : vector<136x128xf32>
    %get3A_3163 = arith.constant 0 : index
    %get3A_3164 = arith.constant 0 : index
    %get3A_3165 = arith.constant 145 : index
    %get3A_3166 = memref.load %arg3[%get3A_3163, %get3A_3164, %get3A_3165] : memref<1x1x240xf32, #tpu.memory_space<smem>>
    %mul3A_3167 = vector.broadcast %get3A_3166 : f32 to vector<136x128xf32>
    %mul3A_3168 = arith.mulf %select_n3A_3155, %mul3A_3167 : vector<136x128xf32>
    %add3A_3169 = arith.addf %add3A_3126, %mul3A_3168 : vector<136x128xf32>
    %get3A_3170 = arith.constant 0 : index
    %get3A_3171 = arith.constant 0 : index
    %get3A_3172 = arith.constant 146 : index
    %get3A_3173 = memref.load %arg3[%get3A_3170, %get3A_3171, %get3A_3172] : memref<1x1x240xf32, #tpu.memory_space<smem>>
    %mul3A_3174 = vector.broadcast %get3A_3173 : f32 to vector<136x128xf32>
    %mul3A_3175 = arith.mulf %select_n3A_3155, %mul3A_3174 : vector<136x128xf32>
    %add3A_3176 = arith.addf %add3A_3133, %mul3A_3175 : vector<136x128xf32>
    %get3A_3177 = arith.constant 0 : index
    %get3A_3178 = arith.constant 0 : index
    %get3A_3179 = arith.constant 147 : index
    %get3A_3180 = memref.load %arg3[%get3A_3177, %get3A_3178, %get3A_3179] : memref<1x1x240xf32, #tpu.memory_space<smem>>
    %mul3A_3181 = vector.broadcast %get3A_3180 : f32 to vector<136x128xf32>
    %mul3A_3182 = arith.mulf %select_n3A_3155, %mul3A_3181 : vector<136x128xf32>
    %add3A_3183 = arith.addf %add3A_3140, %mul3A_3182 : vector<136x128xf32>
    %get3A_3184 = arith.constant 0 : index
    %get3A_3185 = arith.constant 0 : index
    %get3A_3186 = arith.constant 148 : index
    %get3A_3187 = memref.load %arg3[%get3A_3184, %get3A_3185, %get3A_3186] : memref<1x1x240xf32, #tpu.memory_space<smem>>
    %mul3A_3188 = vector.broadcast %get3A_3187 : f32 to vector<136x128xf32>
    %mul3A_3189 = arith.mulf %select_n3A_3155, %mul3A_3188 : vector<136x128xf32>
    %add3A_3190 = arith.addf %add3A_3147, %mul3A_3189 : vector<136x128xf32>
    %eq3A_3191 = arith.constant 10 : i32
    %eq3A_3192 = vector.broadcast %eq3A_3191 : i32 to vector<136x128xi32>
    %eq3A_3193 = arith.cmpi eq, %select_n3A_1249, %eq3A_3192 : vector<136x128xi32>
    %jit3A_3194 = arith.constant 1.000000e+00 : f32
    %jit3A_3195 = arith.constant 0.000000e+00 : f32
    %broadcast_in_dim3A_3196 = vector.broadcast %jit3A_3194 : f32 to vector<136x128xf32>
    %broadcast_in_dim3A_3197 = vector.broadcast %jit3A_3195 : f32 to vector<136x128xf32>
    %select_n3A_3198 = arith.select %eq3A_3193, %broadcast_in_dim3A_3196, %broadcast_in_dim3A_3197 : vector<136x128xi1>, vector<136x128xf32>
    %get3A_3199 = arith.constant 0 : index
    %get3A_3200 = arith.constant 0 : index
    %get3A_3201 = arith.constant 159 : index
    %get3A_3202 = memref.load %arg3[%get3A_3199, %get3A_3200, %get3A_3201] : memref<1x1x240xf32, #tpu.memory_space<smem>>
    %mul3A_3203 = vector.broadcast %get3A_3202 : f32 to vector<136x128xf32>
    %mul3A_3204 = arith.mulf %select_n3A_3198, %mul3A_3203 : vector<136x128xf32>
    %add3A_3205 = arith.addf %add3A_3162, %mul3A_3204 : vector<136x128xf32>
    %get3A_3206 = arith.constant 0 : index
    %get3A_3207 = arith.constant 0 : index
    %get3A_3208 = arith.constant 160 : index
    %get3A_3209 = memref.load %arg3[%get3A_3206, %get3A_3207, %get3A_3208] : memref<1x1x240xf32, #tpu.memory_space<smem>>
    %mul3A_3210 = vector.broadcast %get3A_3209 : f32 to vector<136x128xf32>
    %mul3A_3211 = arith.mulf %select_n3A_3198, %mul3A_3210 : vector<136x128xf32>
    %add3A_3212 = arith.addf %add3A_3169, %mul3A_3211 : vector<136x128xf32>
    %get3A_3213 = arith.constant 0 : index
    %get3A_3214 = arith.constant 0 : index
    %get3A_3215 = arith.constant 161 : index
    %get3A_3216 = memref.load %arg3[%get3A_3213, %get3A_3214, %get3A_3215] : memref<1x1x240xf32, #tpu.memory_space<smem>>
    %mul3A_3217 = vector.broadcast %get3A_3216 : f32 to vector<136x128xf32>
    %mul3A_3218 = arith.mulf %select_n3A_3198, %mul3A_3217 : vector<136x128xf32>
    %add3A_3219 = arith.addf %add3A_3176, %mul3A_3218 : vector<136x128xf32>
    %get3A_3220 = arith.constant 0 : index
    %get3A_3221 = arith.constant 0 : index
    %get3A_3222 = arith.constant 162 : index
    %get3A_3223 = memref.load %arg3[%get3A_3220, %get3A_3221, %get3A_3222] : memref<1x1x240xf32, #tpu.memory_space<smem>>
    %mul3A_3224 = vector.broadcast %get3A_3223 : f32 to vector<136x128xf32>
    %mul3A_3225 = arith.mulf %select_n3A_3198, %mul3A_3224 : vector<136x128xf32>
    %add3A_3226 = arith.addf %add3A_3183, %mul3A_3225 : vector<136x128xf32>
    %get3A_3227 = arith.constant 0 : index
    %get3A_3228 = arith.constant 0 : index
    %get3A_3229 = arith.constant 163 : index
    %get3A_3230 = memref.load %arg3[%get3A_3227, %get3A_3228, %get3A_3229] : memref<1x1x240xf32, #tpu.memory_space<smem>>
    %mul3A_3231 = vector.broadcast %get3A_3230 : f32 to vector<136x128xf32>
    %mul3A_3232 = arith.mulf %select_n3A_3198, %mul3A_3231 : vector<136x128xf32>
    %add3A_3233 = arith.addf %add3A_3190, %mul3A_3232 : vector<136x128xf32>
    %eq3A_3234 = arith.constant 11 : i32
    %eq3A_3235 = vector.broadcast %eq3A_3234 : i32 to vector<136x128xi32>
    %eq3A_3236 = arith.cmpi eq, %select_n3A_1249, %eq3A_3235 : vector<136x128xi32>
    %jit3A_3237 = arith.constant 1.000000e+00 : f32
    %jit3A_3238 = arith.constant 0.000000e+00 : f32
    %broadcast_in_dim3A_3239 = vector.broadcast %jit3A_3237 : f32 to vector<136x128xf32>
    %broadcast_in_dim3A_3240 = vector.broadcast %jit3A_3238 : f32 to vector<136x128xf32>
    %select_n3A_3241 = arith.select %eq3A_3236, %broadcast_in_dim3A_3239, %broadcast_in_dim3A_3240 : vector<136x128xi1>, vector<136x128xf32>
    %get3A_3242 = arith.constant 0 : index
    %get3A_3243 = arith.constant 0 : index
    %get3A_3244 = arith.constant 174 : index
    %get3A_3245 = memref.load %arg3[%get3A_3242, %get3A_3243, %get3A_3244] : memref<1x1x240xf32, #tpu.memory_space<smem>>
    %mul3A_3246 = vector.broadcast %get3A_3245 : f32 to vector<136x128xf32>
    %mul3A_3247 = arith.mulf %select_n3A_3241, %mul3A_3246 : vector<136x128xf32>
    %add3A_3248 = arith.addf %add3A_3205, %mul3A_3247 : vector<136x128xf32>
    %get3A_3249 = arith.constant 0 : index
    %get3A_3250 = arith.constant 0 : index
    %get3A_3251 = arith.constant 175 : index
    %get3A_3252 = memref.load %arg3[%get3A_3249, %get3A_3250, %get3A_3251] : memref<1x1x240xf32, #tpu.memory_space<smem>>
    %mul3A_3253 = vector.broadcast %get3A_3252 : f32 to vector<136x128xf32>
    %mul3A_3254 = arith.mulf %select_n3A_3241, %mul3A_3253 : vector<136x128xf32>
    %add3A_3255 = arith.addf %add3A_3212, %mul3A_3254 : vector<136x128xf32>
    %get3A_3256 = arith.constant 0 : index
    %get3A_3257 = arith.constant 0 : index
    %get3A_3258 = arith.constant 176 : index
    %get3A_3259 = memref.load %arg3[%get3A_3256, %get3A_3257, %get3A_3258] : memref<1x1x240xf32, #tpu.memory_space<smem>>
    %mul3A_3260 = vector.broadcast %get3A_3259 : f32 to vector<136x128xf32>
    %mul3A_3261 = arith.mulf %select_n3A_3241, %mul3A_3260 : vector<136x128xf32>
    %add3A_3262 = arith.addf %add3A_3219, %mul3A_3261 : vector<136x128xf32>
    %get3A_3263 = arith.constant 0 : index
    %get3A_3264 = arith.constant 0 : index
    %get3A_3265 = arith.constant 177 : index
    %get3A_3266 = memref.load %arg3[%get3A_3263, %get3A_3264, %get3A_3265] : memref<1x1x240xf32, #tpu.memory_space<smem>>
    %mul3A_3267 = vector.broadcast %get3A_3266 : f32 to vector<136x128xf32>
    %mul3A_3268 = arith.mulf %select_n3A_3241, %mul3A_3267 : vector<136x128xf32>
    %add3A_3269 = arith.addf %add3A_3226, %mul3A_3268 : vector<136x128xf32>
    %get3A_3270 = arith.constant 0 : index
    %get3A_3271 = arith.constant 0 : index
    %get3A_3272 = arith.constant 178 : index
    %get3A_3273 = memref.load %arg3[%get3A_3270, %get3A_3271, %get3A_3272] : memref<1x1x240xf32, #tpu.memory_space<smem>>
    %mul3A_3274 = vector.broadcast %get3A_3273 : f32 to vector<136x128xf32>
    %mul3A_3275 = arith.mulf %select_n3A_3241, %mul3A_3274 : vector<136x128xf32>
    %add3A_3276 = arith.addf %add3A_3233, %mul3A_3275 : vector<136x128xf32>
    %eq3A_3277 = arith.constant 12 : i32
    %eq3A_3278 = vector.broadcast %eq3A_3277 : i32 to vector<136x128xi32>
    %eq3A_3279 = arith.cmpi eq, %select_n3A_1249, %eq3A_3278 : vector<136x128xi32>
    %jit3A_3280 = arith.constant 1.000000e+00 : f32
    %jit3A_3281 = arith.constant 0.000000e+00 : f32
    %broadcast_in_dim3A_3282 = vector.broadcast %jit3A_3280 : f32 to vector<136x128xf32>
    %broadcast_in_dim3A_3283 = vector.broadcast %jit3A_3281 : f32 to vector<136x128xf32>
    %select_n3A_3284 = arith.select %eq3A_3279, %broadcast_in_dim3A_3282, %broadcast_in_dim3A_3283 : vector<136x128xi1>, vector<136x128xf32>
    %get3A_3285 = arith.constant 0 : index
    %get3A_3286 = arith.constant 0 : index
    %get3A_3287 = arith.constant 189 : index
    %get3A_3288 = memref.load %arg3[%get3A_3285, %get3A_3286, %get3A_3287] : memref<1x1x240xf32, #tpu.memory_space<smem>>
    %mul3A_3289 = vector.broadcast %get3A_3288 : f32 to vector<136x128xf32>
    %mul3A_3290 = arith.mulf %select_n3A_3284, %mul3A_3289 : vector<136x128xf32>
    %add3A_3291 = arith.addf %add3A_3248, %mul3A_3290 : vector<136x128xf32>
    %get3A_3292 = arith.constant 0 : index
    %get3A_3293 = arith.constant 0 : index
    %get3A_3294 = arith.constant 190 : index
    %get3A_3295 = memref.load %arg3[%get3A_3292, %get3A_3293, %get3A_3294] : memref<1x1x240xf32, #tpu.memory_space<smem>>
    %mul3A_3296 = vector.broadcast %get3A_3295 : f32 to vector<136x128xf32>
    %mul3A_3297 = arith.mulf %select_n3A_3284, %mul3A_3296 : vector<136x128xf32>
    %add3A_3298 = arith.addf %add3A_3255, %mul3A_3297 : vector<136x128xf32>
    %get3A_3299 = arith.constant 0 : index
    %get3A_3300 = arith.constant 0 : index
    %get3A_3301 = arith.constant 191 : index
    %get3A_3302 = memref.load %arg3[%get3A_3299, %get3A_3300, %get3A_3301] : memref<1x1x240xf32, #tpu.memory_space<smem>>
    %mul3A_3303 = vector.broadcast %get3A_3302 : f32 to vector<136x128xf32>
    %mul3A_3304 = arith.mulf %select_n3A_3284, %mul3A_3303 : vector<136x128xf32>
    %add3A_3305 = arith.addf %add3A_3262, %mul3A_3304 : vector<136x128xf32>
    %get3A_3306 = arith.constant 0 : index
    %get3A_3307 = arith.constant 0 : index
    %get3A_3308 = arith.constant 192 : index
    %get3A_3309 = memref.load %arg3[%get3A_3306, %get3A_3307, %get3A_3308] : memref<1x1x240xf32, #tpu.memory_space<smem>>
    %mul3A_3310 = vector.broadcast %get3A_3309 : f32 to vector<136x128xf32>
    %mul3A_3311 = arith.mulf %select_n3A_3284, %mul3A_3310 : vector<136x128xf32>
    %add3A_3312 = arith.addf %add3A_3269, %mul3A_3311 : vector<136x128xf32>
    %get3A_3313 = arith.constant 0 : index
    %get3A_3314 = arith.constant 0 : index
    %get3A_3315 = arith.constant 193 : index
    %get3A_3316 = memref.load %arg3[%get3A_3313, %get3A_3314, %get3A_3315] : memref<1x1x240xf32, #tpu.memory_space<smem>>
    %mul3A_3317 = vector.broadcast %get3A_3316 : f32 to vector<136x128xf32>
    %mul3A_3318 = arith.mulf %select_n3A_3284, %mul3A_3317 : vector<136x128xf32>
    %add3A_3319 = arith.addf %add3A_3276, %mul3A_3318 : vector<136x128xf32>
    %eq3A_3320 = arith.constant 13 : i32
    %eq3A_3321 = vector.broadcast %eq3A_3320 : i32 to vector<136x128xi32>
    %eq3A_3322 = arith.cmpi eq, %select_n3A_1249, %eq3A_3321 : vector<136x128xi32>
    %jit3A_3323 = arith.constant 1.000000e+00 : f32
    %jit3A_3324 = arith.constant 0.000000e+00 : f32
    %broadcast_in_dim3A_3325 = vector.broadcast %jit3A_3323 : f32 to vector<136x128xf32>
    %broadcast_in_dim3A_3326 = vector.broadcast %jit3A_3324 : f32 to vector<136x128xf32>
    %select_n3A_3327 = arith.select %eq3A_3322, %broadcast_in_dim3A_3325, %broadcast_in_dim3A_3326 : vector<136x128xi1>, vector<136x128xf32>
    %get3A_3328 = arith.constant 0 : index
    %get3A_3329 = arith.constant 0 : index
    %get3A_3330 = arith.constant 204 : index
    %get3A_3331 = memref.load %arg3[%get3A_3328, %get3A_3329, %get3A_3330] : memref<1x1x240xf32, #tpu.memory_space<smem>>
    %mul3A_3332 = vector.broadcast %get3A_3331 : f32 to vector<136x128xf32>
    %mul3A_3333 = arith.mulf %select_n3A_3327, %mul3A_3332 : vector<136x128xf32>
    %add3A_3334 = arith.addf %add3A_3291, %mul3A_3333 : vector<136x128xf32>
    %get3A_3335 = arith.constant 0 : index
    %get3A_3336 = arith.constant 0 : index
    %get3A_3337 = arith.constant 205 : index
    %get3A_3338 = memref.load %arg3[%get3A_3335, %get3A_3336, %get3A_3337] : memref<1x1x240xf32, #tpu.memory_space<smem>>
    %mul3A_3339 = vector.broadcast %get3A_3338 : f32 to vector<136x128xf32>
    %mul3A_3340 = arith.mulf %select_n3A_3327, %mul3A_3339 : vector<136x128xf32>
    %add3A_3341 = arith.addf %add3A_3298, %mul3A_3340 : vector<136x128xf32>
    %get3A_3342 = arith.constant 0 : index
    %get3A_3343 = arith.constant 0 : index
    %get3A_3344 = arith.constant 206 : index
    %get3A_3345 = memref.load %arg3[%get3A_3342, %get3A_3343, %get3A_3344] : memref<1x1x240xf32, #tpu.memory_space<smem>>
    %mul3A_3346 = vector.broadcast %get3A_3345 : f32 to vector<136x128xf32>
    %mul3A_3347 = arith.mulf %select_n3A_3327, %mul3A_3346 : vector<136x128xf32>
    %add3A_3348 = arith.addf %add3A_3305, %mul3A_3347 : vector<136x128xf32>
    %get3A_3349 = arith.constant 0 : index
    %get3A_3350 = arith.constant 0 : index
    %get3A_3351 = arith.constant 207 : index
    %get3A_3352 = memref.load %arg3[%get3A_3349, %get3A_3350, %get3A_3351] : memref<1x1x240xf32, #tpu.memory_space<smem>>
    %mul3A_3353 = vector.broadcast %get3A_3352 : f32 to vector<136x128xf32>
    %mul3A_3354 = arith.mulf %select_n3A_3327, %mul3A_3353 : vector<136x128xf32>
    %add3A_3355 = arith.addf %add3A_3312, %mul3A_3354 : vector<136x128xf32>
    %get3A_3356 = arith.constant 0 : index
    %get3A_3357 = arith.constant 0 : index
    %get3A_3358 = arith.constant 208 : index
    %get3A_3359 = memref.load %arg3[%get3A_3356, %get3A_3357, %get3A_3358] : memref<1x1x240xf32, #tpu.memory_space<smem>>
    %mul3A_3360 = vector.broadcast %get3A_3359 : f32 to vector<136x128xf32>
    %mul3A_3361 = arith.mulf %select_n3A_3327, %mul3A_3360 : vector<136x128xf32>
    %add3A_3362 = arith.addf %add3A_3319, %mul3A_3361 : vector<136x128xf32>
    %eq3A_3363 = arith.constant 14 : i32
    %eq3A_3364 = vector.broadcast %eq3A_3363 : i32 to vector<136x128xi32>
    %eq3A_3365 = arith.cmpi eq, %select_n3A_1249, %eq3A_3364 : vector<136x128xi32>
    %jit3A_3366 = arith.constant 1.000000e+00 : f32
    %jit3A_3367 = arith.constant 0.000000e+00 : f32
    %broadcast_in_dim3A_3368 = vector.broadcast %jit3A_3366 : f32 to vector<136x128xf32>
    %broadcast_in_dim3A_3369 = vector.broadcast %jit3A_3367 : f32 to vector<136x128xf32>
    %select_n3A_3370 = arith.select %eq3A_3365, %broadcast_in_dim3A_3368, %broadcast_in_dim3A_3369 : vector<136x128xi1>, vector<136x128xf32>
    %get3A_3371 = arith.constant 0 : index
    %get3A_3372 = arith.constant 0 : index
    %get3A_3373 = arith.constant 219 : index
    %get3A_3374 = memref.load %arg3[%get3A_3371, %get3A_3372, %get3A_3373] : memref<1x1x240xf32, #tpu.memory_space<smem>>
    %mul3A_3375 = vector.broadcast %get3A_3374 : f32 to vector<136x128xf32>
    %mul3A_3376 = arith.mulf %select_n3A_3370, %mul3A_3375 : vector<136x128xf32>
    %add3A_3377 = arith.addf %add3A_3334, %mul3A_3376 : vector<136x128xf32>
    %get3A_3378 = arith.constant 0 : index
    %get3A_3379 = arith.constant 0 : index
    %get3A_3380 = arith.constant 220 : index
    %get3A_3381 = memref.load %arg3[%get3A_3378, %get3A_3379, %get3A_3380] : memref<1x1x240xf32, #tpu.memory_space<smem>>
    %mul3A_3382 = vector.broadcast %get3A_3381 : f32 to vector<136x128xf32>
    %mul3A_3383 = arith.mulf %select_n3A_3370, %mul3A_3382 : vector<136x128xf32>
    %add3A_3384 = arith.addf %add3A_3341, %mul3A_3383 : vector<136x128xf32>
    %get3A_3385 = arith.constant 0 : index
    %get3A_3386 = arith.constant 0 : index
    %get3A_3387 = arith.constant 221 : index
    %get3A_3388 = memref.load %arg3[%get3A_3385, %get3A_3386, %get3A_3387] : memref<1x1x240xf32, #tpu.memory_space<smem>>
    %mul3A_3389 = vector.broadcast %get3A_3388 : f32 to vector<136x128xf32>
    %mul3A_3390 = arith.mulf %select_n3A_3370, %mul3A_3389 : vector<136x128xf32>
    %add3A_3391 = arith.addf %add3A_3348, %mul3A_3390 : vector<136x128xf32>
    %get3A_3392 = arith.constant 0 : index
    %get3A_3393 = arith.constant 0 : index
    %get3A_3394 = arith.constant 222 : index
    %get3A_3395 = memref.load %arg3[%get3A_3392, %get3A_3393, %get3A_3394] : memref<1x1x240xf32, #tpu.memory_space<smem>>
    %mul3A_3396 = vector.broadcast %get3A_3395 : f32 to vector<136x128xf32>
    %mul3A_3397 = arith.mulf %select_n3A_3370, %mul3A_3396 : vector<136x128xf32>
    %add3A_3398 = arith.addf %add3A_3355, %mul3A_3397 : vector<136x128xf32>
    %get3A_3399 = arith.constant 0 : index
    %get3A_3400 = arith.constant 0 : index
    %get3A_3401 = arith.constant 223 : index
    %get3A_3402 = memref.load %arg3[%get3A_3399, %get3A_3400, %get3A_3401] : memref<1x1x240xf32, #tpu.memory_space<smem>>
    %mul3A_3403 = vector.broadcast %get3A_3402 : f32 to vector<136x128xf32>
    %mul3A_3404 = arith.mulf %select_n3A_3370, %mul3A_3403 : vector<136x128xf32>
    %add3A_3405 = arith.addf %add3A_3362, %mul3A_3404 : vector<136x128xf32>
    %eq3A_3406 = arith.constant 15 : i32
    %eq3A_3407 = vector.broadcast %eq3A_3406 : i32 to vector<136x128xi32>
    %eq3A_3408 = arith.cmpi eq, %select_n3A_1249, %eq3A_3407 : vector<136x128xi32>
    %jit3A_3409 = arith.constant 1.000000e+00 : f32
    %jit3A_3410 = arith.constant 0.000000e+00 : f32
    %broadcast_in_dim3A_3411 = vector.broadcast %jit3A_3409 : f32 to vector<136x128xf32>
    %broadcast_in_dim3A_3412 = vector.broadcast %jit3A_3410 : f32 to vector<136x128xf32>
    %select_n3A_3413 = arith.select %eq3A_3408, %broadcast_in_dim3A_3411, %broadcast_in_dim3A_3412 : vector<136x128xi1>, vector<136x128xf32>
    %get3A_3414 = arith.constant 0 : index
    %get3A_3415 = arith.constant 0 : index
    %get3A_3416 = arith.constant 234 : index
    %get3A_3417 = memref.load %arg3[%get3A_3414, %get3A_3415, %get3A_3416] : memref<1x1x240xf32, #tpu.memory_space<smem>>
    %mul3A_3418 = vector.broadcast %get3A_3417 : f32 to vector<136x128xf32>
    %mul3A_3419 = arith.mulf %select_n3A_3413, %mul3A_3418 : vector<136x128xf32>
    %add3A_3420 = arith.addf %add3A_3377, %mul3A_3419 : vector<136x128xf32>
    %get3A_3421 = arith.constant 0 : index
    %get3A_3422 = arith.constant 0 : index
    %get3A_3423 = arith.constant 235 : index
    %get3A_3424 = memref.load %arg3[%get3A_3421, %get3A_3422, %get3A_3423] : memref<1x1x240xf32, #tpu.memory_space<smem>>
    %mul3A_3425 = vector.broadcast %get3A_3424 : f32 to vector<136x128xf32>
    %mul3A_3426 = arith.mulf %select_n3A_3413, %mul3A_3425 : vector<136x128xf32>
    %add3A_3427 = arith.addf %add3A_3384, %mul3A_3426 : vector<136x128xf32>
    %get3A_3428 = arith.constant 0 : index
    %get3A_3429 = arith.constant 0 : index
    %get3A_3430 = arith.constant 236 : index
    %get3A_3431 = memref.load %arg3[%get3A_3428, %get3A_3429, %get3A_3430] : memref<1x1x240xf32, #tpu.memory_space<smem>>
    %mul3A_3432 = vector.broadcast %get3A_3431 : f32 to vector<136x128xf32>
    %mul3A_3433 = arith.mulf %select_n3A_3413, %mul3A_3432 : vector<136x128xf32>
    %add3A_3434 = arith.addf %add3A_3391, %mul3A_3433 : vector<136x128xf32>
    %get3A_3435 = arith.constant 0 : index
    %get3A_3436 = arith.constant 0 : index
    %get3A_3437 = arith.constant 237 : index
    %get3A_3438 = memref.load %arg3[%get3A_3435, %get3A_3436, %get3A_3437] : memref<1x1x240xf32, #tpu.memory_space<smem>>
    %mul3A_3439 = vector.broadcast %get3A_3438 : f32 to vector<136x128xf32>
    %mul3A_3440 = arith.mulf %select_n3A_3413, %mul3A_3439 : vector<136x128xf32>
    %add3A_3441 = arith.addf %add3A_3398, %mul3A_3440 : vector<136x128xf32>
    %get3A_3442 = arith.constant 0 : index
    %get3A_3443 = arith.constant 0 : index
    %get3A_3444 = arith.constant 238 : index
    %get3A_3445 = memref.load %arg3[%get3A_3442, %get3A_3443, %get3A_3444] : memref<1x1x240xf32, #tpu.memory_space<smem>>
    %mul3A_3446 = vector.broadcast %get3A_3445 : f32 to vector<136x128xf32>
    %mul3A_3447 = arith.mulf %select_n3A_3413, %mul3A_3446 : vector<136x128xf32>
    %add3A_3448 = arith.addf %add3A_3405, %mul3A_3447 : vector<136x128xf32>
    %sub3A_3449 = arith.subf %add3A_3420, %get3A_1268 : vector<136x128xf32>
    %mul3A_3450 = arith.mulf %sub3A_3449, %get3A_1278 : vector<136x128xf32>
    %get3A_3451 = arith.constant 0 : index
    %get3A_3452 = arith.constant 11 : index
    %get3A_3453 = arith.constant 0 : index
    %get3A_3454 = arith.constant 0 : index
    %get3A_3455 = vector.load %arg1[%get3A_3451, %get3A_3452, %get3A_3453, %get3A_3454] : memref<1x16x136x128xf32, #tpu.memory_space<vmem>>, vector<1x1x136x128xf32>
    %get3A_3456 = vector.shape_cast %get3A_3455 : vector<1x1x136x128xf32> to vector<136x128xf32>
    %sub3A_3457 = arith.subf %get3A_3456, %mul3A_3450 : vector<136x128xf32>
    %abs3A_3458 = math.absf %sub3A_3457 : vector<136x128xf32>
    %lt3A_3459 = arith.constant 1.000000e+00 : f32
    %lt3A_3460 = vector.broadcast %lt3A_3459 : f32 to vector<136x128xf32>
    %lt3A_3461 = arith.cmpf olt, %abs3A_3458, %lt3A_3460 : vector<136x128xf32>
    %mul3A_3462 = arith.constant 5.000000e-01 : f32
    %mul3A_3463 = vector.broadcast %mul3A_3462 : f32 to vector<136x128xf32>
    %mul3A_3464 = arith.mulf %mul3A_3463, %sub3A_3457 : vector<136x128xf32>
    %mul3A_3465 = arith.mulf %mul3A_3464, %sub3A_3457 : vector<136x128xf32>
    %sub3A_3466 = arith.constant 5.000000e-01 : f32
    %sub3A_3467 = vector.broadcast %sub3A_3466 : f32 to vector<136x128xf32>
    %sub3A_3468 = arith.subf %abs3A_3458, %sub3A_3467 : vector<136x128xf32>
    %select_n3A_3469 = arith.select %lt3A_3461, %mul3A_3465, %sub3A_3468 : vector<136x128xi1>, vector<136x128xf32>
    %add3A_3470 = arith.addf %add3A_2765, %select_n3A_3469 : vector<136x128xf32>
    %sub3A_3471 = arith.subf %add3A_3427, %get3A_1263 : vector<136x128xf32>
    %mul3A_3472 = arith.mulf %sub3A_3471, %get3A_1273 : vector<136x128xf32>
    %get3A_3473 = arith.constant 0 : index
    %get3A_3474 = arith.constant 12 : index
    %get3A_3475 = arith.constant 0 : index
    %get3A_3476 = arith.constant 0 : index
    %get3A_3477 = vector.load %arg1[%get3A_3473, %get3A_3474, %get3A_3475, %get3A_3476] : memref<1x16x136x128xf32, #tpu.memory_space<vmem>>, vector<1x1x136x128xf32>
    %get3A_3478 = vector.shape_cast %get3A_3477 : vector<1x1x136x128xf32> to vector<136x128xf32>
    %sub3A_3479 = arith.subf %get3A_3478, %mul3A_3472 : vector<136x128xf32>
    %abs3A_3480 = math.absf %sub3A_3479 : vector<136x128xf32>
    %lt3A_3481 = arith.constant 1.000000e+00 : f32
    %lt3A_3482 = vector.broadcast %lt3A_3481 : f32 to vector<136x128xf32>
    %lt3A_3483 = arith.cmpf olt, %abs3A_3480, %lt3A_3482 : vector<136x128xf32>
    %mul3A_3484 = arith.constant 5.000000e-01 : f32
    %mul3A_3485 = vector.broadcast %mul3A_3484 : f32 to vector<136x128xf32>
    %mul3A_3486 = arith.mulf %mul3A_3485, %sub3A_3479 : vector<136x128xf32>
    %mul3A_3487 = arith.mulf %mul3A_3486, %sub3A_3479 : vector<136x128xf32>
    %sub3A_3488 = arith.constant 5.000000e-01 : f32
    %sub3A_3489 = vector.broadcast %sub3A_3488 : f32 to vector<136x128xf32>
    %sub3A_3490 = arith.subf %abs3A_3480, %sub3A_3489 : vector<136x128xf32>
    %select_n3A_3491 = arith.select %lt3A_3483, %mul3A_3487, %sub3A_3490 : vector<136x128xi1>, vector<136x128xf32>
    %add3A_3492 = arith.addf %add3A_3470, %select_n3A_3491 : vector<136x128xf32>
    %sub3A_3493 = arith.subf %add3A_3434, %get3A_1268 : vector<136x128xf32>
    %mul3A_3494 = arith.mulf %sub3A_3493, %get3A_1278 : vector<136x128xf32>
    %get3A_3495 = arith.constant 0 : index
    %get3A_3496 = arith.constant 13 : index
    %get3A_3497 = arith.constant 0 : index
    %get3A_3498 = arith.constant 0 : index
    %get3A_3499 = vector.load %arg1[%get3A_3495, %get3A_3496, %get3A_3497, %get3A_3498] : memref<1x16x136x128xf32, #tpu.memory_space<vmem>>, vector<1x1x136x128xf32>
    %get3A_3500 = vector.shape_cast %get3A_3499 : vector<1x1x136x128xf32> to vector<136x128xf32>
    %sub3A_3501 = arith.subf %get3A_3500, %mul3A_3494 : vector<136x128xf32>
    %abs3A_3502 = math.absf %sub3A_3501 : vector<136x128xf32>
    %lt3A_3503 = arith.constant 1.000000e+00 : f32
    %lt3A_3504 = vector.broadcast %lt3A_3503 : f32 to vector<136x128xf32>
    %lt3A_3505 = arith.cmpf olt, %abs3A_3502, %lt3A_3504 : vector<136x128xf32>
    %mul3A_3506 = arith.constant 5.000000e-01 : f32
    %mul3A_3507 = vector.broadcast %mul3A_3506 : f32 to vector<136x128xf32>
    %mul3A_3508 = arith.mulf %mul3A_3507, %sub3A_3501 : vector<136x128xf32>
    %mul3A_3509 = arith.mulf %mul3A_3508, %sub3A_3501 : vector<136x128xf32>
    %sub3A_3510 = arith.constant 5.000000e-01 : f32
    %sub3A_3511 = vector.broadcast %sub3A_3510 : f32 to vector<136x128xf32>
    %sub3A_3512 = arith.subf %abs3A_3502, %sub3A_3511 : vector<136x128xf32>
    %select_n3A_3513 = arith.select %lt3A_3505, %mul3A_3509, %sub3A_3512 : vector<136x128xi1>, vector<136x128xf32>
    %add3A_3514 = arith.addf %add3A_3492, %select_n3A_3513 : vector<136x128xf32>
    %sub3A_3515 = arith.subf %add3A_3441, %get3A_1263 : vector<136x128xf32>
    %mul3A_3516 = arith.mulf %sub3A_3515, %get3A_1273 : vector<136x128xf32>
    %get3A_3517 = arith.constant 0 : index
    %get3A_3518 = arith.constant 14 : index
    %get3A_3519 = arith.constant 0 : index
    %get3A_3520 = arith.constant 0 : index
    %get3A_3521 = vector.load %arg1[%get3A_3517, %get3A_3518, %get3A_3519, %get3A_3520] : memref<1x16x136x128xf32, #tpu.memory_space<vmem>>, vector<1x1x136x128xf32>
    %get3A_3522 = vector.shape_cast %get3A_3521 : vector<1x1x136x128xf32> to vector<136x128xf32>
    %sub3A_3523 = arith.subf %get3A_3522, %mul3A_3516 : vector<136x128xf32>
    %abs3A_3524 = math.absf %sub3A_3523 : vector<136x128xf32>
    %lt3A_3525 = arith.constant 1.000000e+00 : f32
    %lt3A_3526 = vector.broadcast %lt3A_3525 : f32 to vector<136x128xf32>
    %lt3A_3527 = arith.cmpf olt, %abs3A_3524, %lt3A_3526 : vector<136x128xf32>
    %mul3A_3528 = arith.constant 5.000000e-01 : f32
    %mul3A_3529 = vector.broadcast %mul3A_3528 : f32 to vector<136x128xf32>
    %mul3A_3530 = arith.mulf %mul3A_3529, %sub3A_3523 : vector<136x128xf32>
    %mul3A_3531 = arith.mulf %mul3A_3530, %sub3A_3523 : vector<136x128xf32>
    %sub3A_3532 = arith.constant 5.000000e-01 : f32
    %sub3A_3533 = vector.broadcast %sub3A_3532 : f32 to vector<136x128xf32>
    %sub3A_3534 = arith.subf %abs3A_3524, %sub3A_3533 : vector<136x128xf32>
    %select_n3A_3535 = arith.select %lt3A_3527, %mul3A_3531, %sub3A_3534 : vector<136x128xi1>, vector<136x128xf32>
    %add3A_3536 = arith.addf %add3A_3514, %select_n3A_3535 : vector<136x128xf32>
    %sub3A_3537 = arith.subf %add3A_3448, %get3A_1268 : vector<136x128xf32>
    %mul3A_3538 = arith.mulf %sub3A_3537, %get3A_1278 : vector<136x128xf32>
    %get3A_3539 = arith.constant 0 : index
    %get3A_3540 = arith.constant 15 : index
    %get3A_3541 = arith.constant 0 : index
    %get3A_3542 = arith.constant 0 : index
    %get3A_3543 = vector.load %arg1[%get3A_3539, %get3A_3540, %get3A_3541, %get3A_3542] : memref<1x16x136x128xf32, #tpu.memory_space<vmem>>, vector<1x1x136x128xf32>
    %get3A_3544 = vector.shape_cast %get3A_3543 : vector<1x1x136x128xf32> to vector<136x128xf32>
    %sub3A_3545 = arith.subf %get3A_3544, %mul3A_3538 : vector<136x128xf32>
    %abs3A_3546 = math.absf %sub3A_3545 : vector<136x128xf32>
    %lt3A_3547 = arith.constant 1.000000e+00 : f32
    %lt3A_3548 = vector.broadcast %lt3A_3547 : f32 to vector<136x128xf32>
    %lt3A_3549 = arith.cmpf olt, %abs3A_3546, %lt3A_3548 : vector<136x128xf32>
    %mul3A_3550 = arith.constant 5.000000e-01 : f32
    %mul3A_3551 = vector.broadcast %mul3A_3550 : f32 to vector<136x128xf32>
    %mul3A_3552 = arith.mulf %mul3A_3551, %sub3A_3545 : vector<136x128xf32>
    %mul3A_3553 = arith.mulf %mul3A_3552, %sub3A_3545 : vector<136x128xf32>
    %sub3A_3554 = arith.constant 5.000000e-01 : f32
    %sub3A_3555 = vector.broadcast %sub3A_3554 : f32 to vector<136x128xf32>
    %sub3A_3556 = arith.subf %abs3A_3546, %sub3A_3555 : vector<136x128xf32>
    %select_n3A_3557 = arith.select %lt3A_3549, %mul3A_3553, %sub3A_3556 : vector<136x128xi1>, vector<136x128xf32>
    %add3A_3558 = arith.addf %add3A_3536, %select_n3A_3557 : vector<136x128xf32>
    %jit3A_3559 = arith.constant 0.000000e+00 : f32
    %broadcast_in_dim3A_3560 = vector.broadcast %jit3A_3559 : f32 to vector<136x128xf32>
    %select_n3A_3561 = arith.select %and3A_1253, %add3A_3558, %broadcast_in_dim3A_3560 : vector<136x128xi1>, vector<136x128xf32>
    %reduce_sum3A_3562 = vector.shape_cast %select_n3A_3561 : vector<136x128xf32> to vector<1x136x128xf32>
    %reduce_sum3A_3563 = arith.constant dense<0.000000e+00> : vector<1xf32>
    %reduce_sum3A_3564 = vector.multi_reduction <add>, %reduce_sum3A_3562, %reduce_sum3A_3563 [1, 2] : vector<1x136x128xf32> to vector<1xf32>
    %reduce_sum3A_3565 = vector.shape_cast %reduce_sum3A_3564 : vector<1xf32> to vector<1x1x1xf32>
    %reduce_sum3A_3566 = vector.extract %reduce_sum3A_3565[0, 0, 0] : f32 from vector<1x1x1xf32>
    %get3A_3567 = arith.constant 0 : index
    %get3A_3568 = arith.constant 4 : index
    %get3A_3569 = arith.constant 0 : index
    %get3A_3570 = arith.constant 0 : index
    %get3A_3571 = vector.load %arg1[%get3A_3567, %get3A_3568, %get3A_3569, %get3A_3570] : memref<1x16x136x128xf32, #tpu.memory_space<vmem>>, vector<1x1x136x128xf32>
    %get3A_3572 = vector.shape_cast %get3A_3571 : vector<1x1x136x128xf32> to vector<136x128xf32>
    %get3A_3573 = arith.constant 0 : index
    %get3A_3574 = arith.constant 5 : index
    %get3A_3575 = arith.constant 0 : index
    %get3A_3576 = arith.constant 0 : index
    %get3A_3577 = vector.load %arg1[%get3A_3573, %get3A_3574, %get3A_3575, %get3A_3576] : memref<1x16x136x128xf32, #tpu.memory_space<vmem>>, vector<1x1x136x128xf32>
    %get3A_3578 = vector.shape_cast %get3A_3577 : vector<1x1x136x128xf32> to vector<136x128xf32>
    %sub3A_3579 = arith.subf %get3A_3578, %get3A_3572 : vector<136x128xf32>
    %abs3A_3580 = math.absf %sub3A_3579 : vector<136x128xf32>
    %neg3A = arith.constant 0.000000e+00 : f32
    %neg3A_3581 = vector.broadcast %neg3A : f32 to vector<136x128xf32>
    %neg3A_3582 = arith.subf %neg3A_3581, %abs3A_3580 : vector<136x128xf32>
    %exp3A = math.exp %neg3A_3582 : vector<136x128xf32>
    %log1p3A = math.log1p %exp3A : vector<136x128xf32>
    %neg3A_3583 = arith.constant 0.000000e+00 : f32
    %neg3A_3584 = vector.broadcast %neg3A_3583 : f32 to vector<136x128xf32>
    %neg3A_3585 = arith.subf %neg3A_3584, %sub3A_3579 : vector<136x128xf32>
    %select_n3A_3586 = arith.select %and3A_1253, %neg3A_3585, %sub3A_3579 : vector<136x128xi1>, vector<136x128xf32>
    %max3A_3587 = arith.constant 0.000000e+00 : f32
    %max3A_3588 = vector.broadcast %max3A_3587 : f32 to vector<136x128xf32>
    %max3A_3589 = arith.maximumf %select_n3A_3586, %max3A_3588 : vector<136x128xf32>
    %add3A_3590 = arith.addf %max3A_3589, %log1p3A : vector<136x128xf32>
    %reduce_sum3A_3591 = vector.shape_cast %select_n3A_1258 : vector<136x128xf32> to vector<1x136x128xf32>
    %reduce_sum3A_3592 = arith.constant dense<0.000000e+00> : vector<1xf32>
    %reduce_sum3A_3593 = vector.multi_reduction <add>, %reduce_sum3A_3591, %reduce_sum3A_3592 [1, 2] : vector<1x136x128xf32> to vector<1xf32>
    %reduce_sum3A_3594 = vector.shape_cast %reduce_sum3A_3593 : vector<1xf32> to vector<1x1x1xf32>
    %reduce_sum3A_3595 = vector.extract %reduce_sum3A_3594[0, 0, 0] : f32 from vector<1x1x1xf32>
    %convert_element_type3A_3596 = arith.fptosi %reduce_sum3A_3595 : f32 to i32
    %mul3A_3597 = arith.constant 7 : i32
    %mul3A_3598 = arith.muli %mul3A_3597, %convert_element_type3A_3596 : i32
    %min3A_3599 = arith.constant 16799 : i32
    %min3A_3600 = arith.minsi %mul3A_3598, %min3A_3599 : i32
    %lt3A_3601 = arith.constant 16800 : i32
    %lt3A_3602 = vector.broadcast %lt3A_3601 : i32 to vector<136x128xi32>
    %lt3A_3603 = arith.cmpi slt, %add3A, %lt3A_3602 : vector<136x128xi32>
    %jit3A_3604 = arith.constant 0.000000e+00 : f32
    %broadcast_in_dim3A_3605 = vector.broadcast %jit3A_3604 : f32 to vector<136x128xf32>
    %select_n3A_3606 = arith.select %and3A_1253, %broadcast_in_dim3A_3605, %add3A_3590 : vector<136x128xi1>, vector<136x128xf32>
    %jit3A_3607 = arith.constant -1.000000e+00 : f32
    %broadcast_in_dim3A_3608 = vector.broadcast %jit3A_3607 : f32 to vector<136x128xf32>
    %select_n3A_3609 = arith.select %lt3A_3603, %select_n3A_3606, %broadcast_in_dim3A_3608 : vector<136x128xi1>, vector<136x128xf32>
    %bitcast_convert_type3A = tpu.bitcast %select_n3A_3609 : vector<136x128xf32> -> vector<136x128xi32>
    %scan3A = arith.constant 0 : i32
    %scan3A_3610 = arith.constant 2139095040 : i32
    %scan3A_3611 = arith.constant 0 : i32
    %scan3A_3612 = arith.constant 31 : i32
    %scan3A_3613 = arith.addi %scan3A_3611, %scan3A_3612 : i32
    %scan3A_3614 = arith.constant 1 : i32
    %scan3A_3615:2 = scf.for %scan3A_3682 = %scan3A_3611 to %scan3A_3613 step %scan3A_3614 iter_args(%scan3A_3683 = %scan3A, %scan3A_3684 = %scan3A_3610) -> (i32, i32)  : i32 {
      %sub3A_3685 = arith.subi %scan3A_3684, %scan3A_3683 : i32
      %jit3A_3686 = arith.constant 2 : i32
      %div3A_3687 = arith.divsi %sub3A_3685, %jit3A_3686 : i32
      %sign3A = arith.constant 0 : i32
      %sign3A_3688 = arith.cmpi sgt, %sub3A_3685, %sign3A : i32
      %sign3A_3689 = arith.extui %sign3A_3688 : i1 to i32
      %sign3A_3690 = arith.constant 0 : i32
      %sign3A_3691 = arith.cmpi slt, %sub3A_3685, %sign3A_3690 : i32
      %sign3A_3692 = arith.extui %sign3A_3691 : i1 to i32
      %sign3A_3693 = arith.subi %sign3A_3689, %sign3A_3692 : i32
      %sign3A_3694 = arith.constant 0 : i32
      %sign3A_3695 = arith.cmpi sgt, %jit3A_3686, %sign3A_3694 : i32
      %sign3A_3696 = arith.extui %sign3A_3695 : i1 to i32
      %sign3A_3697 = arith.constant 0 : i32
      %sign3A_3698 = arith.cmpi slt, %jit3A_3686, %sign3A_3697 : i32
      %sign3A_3699 = arith.extui %sign3A_3698 : i1 to i32
      %sign3A_3700 = arith.subi %sign3A_3696, %sign3A_3699 : i32
      %ne3A = arith.cmpi ne, %sign3A_3693, %sign3A_3700 : i32
      %rem3A = arith.remsi %sub3A_3685, %jit3A_3686 : i32
      %ne3A_3701 = arith.constant 0 : i32
      %ne3A_3702 = arith.cmpi ne, %rem3A, %ne3A_3701 : i32
      %and3A_3703 = arith.andi %ne3A, %ne3A_3702 : i1
      %sub3A_3704 = arith.constant 1 : i32
      %sub3A_3705 = arith.subi %div3A_3687, %sub3A_3704 : i32
      %select_n3A_3706 = arith.select %and3A_3703, %sub3A_3705, %div3A_3687 : i32
      %add3A_3707 = arith.addi %scan3A_3683, %select_n3A_3706 : i32
      %ge3A_3708 = vector.broadcast %add3A_3707 : i32 to vector<136x128xi32>
      %ge3A_3709 = arith.cmpi sge, %bitcast_convert_type3A, %ge3A_3708 : vector<136x128xi32>
      %jit3A_3710 = arith.constant 1 : i32
      %jit3A_3711 = arith.constant 0 : i32
      %broadcast_in_dim3A_3712 = vector.broadcast %jit3A_3710 : i32 to vector<136x128xi32>
      %broadcast_in_dim3A_3713 = vector.broadcast %jit3A_3711 : i32 to vector<136x128xi32>
      %select_n3A_3714 = arith.select %ge3A_3709, %broadcast_in_dim3A_3712, %broadcast_in_dim3A_3713 : vector<136x128xi1>, vector<136x128xi32>
      %reduce_sum3A_3715 = vector.shape_cast %select_n3A_3714 : vector<136x128xi32> to vector<1x136x128xi32>
      %reduce_sum3A_3716 = arith.constant dense<0> : vector<1xi32>
      %reduce_sum3A_3717 = vector.multi_reduction <add>, %reduce_sum3A_3715, %reduce_sum3A_3716 [1, 2] : vector<1x136x128xi32> to vector<1xi32>
      %reduce_sum3A_3718 = vector.shape_cast %reduce_sum3A_3717 : vector<1xi32> to vector<1x1x1xi32>
      %reduce_sum3A_3719 = vector.extract %reduce_sum3A_3718[0, 0, 0] : i32 from vector<1x1x1xi32>
      %ge3A_3720 = arith.cmpi sge, %reduce_sum3A_3719, %min3A_3600 : i32
      %select_n3A_3721 = arith.select %ge3A_3720, %add3A_3707, %scan3A_3683 : i32
      %select_n3A_3722 = arith.select %ge3A_3720, %scan3A_3684, %add3A_3707 : i32
      scf.yield %select_n3A_3721, %select_n3A_3722 : i32, i32
    }
    %gt3A_3616 = vector.broadcast %scan3A_3615#0 : i32 to vector<136x128xi32>
    %gt3A_3617 = arith.cmpi sgt, %bitcast_convert_type3A, %gt3A_3616 : vector<136x128xi32>
    %jit3A_3618 = arith.constant 1 : i32
    %jit3A_3619 = arith.constant 0 : i32
    %broadcast_in_dim3A_3620 = vector.broadcast %jit3A_3618 : i32 to vector<136x128xi32>
    %broadcast_in_dim3A_3621 = vector.broadcast %jit3A_3619 : i32 to vector<136x128xi32>
    %select_n3A_3622 = arith.select %gt3A_3617, %broadcast_in_dim3A_3620, %broadcast_in_dim3A_3621 : vector<136x128xi1>, vector<136x128xi32>
    %reduce_sum3A_3623 = vector.shape_cast %select_n3A_3622 : vector<136x128xi32> to vector<1x136x128xi32>
    %reduce_sum3A_3624 = arith.constant dense<0> : vector<1xi32>
    %reduce_sum3A_3625 = vector.multi_reduction <add>, %reduce_sum3A_3623, %reduce_sum3A_3624 [1, 2] : vector<1x136x128xi32> to vector<1xi32>
    %reduce_sum3A_3626 = vector.shape_cast %reduce_sum3A_3625 : vector<1xi32> to vector<1x1x1xi32>
    %reduce_sum3A_3627 = vector.extract %reduce_sum3A_3626[0, 0, 0] : i32 from vector<1x1x1xi32>
    %jit3A_3628 = arith.constant 0.000000e+00 : f32
    %broadcast_in_dim3A_3629 = vector.broadcast %jit3A_3628 : f32 to vector<136x128xf32>
    %select_n3A_3630 = arith.select %gt3A_3617, %select_n3A_3609, %broadcast_in_dim3A_3629 : vector<136x128xi1>, vector<136x128xf32>
    %reduce_sum3A_3631 = vector.shape_cast %select_n3A_3630 : vector<136x128xf32> to vector<1x136x128xf32>
    %reduce_sum3A_3632 = arith.constant dense<0.000000e+00> : vector<1xf32>
    %reduce_sum3A_3633 = vector.multi_reduction <add>, %reduce_sum3A_3631, %reduce_sum3A_3632 [1, 2] : vector<1x136x128xf32> to vector<1xf32>
    %reduce_sum3A_3634 = vector.shape_cast %reduce_sum3A_3633 : vector<1xf32> to vector<1x1x1xf32>
    %reduce_sum3A_3635 = vector.extract %reduce_sum3A_3634[0, 0, 0] : f32 from vector<1x1x1xf32>
    %eq3A_3636 = vector.broadcast %scan3A_3615#0 : i32 to vector<136x128xi32>
    %eq3A_3637 = arith.cmpi eq, %bitcast_convert_type3A, %eq3A_3636 : vector<136x128xi32>
    %jit3A_3638 = arith.constant -1.000000e+00 : f32
    %broadcast_in_dim3A_3639 = vector.broadcast %jit3A_3638 : f32 to vector<136x128xf32>
    %select_n3A_3640 = arith.select %eq3A_3637, %select_n3A_3609, %broadcast_in_dim3A_3639 : vector<136x128xi1>, vector<136x128xf32>
    %reduce_max3A_3641 = vector.shape_cast %select_n3A_3640 : vector<136x128xf32> to vector<1x136x128xf32>
    %reduce_max3A_3642 = arith.constant dense<0xFF800000> : vector<1xf32>
    %reduce_max3A_3643 = vector.multi_reduction <maximumf>, %reduce_max3A_3641, %reduce_max3A_3642 [1, 2] : vector<1x136x128xf32> to vector<1xf32>
    %reduce_max3A_3644 = vector.shape_cast %reduce_max3A_3643 : vector<1xf32> to vector<1x1x1xf32>
    %reduce_max3A_3645 = vector.extract %reduce_max3A_3644[0, 0, 0] : f32 from vector<1x1x1xf32>
    %sub3A_3646 = arith.subi %min3A_3600, %reduce_sum3A_3627 : i32
    %convert_element_type3A_3647 = arith.sitofp %sub3A_3646 : i32 to f32
    %mul3A_3648 = arith.mulf %convert_element_type3A_3647, %reduce_max3A_3645 : f32
    %add3A_3649 = arith.addf %reduce_sum3A_3635, %mul3A_3648 : f32
    %gt3A_3650 = arith.constant 0 : i32
    %gt3A_3651 = arith.cmpi sgt, %convert_element_type3A_3596, %gt3A_3650 : i32
    %jit3A_3652 = arith.constant 0.000000e+00 : f32
    %select_n3A_3653 = arith.select %gt3A_3651, %add3A_3649, %jit3A_3652 : f32
    %jit3A_3654 = arith.constant 0.000000e+00 : f32
    %broadcast_in_dim3A_3655 = vector.broadcast %jit3A_3654 : f32 to vector<136x128xf32>
    %select_n3A_3656 = arith.select %and3A_1253, %add3A_3590, %broadcast_in_dim3A_3655 : vector<136x128xi1>, vector<136x128xf32>
    %reduce_sum3A_3657 = vector.shape_cast %select_n3A_3656 : vector<136x128xf32> to vector<1x136x128xf32>
    %reduce_sum3A_3658 = arith.constant dense<0.000000e+00> : vector<1xf32>
    %reduce_sum3A_3659 = vector.multi_reduction <add>, %reduce_sum3A_3657, %reduce_sum3A_3658 [1, 2] : vector<1x136x128xf32> to vector<1xf32>
    %reduce_sum3A_3660 = vector.shape_cast %reduce_sum3A_3659 : vector<1xf32> to vector<1x1x1xf32>
    %reduce_sum3A_3661 = vector.extract %reduce_sum3A_3660[0, 0, 0] : f32 from vector<1x1x1xf32>
    %add3A_3662 = arith.addf %reduce_sum3A_3661, %select_n3A_3653 : f32
    %get3A_3663 = arith.constant 0 : index
    %get3A_3664 = memref.load %arg4[%get3A_3663] : memref<4xf32, #tpu.memory_space<smem>>
    %add3A_3665 = arith.addf %get3A_3664, %reduce_sum3A_1973 : f32
    %swap3A = arith.constant 0 : index
    %swap3A_3666 = memref.load %arg4[%swap3A] : memref<4xf32, #tpu.memory_space<smem>>
    memref.store %add3A_3665, %arg4[%swap3A] : memref<4xf32, #tpu.memory_space<smem>>
    %get3A_3667 = arith.constant 1 : index
    %get3A_3668 = memref.load %arg4[%get3A_3667] : memref<4xf32, #tpu.memory_space<smem>>
    %add3A_3669 = arith.addf %get3A_3668, %add3A_3662 : f32
    %swap3A_3670 = arith.constant 1 : index
    %swap3A_3671 = memref.load %arg4[%swap3A_3670] : memref<4xf32, #tpu.memory_space<smem>>
    memref.store %add3A_3669, %arg4[%swap3A_3670] : memref<4xf32, #tpu.memory_space<smem>>
    %get3A_3672 = arith.constant 2 : index
    %get3A_3673 = memref.load %arg4[%get3A_3672] : memref<4xf32, #tpu.memory_space<smem>>
    %add3A_3674 = arith.addf %get3A_3673, %reduce_sum3A_3566 : f32
    %swap3A_3675 = arith.constant 2 : index
    %swap3A_3676 = memref.load %arg4[%swap3A_3675] : memref<4xf32, #tpu.memory_space<smem>>
    memref.store %add3A_3674, %arg4[%swap3A_3675] : memref<4xf32, #tpu.memory_space<smem>>
    %get3A_3677 = arith.constant 3 : index
    %get3A_3678 = memref.load %arg4[%get3A_3677] : memref<4xf32, #tpu.memory_space<smem>>
    %add3A_3679 = arith.addf %get3A_3678, %reduce_sum3A_3595 : f32
    %swap3A_3680 = arith.constant 3 : index
    %swap3A_3681 = memref.load %arg4[%swap3A_3680] : memref<4xf32, #tpu.memory_space<smem>>
    memref.store %add3A_3679, %arg4[%swap3A_3680] : memref<4xf32, #tpu.memory_space<smem>>
    return
  }
  func.func @transform_0(%arg0: i32) -> (i32, i32, i32, i32) {
    %c0_i32 = arith.constant 0 : i32
    %c0_i32_0 = arith.constant 0 : i32
    %c0_i32_1 = arith.constant 0 : i32
    %c0_i32_2 = arith.constant 0 : i32
    return %arg0, %c0_i32, %c0_i32_0, %c0_i32_1 : i32, i32, i32, i32
  }
  func.func @transform_1(%arg0: i32) -> (i32, i32, i32) {
    %c0_i32 = arith.constant 0 : i32
    %c0_i32_0 = arith.constant 0 : i32
    %c0_i32_1 = arith.constant 0 : i32
    %c0_i32_2 = arith.constant 0 : i32
    return %c0_i32, %c0_i32_0, %c0_i32_1 : i32, i32, i32
  }
  func.func @transform_2(%arg0: i32) -> (i32, i32, i32) {
    %c0_i32 = arith.constant 0 : i32
    %c0_i32_0 = arith.constant 0 : i32
    %c0_i32_1 = arith.constant 0 : i32
    return %arg0, %c0_i32, %c0_i32_0 : i32, i32, i32
  }
  func.func @transform_3(%arg0: i32) -> i32 {
    %c0_i32 = arith.constant 0 : i32
    %c0_i32_0 = arith.constant 0 : i32
    return %c0_i32 : i32
  }
}

</mosaic_0001>

<sc_bundles>
// kernel: sparse-core-data-format-call.cloned.1.call-start
scs
called_computation_lowered:
.L_overlay_start_0:
0x0: {  	s1 =	sld [smem:$0x3FD9]  }
0x1: {  	s2 =	sld [smem:$0x3FFE];
	_ =	sdelay $0x1  }
0x2: {  	s3 =	srdreg.scid  }
0x3: {  	s0 =	sand.u32 $0x1, s3  }
0x4: {  	s17 =	sshll.u32 s0, $0xA;
	s1 =	sadd.s32 s2, s1  }
0x5: {  	s1 =	sadd.s32 s1, s17  }
0x6: {  	[smem:$0x3FC3] =	sst s1  }
0x7: {  	_ = 	snop  }
0x8: {  	(tm) =	ssettm $0x1  }
0x9: {  	s18 =	sld [smem:$0x3FFB];
	_ =	sdelay $0x3  }
0xa: {  	_ =	strace s18  }
0xb: {  	s1 =	sld [smem:$0x3FFC];
	_ =	sdelay $0x3  }
0xc: {  	_ =	strace s1  }
0xd: {  	s1 =	sld [smem:$0x3FFD];
	_ =	sdelay $0x3  }
0xe: {  	_ =	strace s1  }
0xf: {  	_ =	strace $0x8FFFFFFF  }
0x10: {  	s19 =	sld [smem:$0x3FDB];
	_ =	sdelay $0x1  }
0x11: {  	s20 =	simm.s32 $_scs_section_size  }
0x12: {  	s4 =	simm.s32 $_size__tile_overlayer_lowered;
	s5 =	simm.s32 $_tile_overlayer_lowered  }
0x13: {  	s23 =	simm.s32 $0x1BFF;
	s22 =	sshll.u32 s5, $0x1;
	s1 =	sadd.s32 s20, s19  }
0x14: {  	s6 =	simm.s32 $0x0;
	s21 =	sshll.u32 s4, $0x1;
	s4 =	sadd.s32 s22, s1  }
0x15: {  	[timem:s6], [sflag:s23] =	dma.local [hbm:s4], s21  }
0x16: {  	_ =	swait.ge [sflag:s23], s21  }
0x17: {  	s2 =	ssub.s32 $0x0, s21;
	[sflag:s23] =	ssyncset.done $0x0  }
0x18: {  	[sflag:s23] =	ssyncadd.s32 s2;
	_ =	sdelay $0x1  }
0x19: {  	s24 =	simm.s32 $0x1B8B  }
0x1a: {  	_ =	swait.ge [sflag:s24], $0x1  }
0x1b: {  	[sflag:s24] =	ssyncset.done $0x0  }
0x1c: {  	s26 =	simm.s32 $0x1B8E;
	s25 =	sld [smem:$0x3FFE];
	[sflag:s24] =	ssyncadd.s32 $0xFFFFFFFF  }
0x1d: {  	s27 =	simm.s32 $execute0_lowered;
	[smem:$0x3FD2] =	sst s26  }
0x1e: {  	s4 =	sshll.u32 s27, $0x1;
	_ =	strace $0x80000046;
	[dreg:$0x1] =	wrdreg $0xFFFFFFFF  }
0x1f: {  	s28 =	simm.s32 $_size_execute0_lowered;
	s1 =	sadd.s32 s1, s4;
	[dreg:$0x0] =	wrdreg $0x0  }
0x20: {  	s4 =	sshll.u32 s28, $0x1;
	[dreg:$0x2] =	wrdreg s1  }
0x21: {  	[dreg:$0x3] =	wrdreg s4  }
0x22: {  	[dreg:$0x4] =	wrdreg $0xC0  }
0x23: {  	_ =	task [dreg:s6], $0x5FFFF  }
0x24: {  	[dreg:$0x1] =	wrdreg $0xFFFFFFFF  }
0x25: {  	[dreg:$0x0] =	wrdreg $0x60  }
0x26: {  	[dreg:$0x2] =	wrdreg s25  }
0x27: {  	[dreg:$0x3] =	wrdreg $0x9  }
0x28: {  	_ =	task.clear_ibuf [dreg:s6], $0x4FFFF;
	_ =	strace $0x90000046  }
0x29: {  	s29 =	simm.s32 $0x9;
	_ =	strace $0x80000048  }
0x2a: {  	_ =	swait.ge [sflag:s29], $0x1  }
0x2b: {  	[sflag:s29] =	ssyncadd.s32 $0xFFFFFFFF  }
0x2c: {  	_ =	strace $0x90000048  }
0x2d: {  	_ =	sfence  }
0x2e: {  	s30 =	sld [smem:$0x0];
	_ =	sdelay $0x2  }
0x2f: {  	s31 =	sshll.u32 s3, $0xD;
	s3 =	sshrl.u32 s3, $0x2  }
0x30: {  	s2 =	sand.u32 $0x4000, s31;
	s1 =	sadd.s32 s3, s30  }
0x31: {  	s0 =	sor.u32 s2, s0;
	s1 =	sshll.u32 s1, $0x11  }
0x32: {  	s0 =	sor.u32 s1, s0  }
0x33: {  	s0 =	sadd.s32 $0x8F2B, s0  }
0x34: {  	[sflag:s0] =	ssyncadd.remote.s32 $0x1  }
0x35: {  	_ =	sfence.sel $0xFFFF  }
0x36: {  	[dreg:$0x0] =	wrdreg $0xFFFFFFFF;
	(pc) =	sbr.abs _section_cstart, $3  }
0x37: {  	[dreg:$0x1] =	wrdreg $0xFFFFFFFF  }
0x38: {  	_ =	task.clear_ibuf [dreg:s6], $0x2FFFF;
	_ =	strace $0x9FFFFFFF  }
0x39: {  	(tm) =	ssettm $0x7FFFFFFF  }
tec
execute0_lowered:
.L_overlay_start_1:
0x0: {  	(tag) =	ssettag $0x1  }
0x1: {  	s0 =	srdreg.scid  }
0x2: {  	s1 =	sshll.u32 s0, $0x4  }
0x3: {  	s0 =	stileid.u32;
	s1 =	sand.u32 $0x10, s1  }
0x4: {  	s6 =	rddreg [dreg:$0x0];
	s1 =	sor.u32 s0, s1  }
0x5: {  	s4 =	simm.s32 $0x1;
	s7 =	simm.s32 $0x2;
	s2 =	sshll.u32 s1, $0x1  }
0x6: {  	s14 =	simm.s32 $0x0;
	s8 =	simm.s32 $0x400;
	s3 =	ssub.s32 $0x40, s2  }
0x7: {  	s9 =	simm.s32 $0x4400;
	s10 =	simm.s32 $0x0;
	s31 =	sand.u32 $0x3E, s3  }
0x8: {  	s15 =	simm.s32 $0x0;
	s11 =	simm.s32 $0x0;
	p0 =	sne.s32 s31, $0x0  }
.Ltmp0:
0x9: {  	s3 =	sshrl.u32 s3, $0x6;
	s4 =	simm.s32 @!p0 $0x0;
	(pc) =	sbr.rel .LBB1_1-.Ltmp0, $4  }
0xa: {  	s13 =	simm.s32 $0x0;
	s1 =	rddreg [dreg:$0x1];
	s5 =	sadd.s32 s4, s3  }
0xb: {  	_ =	strace $0x80000047;
	s4 =	simm.s32 $0x1;
	s5 =	smul.u32 $0x11, s5  }
0xc: {  	s12 =	smov.u32 s2;
	s3 =	sadd.s32 $0x189DE00, s6;
	[sflag:s4] =	ssyncpa.u1 $0x0  }
0xd: {  	s6 =	sadd.s32 $0x1600, s6;
	[sflag:s7] =	ssyncpa.u1 $0x0;
	s7 =	sadd.s32 $0x1, s5  }
.LBB1_9:
0xe: {  	s16 =	sadd.s32 $0x8, s11  }
0xf: {  	s14 =	sadd.s32 $0x40, s12;
	s18 =	smov.u32 s12;
	p1 =	sgt.s32 s16, $0x87  }
0x10: {  	s18 =	smov.u32 @p1 s14  }
0x11: {  	s16 =	simm.s32 @p1 $0x0;
	p1 =	sgt.s32 s18, $0x3F  }
0x12: {  	s18 =	smov.u32 @p1 s2;
	p1 =	sne.s32 s13, s7  }
.Ltmp1:
0x13: {  	p0 =	slt.u32 s13, $0x2;
	(pc) =	sbr.rel @!p1 .LBB1_10-.Ltmp1, $4  }
0x14: {  	s17 =	simm.s32 @!p0 $0x2  }
0x15: {  	s15 =	smov.u32 s12;
	s10 =	sadd.s32 $0x4000, s10;
	_ =	swait.ge @!p0 [sflag:s17], $0x4000  }
0x16: {  	s14 =	smov.u32 s11;
	[sflag:s17] =	ssyncset.done @!p0 $0x0;
	s11 =	smov.u32 s16  }
0x17: {  	s13 =	sadd.s32 $0x1, s13;
	[sflag:s17] =	ssyncadd.s32 @!p0 $0xFFFFC000;
	s12 =	smov.u32 s18  }
.LBB1_1:
0x18: {  	p0 =	sge.u32 s13, s5  }
0x19: {  	s17 =	smul.u32 @!p0 $0x4400, s12  }
0x1a: {  	s31 =	sadd.s32 $0xFFFFFFFF, s13;
	s16 =	sxor.u32 @!p0 $0xFFFFFFFF, s13;
	s18 =	sshll.u32 @!p0 s11, $0x7  }
0x1b: {  	s19 =	simm.s32 @!p0 $0x22000;
	s16 =	sshll.u32 @!p0 s16, $0xE;
	s17 =	sadd.s32 @!p0 s3, s17  }
0x1c: {  	s16 =	sand.u32 @!p0 $0x4000, s16;
	s17 =	sadd.s32 @!p0 s18, s17;
	s18 =	simm.s32 @!p0 $0x2000  }
0x1d: {  	[tilespmem:s16], [sflag:$0x1] =	stream.strided.gather @!p0 [hbm4b:s17+s18], $0x4000, s19, s18, $0x38;
	[tilespmem:$0x10000] =	vst v63  }
0x1e: {  	p0 =	sge.u32 s31, s5  }
.Ltmp2:
0x1f: {  	_ = 	snop;
	(pc) =	sbr.rel @p0 .LBB1_9-.Ltmp2, $1  }
0x20: {  	_ =	sdelay $0x3  }
0x21: {  	s16 =	sshll.u32 s10, $0x2  }
0x22: {  	_ =	swait.ge [sflag:s4], $0x4000;
	s17 =	sshll.u32 s13, $0xE;
	s19 =	simm.s32 $0x0  }
0x23: {  	p1 =	por $0x1, $0x1;
	s16 =	sand.u32 $0x10000, s16;
	[sflag:s4] =	ssyncset.done $0x0  }
0x24: {  	s17 =	sand.u32 $0x4000, s17;
	s18 =	sshrl.u32 s16, $0x2;
	[sflag:s4] =	ssyncadd.s32 $0xFFFFC000  }
0x25: {  	s16 =	sor.u32 $0x8000, s17;
	s17 =	sadd.s32 $0x8040, s18;
	s18 =	sadd.s32 $0x40, s18  }
.LBB1_3:
0x26: {  	s19 =	sshll.u32 s19, $0x2  }
0x27: {  	p0 =	por p1, p1;
	s20 =	sshra.s32 s19, $0x2  }
0x28: {  	s21 =	simm.s32 $0x0;
	s19 =	sadd.s32 s20, s17;
	s20 =	sadd.s32 s20, s18  }
.LBB1_4:
0x29: {  	v0 =	vmov s20;
	_ =	sdelay $0x3  }
0x2a: {  	s23 =	simm.s32 $0x0  }
0x2b: {  	v6 =	vld.idx.msk [tilespmem:v0+s23+$0x30 ss:$0x1], $0xffff  }
0x2c: {  	v7 =	vld.idx.msk [tilespmem:v0+s23+$0xFFFFFFC0 ss:$0x1], $0xffff  }
0x2d: {  	v5 =	vld.idx.msk [tilespmem:v0+s23+$0xFFFFFFD0 ss:$0x1], $0xffff  }
0x2e: {  	v4 =	vld.idx.msk [tilespmem:v0+s23+$0xFFFFFFE0 ss:$0x1], $0xffff  }
0x2f: {  	v3 =	vld.idx.msk [tilespmem:v0+s23+$0xFFFFFFF0 ss:$0x1], $0xffff  }
0x30: {  	v1 =	vld.idx.msk [tilespmem:v0+s23+$0x0 ss:$0x1], $0xffff  }
0x31: {  	v2 =	vld.idx.msk [tilespmem:v0+s23+$0x10 ss:$0x1], $0xffff;
	[tilespmem:s19+$0x30] =	vst v6  }
0x32: {  	s22 =	simm.s32 $0x80;
	s24 =	simm.s32 $0x400;
	[tilespmem:s19+$0xFFFFFFC0] =	vst v7;
	v6 =	vld.idx.msk [tilespmem:v0+s23+$0x20 ss:$0x1], $0xffff;
	s23 =	smov.u32 s19  }
.LBB1_5:
0x33: {  	p1 =	sne.s32 s24, $0xE00;
	v7 =	vld.idx.msk [tilespmem:v0+s22+$0x30 ss:$0x1], $0xffff;
	[tilespmem:s23+$0xFFFFFFD0] =	vst v5  }
0x34: {  	v8 =	vld.idx.msk [tilespmem:v0+s22+$0xFFFFFFC0 ss:$0x1], $0xffff;
	[tilespmem:s23+$0xFFFFFFE0] =	vst v4  }
0x35: {  	v5 =	vld.idx.msk [tilespmem:v0+s22+$0xFFFFFFD0 ss:$0x1], $0xffff;
	[tilespmem:s23+$0xFFFFFFF0] =	vst v3  }
.Ltmp3:
0x36: {  	v4 =	vld.idx.msk [tilespmem:v0+s22+$0xFFFFFFE0 ss:$0x1], $0xffff;
	[tilespmem:s23+$0x0] =	vst v1;
	(pc) =	sbr.rel @p1 .LBB1_5-.Ltmp3, $4  }
0x37: {  	v3 =	vld.idx.msk [tilespmem:v0+s22+$0xFFFFFFF0 ss:$0x1], $0xffff;
	[tilespmem:s23+$0x10] =	vst v2  }
0x38: {  	v1 =	vld.idx.msk [tilespmem:v0+s22+$0x0 ss:$0x1], $0xffff;
	[tilespmem:s23+$0x20] =	vst v6;
	s23 =	sadd.s32 $0x400, s23  }
0x39: {  	v2 =	vld.idx.msk [tilespmem:v0+s22+$0x10 ss:$0x1], $0xffff;
	[tilespmem:s23+$0x30] =	vst v7  }
0x3a: {  	[tilespmem:s23+$0xFFFFFFC0] =	vst v8;
	v6 =	vld.idx.msk [tilespmem:v0+s22+$0x20 ss:$0x1], $0xffff;
	s22 =	sshra.s32 s24, $0x2;
	s24 =	sadd.s32 $0x200, s24  }
0x3b: {  	_ =	sdelay $0x2  }
0x3c: {  	[tilespmem:s23+$0xFFFFFFD0] =	vst v5  }
0x3d: {  	v56 =	vld.idx.msk [tilespmem:v0+s22+$0x30 ss:$0x1], $0xffff;
	[tilespmem:s23+$0xFFFFFFE0] =	vst v4  }
0x3e: {  	v57 =	vld.idx.msk [tilespmem:v0+s22+$0xFFFFFFC0 ss:$0x1], $0xffff;
	[tilespmem:s23+$0xFFFFFFF0] =	vst v3  }
0x3f: {  	v58 =	vld.idx.msk [tilespmem:v0+s22+$0xFFFFFFD0 ss:$0x1], $0xffff;
	[tilespmem:s23+$0x0] =	vst v1  }
0x40: {  	v59 =	vld.idx.msk [tilespmem:v0+s22+$0xFFFFFFE0 ss:$0x1], $0xffff;
	[tilespmem:s23+$0x10] =	vst v2  }
0x41: {  	v60 =	vld.idx.msk [tilespmem:v0+s22+$0xFFFFFFF0 ss:$0x1], $0xffff;
	s31 =	sadd.s32 $0x400, s23;
	[tilespmem:s23+$0x20] =	vst v6  }
0x42: {  	v61 =	vld.idx.msk [tilespmem:v0+s22+$0x0 ss:$0x1], $0xffff;
	[tilespmem:s31+$0x30] =	vst v56  }
0x43: {  	v62 =	vld.idx.msk [tilespmem:v0+s22+$0x10 ss:$0x1], $0xffff;
	s21 =	sadd.s32 $0x1, s21;
	[tilespmem:s31+$0xFFFFFFC0] =	vst v57  }
0x44: {  	v63 =	vld.idx.msk [tilespmem:v0+s22+$0x20 ss:$0x1], $0xffff;
	p1 =	sne.s32 s21, $0x8;
	[tilespmem:s31+$0xFFFFFFD0] =	vst v58  }
.Ltmp4:
0x45: {  	[tilespmem:s31+$0xFFFFFFE0] =	vst v59;
	(pc) =	sbr.rel @p1 .LBB1_4-.Ltmp4, $4  }
0x46: {  	[tilespmem:s31+$0xFFFFFFF0] =	vst v60  }
0x47: {  	[tilespmem:s31+$0x0] =	vst v61  }
0x48: {  	[tilespmem:s31+$0x10] =	vst v62  }
0x49: {  	s19 =	sadd.s32 $0x80, s19;
	s20 =	sadd.s32 $0x400, s20;
	[tilespmem:s31+$0x20] =	vst v63  }
.Ltmp5:
0x4a: {  	(pc) =	sbr.rel @p0 .LBB1_3-.Ltmp5, $2  }
0x4b: {  	_ =	sdelay $0x2  }
0x4c: {  	s19 =	simm.s32 $0x2000;
	p1 =	por $0x0, $0x0  }
0x4d: {  	s14 =	sand.u32 $0x1FFFFFF, s14  }
0x4e: {  	s17 =	smulhi.u32 $0x1E1E1E2, s14  }
0x4f: {  	s15 =	smul.u32 $0x4400, s15  }
0x50: {  	s17 =	smul.u32 $0x88, s17  }
.Ltmp6:
0x51: {  	_ = 	snop;
	(pc) =	sbr.rel .LBB1_9-.Ltmp6, $4  }
0x52: {  	s14 =	ssub.s32 s14, s17  }
0x53: {  	s15 =	sadd.s32 s6, s15;
	s14 =	sshll.u32 s14, $0x4  }
0x54: {  	s14 =	sadd.s32 s14, s15  }
0x55: {  	[hbm4b:s14+s8] =	stream.strided.scatter [tilespmem:s16], [sflag:$0x2], $0x4000, s9, s8, $0x38;
	[tilespmem:$0x10000] =	vst v63  }
.LBB1_10:
0x56: {  	_ =	sfence.sel $0x180000  }
0x57: {  	s2 =	simm.s32 $0x1;
	[bflag:$0x0] =	sbarrier.arrive $0xFFFF  }
0x58: {  	s31 =	simm.s32 $0x2;
	[sflag:s2] =	ssyncpa.u1 $0x1  }
0x59: {  	[sflag:s31] =	ssyncpa.u1 $0x1  }
0x5a: {  	p0 =	sne.s32 s0, $0x0;
	_ =	strace $0x90000047  }
0x5b: {  	s0 =	sadd.s32 @!p0 $0x100000, s1;
	[bflag:$0x2] =	sbarrier.arrive $0xFFFF  }
0x5c: {  	[sflag:s0] =	ssyncadd.tile.s32 @!p0 $0x1;
	_ =	shalt  }
.Lfunc_end1:
_tile_overlayer_lowered:
.L_overlay_start_2:
0x5d: {  	(tag) =	ssettag $0x2  }
0x5e: {  	s0 =	rddreg [dreg:$0x0];
	s2 =	stileid.u32  }
0x5f: {  	s1 =	rddreg [dreg:$0x1];
	p0 =	sne.s32 s2, $0x0  }
0x60: {  	s3 =	rddreg [dreg:$0x2];
	[bflag:$0x3] =	sbarrier.arrive $0xFFFF;
	s2 =	simm.s32 @!p0 $0x1C01  }
0x61: {  	[timem:s3], [sflag:s2] =	dma.local @!p0 [hbm:s0], s1  }
0x62: {  	s0 =	simm.s32 @!p0 $0x1  }
0x63: {  	_ =	swait.ge @!p0 [sflag:s0], s1  }
0x64: {  	s1 =	ssub.s32 @!p0 $0x0, s1;
	[sflag:s0] =	ssyncset.done @!p0 $0x0  }
0x65: {  	[sflag:s0] =	ssyncadd.s32 @!p0 s1  }
0x66: {  	[bflag:$0x3] =	sbarrier.arrive $0xFFFF  }
0x67: {  	_ =	shalt  }

</sc_bundles>
